<compile_context>
chip_gen: v7x
topology: tpu7x:2x2x1
jax: 0.10.2.dev20260603
libtpu: 0.0.44.dev20260713+nightly
codegen_flags: <defaults>
</compile_context>

<pallas_src>
import functools

import jax
import jax.numpy as jnp
from jax import lax
from jax.experimental import pallas as pl
from jax.experimental.pallas import tpu as pltpu
from jax.experimental.pallas import tpu_sc as plsc

N_NODES = 10000
N_EDGES = 320000
NUM_GRAPHS = 16

NC = 2
NS = 16
NW = NC * NS
CHUNK = 128
CPW = 80
E_PAD = CPW * NW * CHUNK
N_CHUNK_ROWS = E_PAD // CHUNK
CPW1 = E_PAD // (NS * CHUNK)
ACC_ROWS = 10240
DUMMY = N_NODES
ZPT = ACC_ROWS // NS // CHUNK
OPT = ACC_ROWS // NS


def _pipelined_edge_loop(n_chunks, h_hbm, srcv, dstv, rows0, rows1, acc,
                         g0, g1, s0, s1):
  pltpu.async_copy(h_hbm.at[srcv.at[0]], rows0, g0)

  def step(k, first):
    kn = jnp.minimum(k + 1, n_chunks - 1)
    kn2 = jnp.minimum(k + 2, n_chunks - 1)
    pltpu.make_async_copy(h_hbm.at[srcv.at[k]], rows0, g0).wait()
    if not first:
      pltpu.make_async_copy(rows1, acc.at[dstv.at[k - 1]], s1).wait()
    pltpu.async_copy(h_hbm.at[srcv.at[kn]], rows1, g1)
    pltpu.async_copy(rows0, acc.at[dstv.at[k]], s0, add=True)
    pltpu.make_async_copy(h_hbm.at[srcv.at[kn]], rows1, g1).wait()
    pltpu.make_async_copy(rows0, acc.at[dstv.at[k]], s0).wait()
    pltpu.async_copy(h_hbm.at[srcv.at[kn2]], rows0, g0)
    pltpu.async_copy(rows1, acc.at[dstv.at[kn]], s1, add=True)

  step(0, True)

  def body(m, carry):
    step(m * 2, False)
    return carry

  lax.fori_loop(1, n_chunks // 2, body, 0)
  pltpu.make_async_copy(h_hbm.at[srcv.at[n_chunks - 1]], rows0, g0).wait()
  pltpu.make_async_copy(rows1, acc.at[dstv.at[n_chunks - 1]], s1).wait()


def _sc_msg_split():
  mesh = plsc.VectorSubcoreMesh(core_axis_name="c", subcore_axis_name="s")

  @functools.partial(
      pl.kernel,
      out_type=jax.ShapeDtypeStruct((2 * ACC_ROWS, 64), jnp.float32),
      mesh=mesh,
      compiler_params=pltpu.CompilerParams(use_tc_tiling_on_sc=False),
      scratch_types=[
          pltpu.VMEM((CPW1, CHUNK), jnp.int32),
          pltpu.VMEM((CPW1, CHUNK), jnp.int32),
          pltpu.VMEM((CHUNK, 64), jnp.float32),
          pltpu.VMEM((CHUNK, 64), jnp.float32),
          pltpu.VMEM((CHUNK, 64), jnp.float32),
          pltpu.VMEM_SHARED((ACC_ROWS, 64), jnp.float32),
          pltpu.SemaphoreType.DMA,
          pltpu.SemaphoreType.DMA,
          pltpu.SemaphoreType.DMA,
          pltpu.SemaphoreType.DMA,
      ],
  )
  def msg(h_hbm, src_hbm, dst_hbm, z_hbm, out_hbm, srcv, dstv, zv, rows0,
          rows1, acc, g0, g1, s0, s1):
    c = lax.axis_index("c")
    s = lax.axis_index("s")
    pltpu.sync_copy(z_hbm, zv)
    for j in range(ZPT):
      pltpu.sync_copy(zv, acc.at[pl.ds(s * (ZPT * CHUNK) + j * CHUNK, CHUNK)])
    pltpu.sync_copy(src_hbm.at[pl.ds(c * N_CHUNK_ROWS + s * CPW1, CPW1)], srcv)
    pltpu.sync_copy(dst_hbm.at[pl.ds(s * CPW1, CPW1)], dstv)
    plsc.subcore_barrier()
    _pipelined_edge_loop(CPW1, h_hbm, srcv, dstv, rows0, rows1, acc, g0, g1, s0, s1)
    plsc.subcore_barrier()
    pltpu.sync_copy(acc.at[pl.ds(s * OPT, OPT)],
                    out_hbm.at[pl.ds(c * ACC_ROWS + s * OPT, OPT)])

  return msg


def _sc_msg_call(F):
  mesh = plsc.VectorSubcoreMesh(core_axis_name="c", subcore_axis_name="s")

  @functools.partial(
      pl.kernel,
      out_type=jax.ShapeDtypeStruct((2 * ACC_ROWS, F), jnp.float32),
      mesh=mesh,
      compiler_params=pltpu.CompilerParams(use_tc_tiling_on_sc=False),
      scratch_types=[
          pltpu.VMEM((CPW, CHUNK), jnp.int32),
          pltpu.VMEM((CPW, CHUNK), jnp.int32),
          pltpu.VMEM((CHUNK, F), jnp.float32),
          pltpu.VMEM((CHUNK, F), jnp.float32),
          pltpu.VMEM((CHUNK, F), jnp.float32),
          pltpu.VMEM_SHARED((ACC_ROWS, F), jnp.float32),
          pltpu.SemaphoreType.DMA,
          pltpu.SemaphoreType.DMA,
          pltpu.SemaphoreType.DMA,
          pltpu.SemaphoreType.DMA,
      ],
  )
  def msg(h_hbm, src_hbm, dst_hbm, z_hbm, out_hbm, srcv, dstv, zv, rows0,
          rows1, acc, g0, g1, s0, s1):
    c = lax.axis_index("c")
    s = lax.axis_index("s")
    w = c * NS + s
    pltpu.sync_copy(z_hbm, zv)
    for j in range(ZPT):
      pltpu.sync_copy(zv, acc.at[pl.ds(s * (ZPT * CHUNK) + j * CHUNK, CHUNK)])
    pltpu.sync_copy(src_hbm.at[pl.ds(w * CPW, CPW)], srcv)
    pltpu.sync_copy(dst_hbm.at[pl.ds(w * CPW, CPW)], dstv)
    plsc.subcore_barrier()
    _pipelined_edge_loop(CPW, h_hbm, srcv, dstv, rows0, rows1, acc, g0, g1, s0, s1)
    plsc.subcore_barrier()
    pltpu.sync_copy(acc.at[pl.ds(s * OPT, OPT)],
                    out_hbm.at[pl.ds(c * ACC_ROWS + s * OPT, OPT)])

  return msg


def _sc_deg_call():
  mesh = plsc.VectorSubcoreMesh(core_axis_name="c", subcore_axis_name="s")

  @functools.partial(
      pl.kernel,
      out_type=jax.ShapeDtypeStruct((2 * ACC_ROWS, 16), jnp.float32),
      mesh=mesh,
      compiler_params=pltpu.CompilerParams(use_tc_tiling_on_sc=False),
      scratch_types=[
          pltpu.VMEM((CPW, CHUNK), jnp.int32),
          pltpu.VMEM((CHUNK, 16), jnp.float32),
          pltpu.VMEM((CHUNK, 16), jnp.float32),
          pltpu.VMEM_SHARED((ACC_ROWS, 16), jnp.float32),
      ],
  )
  def deg(dst_hbm, ones_hbm, z_hbm, out_hbm, dstv, onesv, zv, acc):
    c = lax.axis_index("c")
    s = lax.axis_index("s")
    w = c * NS + s
    pltpu.sync_copy(z_hbm, zv)
    for j in range(ZPT):
      pltpu.sync_copy(zv, acc.at[pl.ds(s * (ZPT * CHUNK) + j * CHUNK, CHUNK)])
    pltpu.sync_copy(ones_hbm, onesv)
    pltpu.sync_copy(dst_hbm.at[pl.ds(w * CPW, CPW)], dstv)
    plsc.subcore_barrier()

    def body(k, carry):
      pltpu.sync_copy(onesv, acc.at[dstv.at[k]], add=True)
      return carry

    lax.fori_loop(0, CPW, body, 0)
    plsc.subcore_barrier()
    pltpu.sync_copy(acc.at[pl.ds(s * OPT, OPT)],
                    out_hbm.at[pl.ds(c * ACC_ROWS + s * OPT, OPT)])

  return deg


def _tc_first(degp, x, W1):

  def body(degp_ref, x_ref, w_ref, dinv_ref, h_ref):
    p0 = degp_ref[pl.ds(0, N_NODES), :]
    p1 = degp_ref[pl.ds(ACC_ROWS, N_NODES), :]
    deg = 1.0 + p0[:, 0:1] + p1[:, 0:1]
    dinv = 1.0 / jnp.sqrt(deg)
    dinv_ref[...] = dinv
    h = jnp.dot(x_ref[...], w_ref[...], preferred_element_type=jnp.float32)
    h = h * dinv
    h_ref[pl.ds(0, N_NODES), :] = h[:, 0:64]
    h_ref[pl.ds(N_NODES, N_NODES), :] = h[:, 64:128]

  return pl.pallas_call(
      body,
      out_shape=(jax.ShapeDtypeStruct((N_NODES, 1), jnp.float32),
                 jax.ShapeDtypeStruct((2 * N_NODES, 64), jnp.float32)),
  )(degp, x, W1)


def _tc_second(msgp, hsplit, dinv, b, W):
  Fin, Fout = W.shape

  def body(p_ref, hs_ref, dinv_ref, b_ref, w_ref, o_ref):
    dv = dinv_ref[...]
    lo = p_ref[pl.ds(0, N_NODES), :] + hs_ref[pl.ds(0, N_NODES), :]
    hi = (p_ref[pl.ds(ACC_ROWS, N_NODES), :]
          + hs_ref[pl.ds(N_NODES, N_NODES), :])
    tot = jnp.concatenate([lo, hi], axis=1)
    u = jnp.maximum(tot * dv + b_ref[...], 0.0)
    o_ref[...] = jnp.dot(u, w_ref[...],
                         preferred_element_type=jnp.float32) * dv

  return pl.pallas_call(
      body,
      out_shape=jax.ShapeDtypeStruct((N_NODES, Fout), jnp.float32),
  )(msgp, hsplit, dinv, b.reshape(1, Fin), W)


def _tc_mid(msgp, hs, dinv, b, W):
  Fin, Fout = W.shape

  def body(p_ref, hs_ref, dinv_ref, b_ref, w_ref, o_ref):
    dv = dinv_ref[...]
    tot = (p_ref[pl.ds(0, N_NODES), :] + p_ref[pl.ds(ACC_ROWS, N_NODES), :]
           + hs_ref[...])
    u = jnp.maximum(tot * dv + b_ref[...], 0.0)
    o_ref[...] = jnp.dot(u, w_ref[...],
                         preferred_element_type=jnp.float32) * dv

  return pl.pallas_call(
      body,
      out_shape=jax.ShapeDtypeStruct((N_NODES, Fout), jnp.float32),
  )(msgp, hs, dinv, b.reshape(1, Fin), W)


def _tc_final(msgp, hs, dinv, b, batch, Wl, bl):
  F = hs.shape[1]

  def body(p_ref, hs_ref, dinv_ref, b_ref, batch_ref, wl_ref, bl_ref, o_ref):
    tot = (p_ref[pl.ds(0, N_NODES), :] + p_ref[pl.ds(ACC_ROWS, N_NODES), :]
           + hs_ref[...])
    h = jnp.maximum(tot * dinv_ref[...] + b_ref[...], 0.0)
    batch_col = batch_ref[...]
    rows = []
    for g in range(NUM_GRAPHS):
      mask = batch_col == g
      s = jnp.sum(jnp.where(mask, h, 0.0), axis=0, keepdims=True)
      cnt = jnp.sum(jnp.where(mask, 1.0, 0.0), axis=0, keepdims=True)[:, 0:1]
      rows.append(s / jnp.maximum(cnt, 1.0))
    pooled = jnp.concatenate(rows, axis=0)
    o_ref[...] = jnp.dot(pooled, wl_ref[...],
                         preferred_element_type=jnp.float32) + bl_ref[...]

  return pl.pallas_call(
      body,
      out_shape=jax.ShapeDtypeStruct((NUM_GRAPHS, 1), jnp.float32),
  )(msgp, hs, dinv, b.reshape(1, F), batch.astype(jnp.int32)[:, None],
    Wl, bl.reshape(1, 1))


def kernel(x, edge_index, batch, W1, b1, W2, b2, W3, b3, Wl, bl):
  src = edge_index[0].astype(jnp.int32)
  dst = edge_index[1].astype(jnp.int32)
  pad = E_PAD - N_EDGES
  src_flat = jnp.concatenate([src, jnp.zeros((pad,), jnp.int32)])
  src2 = src_flat.reshape(N_CHUNK_ROWS, CHUNK)
  src_stacked = jnp.concatenate([src2, src2 + N_NODES], axis=0)
  dst2 = jnp.concatenate([dst, jnp.full((pad,), DUMMY, jnp.int32)])
  dst2 = dst2.reshape(N_CHUNK_ROWS, CHUNK)
  ones16 = jnp.ones((CHUNK, 16), jnp.float32)
  z16 = jnp.zeros((CHUNK, 16), jnp.float32)

  degp = _sc_deg_call()(dst2, ones16, z16)
  dinv, h1split = _tc_first(degp, x, W1)

  p1 = _sc_msg_split()(h1split, src_stacked, dst2,
                       jnp.zeros((CHUNK, 64), jnp.float32))
  h2s = _tc_second(p1, h1split, dinv, b1, W2)

  p2 = _sc_msg_call(64)(h2s, src2, dst2, jnp.zeros((CHUNK, 64), jnp.float32))
  h3s = _tc_mid(p2, h2s, dinv, b2, W3)

  p3 = _sc_msg_call(32)(h3s, src2, dst2, jnp.zeros((CHUNK, 32), jnp.float32))
  return _tc_final(p3, h3s, dinv, b3, batch, Wl, bl)

# --- scband reference (transcript-rebuilt; emitter-appended) ---
"""Pipeline reference for scband-simple-gnn-63565515981353 (READ-ONLY COPY).

The authoritative reference and input builder live on the scoring server;
editing this copy changes nothing except your own understanding.
"""

import jax, jax.numpy as jnp
import numpy as np

N_NODES = 10000
N_EDGES = 320000
NUM_GRAPHS = 16


def setup_inputs(seed: int = 0) -> dict:
    key = jax.random.key(seed)
    ks = jax.random.split(key, 12)
    x = jax.random.normal(ks[0], (N_NODES, 128), dtype=jnp.float32)
    edge_index = jax.random.randint(ks[1], (2, N_EDGES), 0, N_NODES, dtype=jnp.int64)
    batch = jnp.sort(jax.random.randint(ks[2], (N_NODES,), 0, NUM_GRAPHS, dtype=jnp.int64))
    W1 = jax.random.normal(ks[3], (128, 128), dtype=jnp.float32) * 0.05
    b1 = jnp.zeros((128,), dtype=jnp.float32)
    W2 = jax.random.normal(ks[4], (128, 64), dtype=jnp.float32) * 0.05
    b2 = jnp.zeros((64,), dtype=jnp.float32)
    W3 = jax.random.normal(ks[5], (64, 32), dtype=jnp.float32) * 0.05
    b3 = jnp.zeros((32,), dtype=jnp.float32)
    Wl = jax.random.normal(ks[6], (32, 1), dtype=jnp.float32) * 0.05
    bl = jnp.zeros((1,), dtype=jnp.float32)
    return {"x": x, "edge_index": edge_index, "batch": batch,
            "W1": W1, "b1": b1, "W2": W2, "b2": b2, "W3": W3, "b3": b3,
            "Wl": Wl, "bl": bl}


def gcn_conv(x, edge_index, W, b, n_nodes):
    # GCNConv: x' = D^{-1/2}(A+I)D^{-1/2} (x W) + b
    loops = jnp.arange(n_nodes, dtype=edge_index.dtype)
    src = jnp.concatenate([edge_index[0], loops])
    dst = jnp.concatenate([edge_index[1], loops])
    deg = jax.ops.segment_sum(jnp.ones_like(dst, dtype=x.dtype), dst, num_segments=n_nodes)
    dinv = jnp.where(deg > 0, 1.0 / jnp.sqrt(deg), 0.0)
    norm = dinv[src] * dinv[dst]
    h = x @ W
    msgs = jnp.take(h, src, axis=0) * norm[:, None]
    out = jax.ops.segment_sum(msgs, dst, num_segments=n_nodes)
    return out + b


def reference(x, edge_index, batch, W1, b1, W2, b2, W3, b3, Wl, bl):
    n = x.shape[0]
    h = jax.nn.relu(gcn_conv(x, edge_index, W1, b1, n))
    # dropout is identity in eval mode
    h = jax.nn.relu(gcn_conv(h, edge_index, W2, b2, n))
    h = jax.nn.relu(gcn_conv(h, edge_index, W3, b3, n))
    sums = jax.ops.segment_sum(h, batch, num_segments=NUM_GRAPHS)
    counts = jax.ops.segment_sum(jnp.ones((n,), h.dtype), batch, num_segments=NUM_GRAPHS)
    pooled = sums / jnp.maximum(counts, 1.0)[:, None]
    return pooled @ Wl + bl

if __name__ == "__main__":
    import jax
    _d = setup_inputs()
    print(jax.jit(kernel)(*tuple(_d.values())))

</pallas_src>

<mosaic_0001>
#map = affine_map<(d0, d1) -> (0, 0)>
module attributes {stable_mosaic.version = 14 : i64} {
  func.func @deg(%arg0: i32, %arg1: i32, %arg2: memref<2560x128xi32, #tpu.memory_space<hbm>>, %arg3: memref<128x16xf32, #tpu.memory_space<hbm>>, %arg4: memref<128x16xf32, #tpu.memory_space<hbm>>, %arg5: memref<20480x16xf32, #tpu.memory_space<hbm>>, %arg6: memref<80x128xi32, #tpu.memory_space<vmem>>, %arg7: memref<128x16xf32, #tpu.memory_space<vmem>>, %arg8: memref<128x16xf32, #tpu.memory_space<vmem>>, %arg9: memref<10240x16xf32, #tpu.memory_space<vmem_shared>>) attributes {dimension_semantics = [#tpu.dimension_semantics<core_parallel>, #tpu.dimension_semantics<subcore_parallel>], iteration_bounds = array<i64: 2, 16>, scalar_prefetch = 0 : i64, scratch_operands = 4 : i64, tpu.core_type = #tpu.core_type<sc_vector_subcore>, window_params = [{transform_indices = #map}, {transform_indices = #map}, {transform_indices = #map}, {transform_indices = #map}]} {
    %mul3A = arith.constant 16 : i32
    %mul3A_0 = arith.muli %arg0, %mul3A : i32
    %add3A = arith.addi %mul3A_0, %arg1 : i32
    "tpu.region"() ({
      %run_scoped3A = tpu.sem_alloc : memref<!tpu.dma_semaphore, #tpu.memory_space<semaphore_mem>>
      tpu.enqueue_dma source(%arg4 : memref<128x16xf32, #tpu.memory_space<hbm>>) target(%arg8 : memref<128x16xf32, #tpu.memory_space<vmem>>) target_semaphore(%run_scoped3A : memref<!tpu.dma_semaphore, #tpu.memory_space<semaphore_mem>>)
      tpu.wait_dma2 semaphore(%run_scoped3A : memref<!tpu.dma_semaphore, #tpu.memory_space<semaphore_mem>>) src(%arg4 : memref<128x16xf32, #tpu.memory_space<hbm>>) dst(%arg8 : memref<128x16xf32, #tpu.memory_space<vmem>>)
      tpu.yield
    }) : () -> ()
    %mul3A_1 = arith.constant 640 : i32
    %mul3A_2 = arith.muli %arg1, %mul3A_1 : i32
    %add3A_3 = arith.constant 0 : i32
    %add3A_4 = arith.addi %mul3A_2, %add3A_3 : i32
    "tpu.region"() ({
      %run_scoped3A = tpu.sem_alloc : memref<!tpu.dma_semaphore, #tpu.memory_space<semaphore_mem>>
      %dma_start3A = arith.constant 0 : i32
      %dma_start3A_36 = tpu.memref_slice %arg9[%add3A_4, %dma_start3A] : memref<10240x16xf32, #tpu.memory_space<vmem_shared>> -> memref<128x16xf32, #tpu.memory_space<vmem_shared>>
      %dma_start3A_37 = arith.constant 0 : i32
      %dma_start3A_38 = tpu.memref_slice %arg9[%add3A_4, %dma_start3A_37] : memref<10240x16xf32, #tpu.memory_space<vmem_shared>> -> memref<128x16xf32, #tpu.memory_space<vmem_shared>>
      tpu.enqueue_dma source(%arg8 : memref<128x16xf32, #tpu.memory_space<vmem>>) target(%dma_start3A_38 : memref<128x16xf32, #tpu.memory_space<vmem_shared>>) target_semaphore(%run_scoped3A : memref<!tpu.dma_semaphore, #tpu.memory_space<semaphore_mem>>)
      %dma_wait3A = arith.constant 0 : i32
      %dma_wait3A_39 = tpu.memref_slice %arg9[%add3A_4, %dma_wait3A] : memref<10240x16xf32, #tpu.memory_space<vmem_shared>> -> memref<128x16xf32, #tpu.memory_space<vmem_shared>>
      %dma_wait3A_40 = arith.constant 0 : i32
      %dma_wait3A_41 = tpu.memref_slice %arg9[%add3A_4, %dma_wait3A_40] : memref<10240x16xf32, #tpu.memory_space<vmem_shared>> -> memref<128x16xf32, #tpu.memory_space<vmem_shared>>
      tpu.wait_dma2 semaphore(%run_scoped3A : memref<!tpu.dma_semaphore, #tpu.memory_space<semaphore_mem>>) src(%arg8 : memref<128x16xf32, #tpu.memory_space<vmem>>) dst(%dma_wait3A_41 : memref<128x16xf32, #tpu.memory_space<vmem_shared>>)
      tpu.yield
    }) : () -> ()
    %mul3A_5 = arith.constant 640 : i32
    %mul3A_6 = arith.muli %arg1, %mul3A_5 : i32
    %add3A_7 = arith.constant 128 : i32
    %add3A_8 = arith.addi %mul3A_6, %add3A_7 : i32
    "tpu.region"() ({
      %run_scoped3A = tpu.sem_alloc : memref<!tpu.dma_semaphore, #tpu.memory_space<semaphore_mem>>
      %dma_start3A = arith.constant 0 : i32
      %dma_start3A_36 = tpu.memref_slice %arg9[%add3A_8, %dma_start3A] : memref<10240x16xf32, #tpu.memory_space<vmem_shared>> -> memref<128x16xf32, #tpu.memory_space<vmem_shared>>
      %dma_start3A_37 = arith.constant 0 : i32
      %dma_start3A_38 = tpu.memref_slice %arg9[%add3A_8, %dma_start3A_37] : memref<10240x16xf32, #tpu.memory_space<vmem_shared>> -> memref<128x16xf32, #tpu.memory_space<vmem_shared>>
      tpu.enqueue_dma source(%arg8 : memref<128x16xf32, #tpu.memory_space<vmem>>) target(%dma_start3A_38 : memref<128x16xf32, #tpu.memory_space<vmem_shared>>) target_semaphore(%run_scoped3A : memref<!tpu.dma_semaphore, #tpu.memory_space<semaphore_mem>>)
      %dma_wait3A = arith.constant 0 : i32
      %dma_wait3A_39 = tpu.memref_slice %arg9[%add3A_8, %dma_wait3A] : memref<10240x16xf32, #tpu.memory_space<vmem_shared>> -> memref<128x16xf32, #tpu.memory_space<vmem_shared>>
      %dma_wait3A_40 = arith.constant 0 : i32
      %dma_wait3A_41 = tpu.memref_slice %arg9[%add3A_8, %dma_wait3A_40] : memref<10240x16xf32, #tpu.memory_space<vmem_shared>> -> memref<128x16xf32, #tpu.memory_space<vmem_shared>>
      tpu.wait_dma2 semaphore(%run_scoped3A : memref<!tpu.dma_semaphore, #tpu.memory_space<semaphore_mem>>) src(%arg8 : memref<128x16xf32, #tpu.memory_space<vmem>>) dst(%dma_wait3A_41 : memref<128x16xf32, #tpu.memory_space<vmem_shared>>)
      tpu.yield
    }) : () -> ()
    %mul3A_9 = arith.constant 640 : i32
    %mul3A_10 = arith.muli %arg1, %mul3A_9 : i32
    %add3A_11 = arith.constant 256 : i32
    %add3A_12 = arith.addi %mul3A_10, %add3A_11 : i32
    "tpu.region"() ({
      %run_scoped3A = tpu.sem_alloc : memref<!tpu.dma_semaphore, #tpu.memory_space<semaphore_mem>>
      %dma_start3A = arith.constant 0 : i32
      %dma_start3A_36 = tpu.memref_slice %arg9[%add3A_12, %dma_start3A] : memref<10240x16xf32, #tpu.memory_space<vmem_shared>> -> memref<128x16xf32, #tpu.memory_space<vmem_shared>>
      %dma_start3A_37 = arith.constant 0 : i32
      %dma_start3A_38 = tpu.memref_slice %arg9[%add3A_12, %dma_start3A_37] : memref<10240x16xf32, #tpu.memory_space<vmem_shared>> -> memref<128x16xf32, #tpu.memory_space<vmem_shared>>
      tpu.enqueue_dma source(%arg8 : memref<128x16xf32, #tpu.memory_space<vmem>>) target(%dma_start3A_38 : memref<128x16xf32, #tpu.memory_space<vmem_shared>>) target_semaphore(%run_scoped3A : memref<!tpu.dma_semaphore, #tpu.memory_space<semaphore_mem>>)
      %dma_wait3A = arith.constant 0 : i32
      %dma_wait3A_39 = tpu.memref_slice %arg9[%add3A_12, %dma_wait3A] : memref<10240x16xf32, #tpu.memory_space<vmem_shared>> -> memref<128x16xf32, #tpu.memory_space<vmem_shared>>
      %dma_wait3A_40 = arith.constant 0 : i32
      %dma_wait3A_41 = tpu.memref_slice %arg9[%add3A_12, %dma_wait3A_40] : memref<10240x16xf32, #tpu.memory_space<vmem_shared>> -> memref<128x16xf32, #tpu.memory_space<vmem_shared>>
      tpu.wait_dma2 semaphore(%run_scoped3A : memref<!tpu.dma_semaphore, #tpu.memory_space<semaphore_mem>>) src(%arg8 : memref<128x16xf32, #tpu.memory_space<vmem>>) dst(%dma_wait3A_41 : memref<128x16xf32, #tpu.memory_space<vmem_shared>>)
      tpu.yield
    }) : () -> ()
    %mul3A_13 = arith.constant 640 : i32
    %mul3A_14 = arith.muli %arg1, %mul3A_13 : i32
    %add3A_15 = arith.constant 384 : i32
    %add3A_16 = arith.addi %mul3A_14, %add3A_15 : i32
    "tpu.region"() ({
      %run_scoped3A = tpu.sem_alloc : memref<!tpu.dma_semaphore, #tpu.memory_space<semaphore_mem>>
      %dma_start3A = arith.constant 0 : i32
      %dma_start3A_36 = tpu.memref_slice %arg9[%add3A_16, %dma_start3A] : memref<10240x16xf32, #tpu.memory_space<vmem_shared>> -> memref<128x16xf32, #tpu.memory_space<vmem_shared>>
      %dma_start3A_37 = arith.constant 0 : i32
      %dma_start3A_38 = tpu.memref_slice %arg9[%add3A_16, %dma_start3A_37] : memref<10240x16xf32, #tpu.memory_space<vmem_shared>> -> memref<128x16xf32, #tpu.memory_space<vmem_shared>>
      tpu.enqueue_dma source(%arg8 : memref<128x16xf32, #tpu.memory_space<vmem>>) target(%dma_start3A_38 : memref<128x16xf32, #tpu.memory_space<vmem_shared>>) target_semaphore(%run_scoped3A : memref<!tpu.dma_semaphore, #tpu.memory_space<semaphore_mem>>)
      %dma_wait3A = arith.constant 0 : i32
      %dma_wait3A_39 = tpu.memref_slice %arg9[%add3A_16, %dma_wait3A] : memref<10240x16xf32, #tpu.memory_space<vmem_shared>> -> memref<128x16xf32, #tpu.memory_space<vmem_shared>>
      %dma_wait3A_40 = arith.constant 0 : i32
      %dma_wait3A_41 = tpu.memref_slice %arg9[%add3A_16, %dma_wait3A_40] : memref<10240x16xf32, #tpu.memory_space<vmem_shared>> -> memref<128x16xf32, #tpu.memory_space<vmem_shared>>
      tpu.wait_dma2 semaphore(%run_scoped3A : memref<!tpu.dma_semaphore, #tpu.memory_space<semaphore_mem>>) src(%arg8 : memref<128x16xf32, #tpu.memory_space<vmem>>) dst(%dma_wait3A_41 : memref<128x16xf32, #tpu.memory_space<vmem_shared>>)
      tpu.yield
    }) : () -> ()
    %mul3A_17 = arith.constant 640 : i32
    %mul3A_18 = arith.muli %arg1, %mul3A_17 : i32
    %add3A_19 = arith.constant 512 : i32
    %add3A_20 = arith.addi %mul3A_18, %add3A_19 : i32
    "tpu.region"() ({
      %run_scoped3A = tpu.sem_alloc : memref<!tpu.dma_semaphore, #tpu.memory_space<semaphore_mem>>
      %dma_start3A = arith.constant 0 : i32
      %dma_start3A_36 = tpu.memref_slice %arg9[%add3A_20, %dma_start3A] : memref<10240x16xf32, #tpu.memory_space<vmem_shared>> -> memref<128x16xf32, #tpu.memory_space<vmem_shared>>
      %dma_start3A_37 = arith.constant 0 : i32
      %dma_start3A_38 = tpu.memref_slice %arg9[%add3A_20, %dma_start3A_37] : memref<10240x16xf32, #tpu.memory_space<vmem_shared>> -> memref<128x16xf32, #tpu.memory_space<vmem_shared>>
      tpu.enqueue_dma source(%arg8 : memref<128x16xf32, #tpu.memory_space<vmem>>) target(%dma_start3A_38 : memref<128x16xf32, #tpu.memory_space<vmem_shared>>) target_semaphore(%run_scoped3A : memref<!tpu.dma_semaphore, #tpu.memory_space<semaphore_mem>>)
      %dma_wait3A = arith.constant 0 : i32
      %dma_wait3A_39 = tpu.memref_slice %arg9[%add3A_20, %dma_wait3A] : memref<10240x16xf32, #tpu.memory_space<vmem_shared>> -> memref<128x16xf32, #tpu.memory_space<vmem_shared>>
      %dma_wait3A_40 = arith.constant 0 : i32
      %dma_wait3A_41 = tpu.memref_slice %arg9[%add3A_20, %dma_wait3A_40] : memref<10240x16xf32, #tpu.memory_space<vmem_shared>> -> memref<128x16xf32, #tpu.memory_space<vmem_shared>>
      tpu.wait_dma2 semaphore(%run_scoped3A : memref<!tpu.dma_semaphore, #tpu.memory_space<semaphore_mem>>) src(%arg8 : memref<128x16xf32, #tpu.memory_space<vmem>>) dst(%dma_wait3A_41 : memref<128x16xf32, #tpu.memory_space<vmem_shared>>)
      tpu.yield
    }) : () -> ()
    "tpu.region"() ({
      %run_scoped3A = tpu.sem_alloc : memref<!tpu.dma_semaphore, #tpu.memory_space<semaphore_mem>>
      tpu.enqueue_dma source(%arg3 : memref<128x16xf32, #tpu.memory_space<hbm>>) target(%arg7 : memref<128x16xf32, #tpu.memory_space<vmem>>) target_semaphore(%run_scoped3A : memref<!tpu.dma_semaphore, #tpu.memory_space<semaphore_mem>>)
      tpu.wait_dma2 semaphore(%run_scoped3A : memref<!tpu.dma_semaphore, #tpu.memory_space<semaphore_mem>>) src(%arg3 : memref<128x16xf32, #tpu.memory_space<hbm>>) dst(%arg7 : memref<128x16xf32, #tpu.memory_space<vmem>>)
      tpu.yield
    }) : () -> ()
    %mul3A_21 = arith.constant 80 : i32
    %mul3A_22 = arith.muli %add3A, %mul3A_21 : i32
    "tpu.region"() ({
      %run_scoped3A = tpu.sem_alloc : memref<!tpu.dma_semaphore, #tpu.memory_space<semaphore_mem>>
      %dma_start3A = arith.constant 0 : i32
      %dma_start3A_36 = tpu.memref_slice %arg2[%mul3A_22, %dma_start3A] : memref<2560x128xi32, #tpu.memory_space<hbm>> -> memref<80x128xi32, #tpu.memory_space<hbm>>
      %dma_start3A_37 = arith.constant 0 : i32
      %dma_start3A_38 = tpu.memref_slice %arg2[%mul3A_22, %dma_start3A_37] : memref<2560x128xi32, #tpu.memory_space<hbm>> -> memref<80x128xi32, #tpu.memory_space<hbm>>
      tpu.enqueue_dma source(%dma_start3A_38 : memref<80x128xi32, #tpu.memory_space<hbm>>) target(%arg6 : memref<80x128xi32, #tpu.memory_space<vmem>>) target_semaphore(%run_scoped3A : memref<!tpu.dma_semaphore, #tpu.memory_space<semaphore_mem>>)
      %dma_wait3A = arith.constant 0 : i32
      %dma_wait3A_39 = tpu.memref_slice %arg2[%mul3A_22, %dma_wait3A] : memref<2560x128xi32, #tpu.memory_space<hbm>> -> memref<80x128xi32, #tpu.memory_space<hbm>>
      %dma_wait3A_40 = arith.constant 0 : i32
      %dma_wait3A_41 = tpu.memref_slice %arg2[%mul3A_22, %dma_wait3A_40] : memref<2560x128xi32, #tpu.memory_space<hbm>> -> memref<80x128xi32, #tpu.memory_space<hbm>>
      tpu.wait_dma2 semaphore(%run_scoped3A : memref<!tpu.dma_semaphore, #tpu.memory_space<semaphore_mem>>) src(%dma_wait3A_41 : memref<80x128xi32, #tpu.memory_space<hbm>>) dst(%arg6 : memref<80x128xi32, #tpu.memory_space<vmem>>)
      tpu.yield
    }) : () -> ()
    %barrier3A = arith.constant 0 : index
    tpu.barrier barrier_id(%barrier3A)
    %scan3A = arith.constant 0 : i32
    %scan3A_23 = arith.constant 0 : i32
    %scan3A_24 = arith.constant 80 : i32
    %scan3A_25 = arith.addi %scan3A_23, %scan3A_24 : i32
    %scan3A_26 = arith.constant 1 : i32
    scf.for %scan3A_36 = %scan3A_23 to %scan3A_25 step %scan3A_26  : i32 {
      "tpu.region"() ({
        %run_scoped3A = tpu.sem_alloc : memref<!tpu.dma_semaphore, #tpu.memory_space<semaphore_mem>>
        %dma_start3A = arith.constant 0 : i32
        %dma_start3A_37 = tpu.memref_slice %arg6[%scan3A_36, %dma_start3A] : memref<80x128xi32, #tpu.memory_space<vmem>> -> memref<1x128xi32, #tpu.memory_space<vmem>>
        %dma_start3A_38 = tpu.memref_squeeze %dma_start3A_37 : memref<1x128xi32, #tpu.memory_space<vmem>> -> memref<128xi32, #tpu.memory_space<vmem>>
        %dma_start3A_39 = arith.constant 0 : i32
        %dma_start3A_40 = arith.constant 0 : i32
        %dma_start3A_41 = tpu.memref_slice %arg9[%dma_start3A_39, %dma_start3A_40] : memref<10240x16xf32, #tpu.memory_space<vmem_shared>> -> memref<10240x16xf32, #tpu.memory_space<vmem_shared>>
        tpu.enqueue_indirect_dma source(%arg7 : memref<128x16xf32, #tpu.memory_space<vmem>>) target(%dma_start3A_41 : memref<10240x16xf32, #tpu.memory_space<vmem_shared>>) offsets(%dma_start3A_38 : memref<128xi32, #tpu.memory_space<vmem>>) semaphore(%run_scoped3A : memref<!tpu.dma_semaphore, #tpu.memory_space<semaphore_mem>>) {add = true}
        %dma_wait3A = arith.constant 0 : i32
        %dma_wait3A_42 = tpu.memref_slice %arg6[%scan3A_36, %dma_wait3A] : memref<80x128xi32, #tpu.memory_space<vmem>> -> memref<1x128xi32, #tpu.memory_space<vmem>>
        %dma_wait3A_43 = tpu.memref_squeeze %dma_wait3A_42 : memref<1x128xi32, #tpu.memory_space<vmem>> -> memref<128xi32, #tpu.memory_space<vmem>>
        %dma_wait3A_44 = arith.constant 0 : i32
        %dma_wait3A_45 = arith.constant 0 : i32
        %dma_wait3A_46 = tpu.memref_slice %arg9[%dma_wait3A_44, %dma_wait3A_45] : memref<10240x16xf32, #tpu.memory_space<vmem_shared>> -> memref<10240x16xf32, #tpu.memory_space<vmem_shared>>
        tpu.wait_indirect_dma semaphore(%run_scoped3A : memref<!tpu.dma_semaphore, #tpu.memory_space<semaphore_mem>>) src(%arg7 : memref<128x16xf32, #tpu.memory_space<vmem>>) dst(%dma_wait3A_46 : memref<10240x16xf32, #tpu.memory_space<vmem_shared>>)
        tpu.yield
      }) : () -> ()
    }
    %scan3A_27 = arith.constant 80 : i32
    %barrier3A_28 = arith.constant 0 : index
    tpu.barrier barrier_id(%barrier3A_28)
    %mul3A_29 = arith.constant 640 : i32
    %mul3A_30 = arith.muli %arg1, %mul3A_29 : i32
    %mul3A_31 = arith.constant 10240 : i32
    %mul3A_32 = arith.muli %arg0, %mul3A_31 : i32
    %mul3A_33 = arith.constant 640 : i32
    %mul3A_34 = arith.muli %arg1, %mul3A_33 : i32
    %add3A_35 = arith.addi %mul3A_32, %mul3A_34 : i32
    "tpu.region"() ({
      %run_scoped3A = tpu.sem_alloc : memref<!tpu.dma_semaphore, #tpu.memory_space<semaphore_mem>>
      %dma_start3A = arith.constant 0 : i32
      %dma_start3A_36 = tpu.memref_slice %arg5[%add3A_35, %dma_start3A] : memref<20480x16xf32, #tpu.memory_space<hbm>> -> memref<640x16xf32, #tpu.memory_space<hbm>>
      %dma_start3A_37 = arith.constant 0 : i32
      %dma_start3A_38 = tpu.memref_slice %arg9[%mul3A_30, %dma_start3A_37] : memref<10240x16xf32, #tpu.memory_space<vmem_shared>> -> memref<640x16xf32, #tpu.memory_space<vmem_shared>>
      tpu.enqueue_dma source(%dma_start3A_38 : memref<640x16xf32, #tpu.memory_space<vmem_shared>>) target(%dma_start3A_36 : memref<640x16xf32, #tpu.memory_space<hbm>>) target_semaphore(%run_scoped3A : memref<!tpu.dma_semaphore, #tpu.memory_space<semaphore_mem>>)
      %dma_wait3A = arith.constant 0 : i32
      %dma_wait3A_39 = tpu.memref_slice %arg5[%add3A_35, %dma_wait3A] : memref<20480x16xf32, #tpu.memory_space<hbm>> -> memref<640x16xf32, #tpu.memory_space<hbm>>
      %dma_wait3A_40 = arith.constant 0 : i32
      %dma_wait3A_41 = tpu.memref_slice %arg9[%mul3A_30, %dma_wait3A_40] : memref<10240x16xf32, #tpu.memory_space<vmem_shared>> -> memref<640x16xf32, #tpu.memory_space<vmem_shared>>
      tpu.wait_dma2 semaphore(%run_scoped3A : memref<!tpu.dma_semaphore, #tpu.memory_space<semaphore_mem>>) src(%dma_wait3A_41 : memref<640x16xf32, #tpu.memory_space<vmem_shared>>) dst(%dma_wait3A_39 : memref<640x16xf32, #tpu.memory_space<hbm>>)
      tpu.yield
    }) : () -> ()
    return
  }
}

#map = affine_map<(d0, d1) -> (0, 0)>
module attributes {stable_mosaic.version = 14 : i64} {
  func.func @msg(%arg0: i32, %arg1: i32, %arg2: memref<10000x32xf32, #tpu.memory_space<hbm>>, %arg3: memref<2560x128xi32, #tpu.memory_space<hbm>>, %arg4: memref<2560x128xi32, #tpu.memory_space<hbm>>, %arg5: memref<128x32xf32, #tpu.memory_space<hbm>>, %arg6: memref<20480x32xf32, #tpu.memory_space<hbm>>, %arg7: memref<80x128xi32, #tpu.memory_space<vmem>>, %arg8: memref<80x128xi32, #tpu.memory_space<vmem>>, %arg9: memref<128x32xf32, #tpu.memory_space<vmem>>, %arg10: memref<128x32xf32, #tpu.memory_space<vmem>>, %arg11: memref<128x32xf32, #tpu.memory_space<vmem>>, %arg12: memref<10240x32xf32, #tpu.memory_space<vmem_shared>>, %arg13: memref<!tpu.dma_semaphore, #tpu.memory_space<semaphore_mem>>, %arg14: memref<!tpu.dma_semaphore, #tpu.memory_space<semaphore_mem>>, %arg15: memref<!tpu.dma_semaphore, #tpu.memory_space<semaphore_mem>>, %arg16: memref<!tpu.dma_semaphore, #tpu.memory_space<semaphore_mem>>) attributes {dimension_semantics = [#tpu.dimension_semantics<core_parallel>, #tpu.dimension_semantics<subcore_parallel>], iteration_bounds = array<i64: 2, 16>, scalar_prefetch = 0 : i64, scratch_operands = 10 : i64, tpu.core_type = #tpu.core_type<sc_vector_subcore>, window_params = [{transform_indices = #map}, {transform_indices = #map}, {transform_indices = #map}, {transform_indices = #map}, {transform_indices = #map}]} {
    %mul3A = arith.constant 16 : i32
    %mul3A_0 = arith.muli %arg0, %mul3A : i32
    %add3A = arith.addi %mul3A_0, %arg1 : i32
    "tpu.region"() ({
      %run_scoped3A = tpu.sem_alloc : memref<!tpu.dma_semaphore, #tpu.memory_space<semaphore_mem>>
      tpu.enqueue_dma source(%arg5 : memref<128x32xf32, #tpu.memory_space<hbm>>) target(%arg9 : memref<128x32xf32, #tpu.memory_space<vmem>>) target_semaphore(%run_scoped3A : memref<!tpu.dma_semaphore, #tpu.memory_space<semaphore_mem>>)
      tpu.wait_dma2 semaphore(%run_scoped3A : memref<!tpu.dma_semaphore, #tpu.memory_space<semaphore_mem>>) src(%arg5 : memref<128x32xf32, #tpu.memory_space<hbm>>) dst(%arg9 : memref<128x32xf32, #tpu.memory_space<vmem>>)
      tpu.yield
    }) : () -> ()
    %mul3A_1 = arith.constant 640 : i32
    %mul3A_2 = arith.muli %arg1, %mul3A_1 : i32
    %add3A_3 = arith.constant 0 : i32
    %add3A_4 = arith.addi %mul3A_2, %add3A_3 : i32
    "tpu.region"() ({
      %run_scoped3A = tpu.sem_alloc : memref<!tpu.dma_semaphore, #tpu.memory_space<semaphore_mem>>
      %dma_start3A_107 = arith.constant 0 : i32
      %dma_start3A_108 = tpu.memref_slice %arg12[%add3A_4, %dma_start3A_107] : memref<10240x32xf32, #tpu.memory_space<vmem_shared>> -> memref<128x32xf32, #tpu.memory_space<vmem_shared>>
      %dma_start3A_109 = arith.constant 0 : i32
      %dma_start3A_110 = tpu.memref_slice %arg12[%add3A_4, %dma_start3A_109] : memref<10240x32xf32, #tpu.memory_space<vmem_shared>> -> memref<128x32xf32, #tpu.memory_space<vmem_shared>>
      tpu.enqueue_dma source(%arg9 : memref<128x32xf32, #tpu.memory_space<vmem>>) target(%dma_start3A_110 : memref<128x32xf32, #tpu.memory_space<vmem_shared>>) target_semaphore(%run_scoped3A : memref<!tpu.dma_semaphore, #tpu.memory_space<semaphore_mem>>)
      %dma_wait3A_111 = arith.constant 0 : i32
      %dma_wait3A_112 = tpu.memref_slice %arg12[%add3A_4, %dma_wait3A_111] : memref<10240x32xf32, #tpu.memory_space<vmem_shared>> -> memref<128x32xf32, #tpu.memory_space<vmem_shared>>
      %dma_wait3A_113 = arith.constant 0 : i32
      %dma_wait3A_114 = tpu.memref_slice %arg12[%add3A_4, %dma_wait3A_113] : memref<10240x32xf32, #tpu.memory_space<vmem_shared>> -> memref<128x32xf32, #tpu.memory_space<vmem_shared>>
      tpu.wait_dma2 semaphore(%run_scoped3A : memref<!tpu.dma_semaphore, #tpu.memory_space<semaphore_mem>>) src(%arg9 : memref<128x32xf32, #tpu.memory_space<vmem>>) dst(%dma_wait3A_114 : memref<128x32xf32, #tpu.memory_space<vmem_shared>>)
      tpu.yield
    }) : () -> ()
    %mul3A_5 = arith.constant 640 : i32
    %mul3A_6 = arith.muli %arg1, %mul3A_5 : i32
    %add3A_7 = arith.constant 128 : i32
    %add3A_8 = arith.addi %mul3A_6, %add3A_7 : i32
    "tpu.region"() ({
      %run_scoped3A = tpu.sem_alloc : memref<!tpu.dma_semaphore, #tpu.memory_space<semaphore_mem>>
      %dma_start3A_107 = arith.constant 0 : i32
      %dma_start3A_108 = tpu.memref_slice %arg12[%add3A_8, %dma_start3A_107] : memref<10240x32xf32, #tpu.memory_space<vmem_shared>> -> memref<128x32xf32, #tpu.memory_space<vmem_shared>>
      %dma_start3A_109 = arith.constant 0 : i32
      %dma_start3A_110 = tpu.memref_slice %arg12[%add3A_8, %dma_start3A_109] : memref<10240x32xf32, #tpu.memory_space<vmem_shared>> -> memref<128x32xf32, #tpu.memory_space<vmem_shared>>
      tpu.enqueue_dma source(%arg9 : memref<128x32xf32, #tpu.memory_space<vmem>>) target(%dma_start3A_110 : memref<128x32xf32, #tpu.memory_space<vmem_shared>>) target_semaphore(%run_scoped3A : memref<!tpu.dma_semaphore, #tpu.memory_space<semaphore_mem>>)
      %dma_wait3A_111 = arith.constant 0 : i32
      %dma_wait3A_112 = tpu.memref_slice %arg12[%add3A_8, %dma_wait3A_111] : memref<10240x32xf32, #tpu.memory_space<vmem_shared>> -> memref<128x32xf32, #tpu.memory_space<vmem_shared>>
      %dma_wait3A_113 = arith.constant 0 : i32
      %dma_wait3A_114 = tpu.memref_slice %arg12[%add3A_8, %dma_wait3A_113] : memref<10240x32xf32, #tpu.memory_space<vmem_shared>> -> memref<128x32xf32, #tpu.memory_space<vmem_shared>>
      tpu.wait_dma2 semaphore(%run_scoped3A : memref<!tpu.dma_semaphore, #tpu.memory_space<semaphore_mem>>) src(%arg9 : memref<128x32xf32, #tpu.memory_space<vmem>>) dst(%dma_wait3A_114 : memref<128x32xf32, #tpu.memory_space<vmem_shared>>)
      tpu.yield
    }) : () -> ()
    %mul3A_9 = arith.constant 640 : i32
    %mul3A_10 = arith.muli %arg1, %mul3A_9 : i32
    %add3A_11 = arith.constant 256 : i32
    %add3A_12 = arith.addi %mul3A_10, %add3A_11 : i32
    "tpu.region"() ({
      %run_scoped3A = tpu.sem_alloc : memref<!tpu.dma_semaphore, #tpu.memory_space<semaphore_mem>>
      %dma_start3A_107 = arith.constant 0 : i32
      %dma_start3A_108 = tpu.memref_slice %arg12[%add3A_12, %dma_start3A_107] : memref<10240x32xf32, #tpu.memory_space<vmem_shared>> -> memref<128x32xf32, #tpu.memory_space<vmem_shared>>
      %dma_start3A_109 = arith.constant 0 : i32
      %dma_start3A_110 = tpu.memref_slice %arg12[%add3A_12, %dma_start3A_109] : memref<10240x32xf32, #tpu.memory_space<vmem_shared>> -> memref<128x32xf32, #tpu.memory_space<vmem_shared>>
      tpu.enqueue_dma source(%arg9 : memref<128x32xf32, #tpu.memory_space<vmem>>) target(%dma_start3A_110 : memref<128x32xf32, #tpu.memory_space<vmem_shared>>) target_semaphore(%run_scoped3A : memref<!tpu.dma_semaphore, #tpu.memory_space<semaphore_mem>>)
      %dma_wait3A_111 = arith.constant 0 : i32
      %dma_wait3A_112 = tpu.memref_slice %arg12[%add3A_12, %dma_wait3A_111] : memref<10240x32xf32, #tpu.memory_space<vmem_shared>> -> memref<128x32xf32, #tpu.memory_space<vmem_shared>>
      %dma_wait3A_113 = arith.constant 0 : i32
      %dma_wait3A_114 = tpu.memref_slice %arg12[%add3A_12, %dma_wait3A_113] : memref<10240x32xf32, #tpu.memory_space<vmem_shared>> -> memref<128x32xf32, #tpu.memory_space<vmem_shared>>
      tpu.wait_dma2 semaphore(%run_scoped3A : memref<!tpu.dma_semaphore, #tpu.memory_space<semaphore_mem>>) src(%arg9 : memref<128x32xf32, #tpu.memory_space<vmem>>) dst(%dma_wait3A_114 : memref<128x32xf32, #tpu.memory_space<vmem_shared>>)
      tpu.yield
    }) : () -> ()
    %mul3A_13 = arith.constant 640 : i32
    %mul3A_14 = arith.muli %arg1, %mul3A_13 : i32
    %add3A_15 = arith.constant 384 : i32
    %add3A_16 = arith.addi %mul3A_14, %add3A_15 : i32
    "tpu.region"() ({
      %run_scoped3A = tpu.sem_alloc : memref<!tpu.dma_semaphore, #tpu.memory_space<semaphore_mem>>
      %dma_start3A_107 = arith.constant 0 : i32
      %dma_start3A_108 = tpu.memref_slice %arg12[%add3A_16, %dma_start3A_107] : memref<10240x32xf32, #tpu.memory_space<vmem_shared>> -> memref<128x32xf32, #tpu.memory_space<vmem_shared>>
      %dma_start3A_109 = arith.constant 0 : i32
      %dma_start3A_110 = tpu.memref_slice %arg12[%add3A_16, %dma_start3A_109] : memref<10240x32xf32, #tpu.memory_space<vmem_shared>> -> memref<128x32xf32, #tpu.memory_space<vmem_shared>>
      tpu.enqueue_dma source(%arg9 : memref<128x32xf32, #tpu.memory_space<vmem>>) target(%dma_start3A_110 : memref<128x32xf32, #tpu.memory_space<vmem_shared>>) target_semaphore(%run_scoped3A : memref<!tpu.dma_semaphore, #tpu.memory_space<semaphore_mem>>)
      %dma_wait3A_111 = arith.constant 0 : i32
      %dma_wait3A_112 = tpu.memref_slice %arg12[%add3A_16, %dma_wait3A_111] : memref<10240x32xf32, #tpu.memory_space<vmem_shared>> -> memref<128x32xf32, #tpu.memory_space<vmem_shared>>
      %dma_wait3A_113 = arith.constant 0 : i32
      %dma_wait3A_114 = tpu.memref_slice %arg12[%add3A_16, %dma_wait3A_113] : memref<10240x32xf32, #tpu.memory_space<vmem_shared>> -> memref<128x32xf32, #tpu.memory_space<vmem_shared>>
      tpu.wait_dma2 semaphore(%run_scoped3A : memref<!tpu.dma_semaphore, #tpu.memory_space<semaphore_mem>>) src(%arg9 : memref<128x32xf32, #tpu.memory_space<vmem>>) dst(%dma_wait3A_114 : memref<128x32xf32, #tpu.memory_space<vmem_shared>>)
      tpu.yield
    }) : () -> ()
    %mul3A_17 = arith.constant 640 : i32
    %mul3A_18 = arith.muli %arg1, %mul3A_17 : i32
    %add3A_19 = arith.constant 512 : i32
    %add3A_20 = arith.addi %mul3A_18, %add3A_19 : i32
    "tpu.region"() ({
      %run_scoped3A = tpu.sem_alloc : memref<!tpu.dma_semaphore, #tpu.memory_space<semaphore_mem>>
      %dma_start3A_107 = arith.constant 0 : i32
      %dma_start3A_108 = tpu.memref_slice %arg12[%add3A_20, %dma_start3A_107] : memref<10240x32xf32, #tpu.memory_space<vmem_shared>> -> memref<128x32xf32, #tpu.memory_space<vmem_shared>>
      %dma_start3A_109 = arith.constant 0 : i32
      %dma_start3A_110 = tpu.memref_slice %arg12[%add3A_20, %dma_start3A_109] : memref<10240x32xf32, #tpu.memory_space<vmem_shared>> -> memref<128x32xf32, #tpu.memory_space<vmem_shared>>
      tpu.enqueue_dma source(%arg9 : memref<128x32xf32, #tpu.memory_space<vmem>>) target(%dma_start3A_110 : memref<128x32xf32, #tpu.memory_space<vmem_shared>>) target_semaphore(%run_scoped3A : memref<!tpu.dma_semaphore, #tpu.memory_space<semaphore_mem>>)
      %dma_wait3A_111 = arith.constant 0 : i32
      %dma_wait3A_112 = tpu.memref_slice %arg12[%add3A_20, %dma_wait3A_111] : memref<10240x32xf32, #tpu.memory_space<vmem_shared>> -> memref<128x32xf32, #tpu.memory_space<vmem_shared>>
      %dma_wait3A_113 = arith.constant 0 : i32
      %dma_wait3A_114 = tpu.memref_slice %arg12[%add3A_20, %dma_wait3A_113] : memref<10240x32xf32, #tpu.memory_space<vmem_shared>> -> memref<128x32xf32, #tpu.memory_space<vmem_shared>>
      tpu.wait_dma2 semaphore(%run_scoped3A : memref<!tpu.dma_semaphore, #tpu.memory_space<semaphore_mem>>) src(%arg9 : memref<128x32xf32, #tpu.memory_space<vmem>>) dst(%dma_wait3A_114 : memref<128x32xf32, #tpu.memory_space<vmem_shared>>)
      tpu.yield
    }) : () -> ()
    %mul3A_21 = arith.constant 80 : i32
    %mul3A_22 = arith.muli %add3A, %mul3A_21 : i32
    "tpu.region"() ({
      %run_scoped3A = tpu.sem_alloc : memref<!tpu.dma_semaphore, #tpu.memory_space<semaphore_mem>>
      %dma_start3A_107 = arith.constant 0 : i32
      %dma_start3A_108 = tpu.memref_slice %arg3[%mul3A_22, %dma_start3A_107] : memref<2560x128xi32, #tpu.memory_space<hbm>> -> memref<80x128xi32, #tpu.memory_space<hbm>>
      %dma_start3A_109 = arith.constant 0 : i32
      %dma_start3A_110 = tpu.memref_slice %arg3[%mul3A_22, %dma_start3A_109] : memref<2560x128xi32, #tpu.memory_space<hbm>> -> memref<80x128xi32, #tpu.memory_space<hbm>>
      tpu.enqueue_dma source(%dma_start3A_110 : memref<80x128xi32, #tpu.memory_space<hbm>>) target(%arg7 : memref<80x128xi32, #tpu.memory_space<vmem>>) target_semaphore(%run_scoped3A : memref<!tpu.dma_semaphore, #tpu.memory_space<semaphore_mem>>)
      %dma_wait3A_111 = arith.constant 0 : i32
      %dma_wait3A_112 = tpu.memref_slice %arg3[%mul3A_22, %dma_wait3A_111] : memref<2560x128xi32, #tpu.memory_space<hbm>> -> memref<80x128xi32, #tpu.memory_space<hbm>>
      %dma_wait3A_113 = arith.constant 0 : i32
      %dma_wait3A_114 = tpu.memref_slice %arg3[%mul3A_22, %dma_wait3A_113] : memref<2560x128xi32, #tpu.memory_space<hbm>> -> memref<80x128xi32, #tpu.memory_space<hbm>>
      tpu.wait_dma2 semaphore(%run_scoped3A : memref<!tpu.dma_semaphore, #tpu.memory_space<semaphore_mem>>) src(%dma_wait3A_114 : memref<80x128xi32, #tpu.memory_space<hbm>>) dst(%arg7 : memref<80x128xi32, #tpu.memory_space<vmem>>)
      tpu.yield
    }) : () -> ()
    %mul3A_23 = arith.constant 80 : i32
    %mul3A_24 = arith.muli %add3A, %mul3A_23 : i32
    "tpu.region"() ({
      %run_scoped3A = tpu.sem_alloc : memref<!tpu.dma_semaphore, #tpu.memory_space<semaphore_mem>>
      %dma_start3A_107 = arith.constant 0 : i32
      %dma_start3A_108 = tpu.memref_slice %arg4[%mul3A_24, %dma_start3A_107] : memref<2560x128xi32, #tpu.memory_space<hbm>> -> memref<80x128xi32, #tpu.memory_space<hbm>>
      %dma_start3A_109 = arith.constant 0 : i32
      %dma_start3A_110 = tpu.memref_slice %arg4[%mul3A_24, %dma_start3A_109] : memref<2560x128xi32, #tpu.memory_space<hbm>> -> memref<80x128xi32, #tpu.memory_space<hbm>>
      tpu.enqueue_dma source(%dma_start3A_110 : memref<80x128xi32, #tpu.memory_space<hbm>>) target(%arg8 : memref<80x128xi32, #tpu.memory_space<vmem>>) target_semaphore(%run_scoped3A : memref<!tpu.dma_semaphore, #tpu.memory_space<semaphore_mem>>)
      %dma_wait3A_111 = arith.constant 0 : i32
      %dma_wait3A_112 = tpu.memref_slice %arg4[%mul3A_24, %dma_wait3A_111] : memref<2560x128xi32, #tpu.memory_space<hbm>> -> memref<80x128xi32, #tpu.memory_space<hbm>>
      %dma_wait3A_113 = arith.constant 0 : i32
      %dma_wait3A_114 = tpu.memref_slice %arg4[%mul3A_24, %dma_wait3A_113] : memref<2560x128xi32, #tpu.memory_space<hbm>> -> memref<80x128xi32, #tpu.memory_space<hbm>>
      tpu.wait_dma2 semaphore(%run_scoped3A : memref<!tpu.dma_semaphore, #tpu.memory_space<semaphore_mem>>) src(%dma_wait3A_114 : memref<80x128xi32, #tpu.memory_space<hbm>>) dst(%arg8 : memref<80x128xi32, #tpu.memory_space<vmem>>)
      tpu.yield
    }) : () -> ()
    %barrier3A = arith.constant 0 : index
    tpu.barrier barrier_id(%barrier3A)
    %dma_start3A = arith.constant 0 : i32
    %dma_start3A_25 = arith.constant 0 : i32
    %dma_start3A_26 = tpu.memref_slice %arg7[%dma_start3A, %dma_start3A_25] : memref<80x128xi32, #tpu.memory_space<vmem>> -> memref<1x128xi32, #tpu.memory_space<vmem>>
    %dma_start3A_27 = tpu.memref_squeeze %dma_start3A_26 : memref<1x128xi32, #tpu.memory_space<vmem>> -> memref<128xi32, #tpu.memory_space<vmem>>
    %dma_start3A_28 = arith.constant 0 : i32
    %dma_start3A_29 = arith.constant 0 : i32
    %dma_start3A_30 = tpu.memref_slice %arg2[%dma_start3A_28, %dma_start3A_29] : memref<10000x32xf32, #tpu.memory_space<hbm>> -> memref<10000x32xf32, #tpu.memory_space<hbm>>
    tpu.enqueue_indirect_dma source(%dma_start3A_30 : memref<10000x32xf32, #tpu.memory_space<hbm>>) target(%arg10 : memref<128x32xf32, #tpu.memory_space<vmem>>) offsets(%dma_start3A_27 : memref<128xi32, #tpu.memory_space<vmem>>) semaphore(%arg13 : memref<!tpu.dma_semaphore, #tpu.memory_space<semaphore_mem>>)
    %min3A = arith.constant 1 : i32
    %min3A_31 = arith.constant 79 : i32
    %min3A_32 = arith.minsi %min3A, %min3A_31 : i32
    %min3A_33 = arith.constant 2 : i32
    %min3A_34 = arith.constant 79 : i32
    %min3A_35 = arith.minsi %min3A_33, %min3A_34 : i32
    %dma_wait3A = arith.constant 0 : i32
    %dma_wait3A_36 = arith.constant 0 : i32
    %dma_wait3A_37 = tpu.memref_slice %arg7[%dma_wait3A, %dma_wait3A_36] : memref<80x128xi32, #tpu.memory_space<vmem>> -> memref<1x128xi32, #tpu.memory_space<vmem>>
    %dma_wait3A_38 = tpu.memref_squeeze %dma_wait3A_37 : memref<1x128xi32, #tpu.memory_space<vmem>> -> memref<128xi32, #tpu.memory_space<vmem>>
    %dma_wait3A_39 = arith.constant 0 : i32
    %dma_wait3A_40 = arith.constant 0 : i32
    %dma_wait3A_41 = tpu.memref_slice %arg2[%dma_wait3A_39, %dma_wait3A_40] : memref<10000x32xf32, #tpu.memory_space<hbm>> -> memref<10000x32xf32, #tpu.memory_space<hbm>>
    tpu.wait_indirect_dma semaphore(%arg13 : memref<!tpu.dma_semaphore, #tpu.memory_space<semaphore_mem>>) src(%dma_wait3A_41 : memref<10000x32xf32, #tpu.memory_space<hbm>>) dst(%arg10 : memref<128x32xf32, #tpu.memory_space<vmem>>)
    %dma_start3A_42 = arith.constant 0 : i32
    %dma_start3A_43 = tpu.memref_slice %arg7[%min3A_32, %dma_start3A_42] : memref<80x128xi32, #tpu.memory_space<vmem>> -> memref<1x128xi32, #tpu.memory_space<vmem>>
    %dma_start3A_44 = tpu.memref_squeeze %dma_start3A_43 : memref<1x128xi32, #tpu.memory_space<vmem>> -> memref<128xi32, #tpu.memory_space<vmem>>
    %dma_start3A_45 = arith.constant 0 : i32
    %dma_start3A_46 = arith.constant 0 : i32
    %dma_start3A_47 = tpu.memref_slice %arg2[%dma_start3A_45, %dma_start3A_46] : memref<10000x32xf32, #tpu.memory_space<hbm>> -> memref<10000x32xf32, #tpu.memory_space<hbm>>
    tpu.enqueue_indirect_dma source(%dma_start3A_47 : memref<10000x32xf32, #tpu.memory_space<hbm>>) target(%arg11 : memref<128x32xf32, #tpu.memory_space<vmem>>) offsets(%dma_start3A_44 : memref<128xi32, #tpu.memory_space<vmem>>) semaphore(%arg14 : memref<!tpu.dma_semaphore, #tpu.memory_space<semaphore_mem>>)
    %dma_start3A_48 = arith.constant 0 : i32
    %dma_start3A_49 = arith.constant 0 : i32
    %dma_start3A_50 = tpu.memref_slice %arg8[%dma_start3A_48, %dma_start3A_49] : memref<80x128xi32, #tpu.memory_space<vmem>> -> memref<1x128xi32, #tpu.memory_space<vmem>>
    %dma_start3A_51 = tpu.memref_squeeze %dma_start3A_50 : memref<1x128xi32, #tpu.memory_space<vmem>> -> memref<128xi32, #tpu.memory_space<vmem>>
    %dma_start3A_52 = arith.constant 0 : i32
    %dma_start3A_53 = arith.constant 0 : i32
    %dma_start3A_54 = tpu.memref_slice %arg12[%dma_start3A_52, %dma_start3A_53] : memref<10240x32xf32, #tpu.memory_space<vmem_shared>> -> memref<10240x32xf32, #tpu.memory_space<vmem_shared>>
    tpu.enqueue_indirect_dma source(%arg10 : memref<128x32xf32, #tpu.memory_space<vmem>>) target(%dma_start3A_54 : memref<10240x32xf32, #tpu.memory_space<vmem_shared>>) offsets(%dma_start3A_51 : memref<128xi32, #tpu.memory_space<vmem>>) semaphore(%arg15 : memref<!tpu.dma_semaphore, #tpu.memory_space<semaphore_mem>>) {add = true}
    %dma_wait3A_55 = arith.constant 0 : i32
    %dma_wait3A_56 = tpu.memref_slice %arg7[%min3A_32, %dma_wait3A_55] : memref<80x128xi32, #tpu.memory_space<vmem>> -> memref<1x128xi32, #tpu.memory_space<vmem>>
    %dma_wait3A_57 = tpu.memref_squeeze %dma_wait3A_56 : memref<1x128xi32, #tpu.memory_space<vmem>> -> memref<128xi32, #tpu.memory_space<vmem>>
    %dma_wait3A_58 = arith.constant 0 : i32
    %dma_wait3A_59 = arith.constant 0 : i32
    %dma_wait3A_60 = tpu.memref_slice %arg2[%dma_wait3A_58, %dma_wait3A_59] : memref<10000x32xf32, #tpu.memory_space<hbm>> -> memref<10000x32xf32, #tpu.memory_space<hbm>>
    tpu.wait_indirect_dma semaphore(%arg14 : memref<!tpu.dma_semaphore, #tpu.memory_space<semaphore_mem>>) src(%dma_wait3A_60 : memref<10000x32xf32, #tpu.memory_space<hbm>>) dst(%arg11 : memref<128x32xf32, #tpu.memory_space<vmem>>)
    %dma_wait3A_61 = arith.constant 0 : i32
    %dma_wait3A_62 = arith.constant 0 : i32
    %dma_wait3A_63 = tpu.memref_slice %arg8[%dma_wait3A_61, %dma_wait3A_62] : memref<80x128xi32, #tpu.memory_space<vmem>> -> memref<1x128xi32, #tpu.memory_space<vmem>>
    %dma_wait3A_64 = tpu.memref_squeeze %dma_wait3A_63 : memref<1x128xi32, #tpu.memory_space<vmem>> -> memref<128xi32, #tpu.memory_space<vmem>>
    %dma_wait3A_65 = arith.constant 0 : i32
    %dma_wait3A_66 = arith.constant 0 : i32
    %dma_wait3A_67 = tpu.memref_slice %arg12[%dma_wait3A_65, %dma_wait3A_66] : memref<10240x32xf32, #tpu.memory_space<vmem_shared>> -> memref<10240x32xf32, #tpu.memory_space<vmem_shared>>
    tpu.wait_indirect_dma semaphore(%arg15 : memref<!tpu.dma_semaphore, #tpu.memory_space<semaphore_mem>>) src(%arg10 : memref<128x32xf32, #tpu.memory_space<vmem>>) dst(%dma_wait3A_67 : memref<10240x32xf32, #tpu.memory_space<vmem_shared>>)
    %dma_start3A_68 = arith.constant 0 : i32
    %dma_start3A_69 = tpu.memref_slice %arg7[%min3A_35, %dma_start3A_68] : memref<80x128xi32, #tpu.memory_space<vmem>> -> memref<1x128xi32, #tpu.memory_space<vmem>>
    %dma_start3A_70 = tpu.memref_squeeze %dma_start3A_69 : memref<1x128xi32, #tpu.memory_space<vmem>> -> memref<128xi32, #tpu.memory_space<vmem>>
    %dma_start3A_71 = arith.constant 0 : i32
    %dma_start3A_72 = arith.constant 0 : i32
    %dma_start3A_73 = tpu.memref_slice %arg2[%dma_start3A_71, %dma_start3A_72] : memref<10000x32xf32, #tpu.memory_space<hbm>> -> memref<10000x32xf32, #tpu.memory_space<hbm>>
    tpu.enqueue_indirect_dma source(%dma_start3A_73 : memref<10000x32xf32, #tpu.memory_space<hbm>>) target(%arg10 : memref<128x32xf32, #tpu.memory_space<vmem>>) offsets(%dma_start3A_70 : memref<128xi32, #tpu.memory_space<vmem>>) semaphore(%arg13 : memref<!tpu.dma_semaphore, #tpu.memory_space<semaphore_mem>>)
    %dma_start3A_74 = arith.constant 0 : i32
    %dma_start3A_75 = tpu.memref_slice %arg8[%min3A_32, %dma_start3A_74] : memref<80x128xi32, #tpu.memory_space<vmem>> -> memref<1x128xi32, #tpu.memory_space<vmem>>
    %dma_start3A_76 = tpu.memref_squeeze %dma_start3A_75 : memref<1x128xi32, #tpu.memory_space<vmem>> -> memref<128xi32, #tpu.memory_space<vmem>>
    %dma_start3A_77 = arith.constant 0 : i32
    %dma_start3A_78 = arith.constant 0 : i32
    %dma_start3A_79 = tpu.memref_slice %arg12[%dma_start3A_77, %dma_start3A_78] : memref<10240x32xf32, #tpu.memory_space<vmem_shared>> -> memref<10240x32xf32, #tpu.memory_space<vmem_shared>>
    tpu.enqueue_indirect_dma source(%arg11 : memref<128x32xf32, #tpu.memory_space<vmem>>) target(%dma_start3A_79 : memref<10240x32xf32, #tpu.memory_space<vmem_shared>>) offsets(%dma_start3A_76 : memref<128xi32, #tpu.memory_space<vmem>>) semaphore(%arg16 : memref<!tpu.dma_semaphore, #tpu.memory_space<semaphore_mem>>) {add = true}
    %scan3A = arith.constant 0 : i32
    %scan3A_80 = arith.constant 1 : i32
    %scan3A_81 = arith.constant 39 : i32
    %scan3A_82 = arith.addi %scan3A_80, %scan3A_81 : i32
    %scan3A_83 = arith.constant 1 : i32
    scf.for %scan3A_107 = %scan3A_80 to %scan3A_82 step %scan3A_83  : i32 {
      %mul3A_108 = arith.constant 2 : i32
      %mul3A_109 = arith.muli %scan3A_107, %mul3A_108 : i32
      %add3A_110 = arith.constant 1 : i32
      %add3A_111 = arith.addi %mul3A_109, %add3A_110 : i32
      %min3A_112 = arith.constant 79 : i32
      %min3A_113 = arith.minsi %add3A_111, %min3A_112 : i32
      %add3A_114 = arith.constant 2 : i32
      %add3A_115 = arith.addi %mul3A_109, %add3A_114 : i32
      %min3A_116 = arith.constant 79 : i32
      %min3A_117 = arith.minsi %add3A_115, %min3A_116 : i32
      %dma_wait3A_118 = arith.constant 0 : i32
      %dma_wait3A_119 = tpu.memref_slice %arg7[%mul3A_109, %dma_wait3A_118] : memref<80x128xi32, #tpu.memory_space<vmem>> -> memref<1x128xi32, #tpu.memory_space<vmem>>
      %dma_wait3A_120 = tpu.memref_squeeze %dma_wait3A_119 : memref<1x128xi32, #tpu.memory_space<vmem>> -> memref<128xi32, #tpu.memory_space<vmem>>
      %dma_wait3A_121 = arith.constant 0 : i32
      %dma_wait3A_122 = arith.constant 0 : i32
      %dma_wait3A_123 = tpu.memref_slice %arg2[%dma_wait3A_121, %dma_wait3A_122] : memref<10000x32xf32, #tpu.memory_space<hbm>> -> memref<10000x32xf32, #tpu.memory_space<hbm>>
      tpu.wait_indirect_dma semaphore(%arg13 : memref<!tpu.dma_semaphore, #tpu.memory_space<semaphore_mem>>) src(%dma_wait3A_123 : memref<10000x32xf32, #tpu.memory_space<hbm>>) dst(%arg10 : memref<128x32xf32, #tpu.memory_space<vmem>>)
      %sub3A = arith.constant 1 : i32
      %sub3A_124 = arith.subi %mul3A_109, %sub3A : i32
      %dma_wait3A_125 = arith.constant 0 : i32
      %dma_wait3A_126 = tpu.memref_slice %arg8[%sub3A_124, %dma_wait3A_125] : memref<80x128xi32, #tpu.memory_space<vmem>> -> memref<1x128xi32, #tpu.memory_space<vmem>>
      %dma_wait3A_127 = tpu.memref_squeeze %dma_wait3A_126 : memref<1x128xi32, #tpu.memory_space<vmem>> -> memref<128xi32, #tpu.memory_space<vmem>>
      %dma_wait3A_128 = arith.constant 0 : i32
      %dma_wait3A_129 = arith.constant 0 : i32
      %dma_wait3A_130 = tpu.memref_slice %arg12[%dma_wait3A_128, %dma_wait3A_129] : memref<10240x32xf32, #tpu.memory_space<vmem_shared>> -> memref<10240x32xf32, #tpu.memory_space<vmem_shared>>
      tpu.wait_indirect_dma semaphore(%arg16 : memref<!tpu.dma_semaphore, #tpu.memory_space<semaphore_mem>>) src(%arg11 : memref<128x32xf32, #tpu.memory_space<vmem>>) dst(%dma_wait3A_130 : memref<10240x32xf32, #tpu.memory_space<vmem_shared>>)
      %dma_start3A_131 = arith.constant 0 : i32
      %dma_start3A_132 = tpu.memref_slice %arg7[%min3A_113, %dma_start3A_131] : memref<80x128xi32, #tpu.memory_space<vmem>> -> memref<1x128xi32, #tpu.memory_space<vmem>>
      %dma_start3A_133 = tpu.memref_squeeze %dma_start3A_132 : memref<1x128xi32, #tpu.memory_space<vmem>> -> memref<128xi32, #tpu.memory_space<vmem>>
      %dma_start3A_134 = arith.constant 0 : i32
      %dma_start3A_135 = arith.constant 0 : i32
      %dma_start3A_136 = tpu.memref_slice %arg2[%dma_start3A_134, %dma_start3A_135] : memref<10000x32xf32, #tpu.memory_space<hbm>> -> memref<10000x32xf32, #tpu.memory_space<hbm>>
      tpu.enqueue_indirect_dma source(%dma_start3A_136 : memref<10000x32xf32, #tpu.memory_space<hbm>>) target(%arg11 : memref<128x32xf32, #tpu.memory_space<vmem>>) offsets(%dma_start3A_133 : memref<128xi32, #tpu.memory_space<vmem>>) semaphore(%arg14 : memref<!tpu.dma_semaphore, #tpu.memory_space<semaphore_mem>>)
      %dma_start3A_137 = arith.constant 0 : i32
      %dma_start3A_138 = tpu.memref_slice %arg8[%mul3A_109, %dma_start3A_137] : memref<80x128xi32, #tpu.memory_space<vmem>> -> memref<1x128xi32, #tpu.memory_space<vmem>>
      %dma_start3A_139 = tpu.memref_squeeze %dma_start3A_138 : memref<1x128xi32, #tpu.memory_space<vmem>> -> memref<128xi32, #tpu.memory_space<vmem>>
      %dma_start3A_140 = arith.constant 0 : i32
      %dma_start3A_141 = arith.constant 0 : i32
      %dma_start3A_142 = tpu.memref_slice %arg12[%dma_start3A_140, %dma_start3A_141] : memref<10240x32xf32, #tpu.memory_space<vmem_shared>> -> memref<10240x32xf32, #tpu.memory_space<vmem_shared>>
      tpu.enqueue_indirect_dma source(%arg10 : memref<128x32xf32, #tpu.memory_space<vmem>>) target(%dma_start3A_142 : memref<10240x32xf32, #tpu.memory_space<vmem_shared>>) offsets(%dma_start3A_139 : memref<128xi32, #tpu.memory_space<vmem>>) semaphore(%arg15 : memref<!tpu.dma_semaphore, #tpu.memory_space<semaphore_mem>>) {add = true}
      %dma_wait3A_143 = arith.constant 0 : i32
      %dma_wait3A_144 = tpu.memref_slice %arg7[%min3A_113, %dma_wait3A_143] : memref<80x128xi32, #tpu.memory_space<vmem>> -> memref<1x128xi32, #tpu.memory_space<vmem>>
      %dma_wait3A_145 = tpu.memref_squeeze %dma_wait3A_144 : memref<1x128xi32, #tpu.memory_space<vmem>> -> memref<128xi32, #tpu.memory_space<vmem>>
      %dma_wait3A_146 = arith.constant 0 : i32
      %dma_wait3A_147 = arith.constant 0 : i32
      %dma_wait3A_148 = tpu.memref_slice %arg2[%dma_wait3A_146, %dma_wait3A_147] : memref<10000x32xf32, #tpu.memory_space<hbm>> -> memref<10000x32xf32, #tpu.memory_space<hbm>>
      tpu.wait_indirect_dma semaphore(%arg14 : memref<!tpu.dma_semaphore, #tpu.memory_space<semaphore_mem>>) src(%dma_wait3A_148 : memref<10000x32xf32, #tpu.memory_space<hbm>>) dst(%arg11 : memref<128x32xf32, #tpu.memory_space<vmem>>)
      %dma_wait3A_149 = arith.constant 0 : i32
      %dma_wait3A_150 = tpu.memref_slice %arg8[%mul3A_109, %dma_wait3A_149] : memref<80x128xi32, #tpu.memory_space<vmem>> -> memref<1x128xi32, #tpu.memory_space<vmem>>
      %dma_wait3A_151 = tpu.memref_squeeze %dma_wait3A_150 : memref<1x128xi32, #tpu.memory_space<vmem>> -> memref<128xi32, #tpu.memory_space<vmem>>
      %dma_wait3A_152 = arith.constant 0 : i32
      %dma_wait3A_153 = arith.constant 0 : i32
      %dma_wait3A_154 = tpu.memref_slice %arg12[%dma_wait3A_152, %dma_wait3A_153] : memref<10240x32xf32, #tpu.memory_space<vmem_shared>> -> memref<10240x32xf32, #tpu.memory_space<vmem_shared>>
      tpu.wait_indirect_dma semaphore(%arg15 : memref<!tpu.dma_semaphore, #tpu.memory_space<semaphore_mem>>) src(%arg10 : memref<128x32xf32, #tpu.memory_space<vmem>>) dst(%dma_wait3A_154 : memref<10240x32xf32, #tpu.memory_space<vmem_shared>>)
      %dma_start3A_155 = arith.constant 0 : i32
      %dma_start3A_156 = tpu.memref_slice %arg7[%min3A_117, %dma_start3A_155] : memref<80x128xi32, #tpu.memory_space<vmem>> -> memref<1x128xi32, #tpu.memory_space<vmem>>
      %dma_start3A_157 = tpu.memref_squeeze %dma_start3A_156 : memref<1x128xi32, #tpu.memory_space<vmem>> -> memref<128xi32, #tpu.memory_space<vmem>>
      %dma_start3A_158 = arith.constant 0 : i32
      %dma_start3A_159 = arith.constant 0 : i32
      %dma_start3A_160 = tpu.memref_slice %arg2[%dma_start3A_158, %dma_start3A_159] : memref<10000x32xf32, #tpu.memory_space<hbm>> -> memref<10000x32xf32, #tpu.memory_space<hbm>>
      tpu.enqueue_indirect_dma source(%dma_start3A_160 : memref<10000x32xf32, #tpu.memory_space<hbm>>) target(%arg10 : memref<128x32xf32, #tpu.memory_space<vmem>>) offsets(%dma_start3A_157 : memref<128xi32, #tpu.memory_space<vmem>>) semaphore(%arg13 : memref<!tpu.dma_semaphore, #tpu.memory_space<semaphore_mem>>)
      %dma_start3A_161 = arith.constant 0 : i32
      %dma_start3A_162 = tpu.memref_slice %arg8[%min3A_113, %dma_start3A_161] : memref<80x128xi32, #tpu.memory_space<vmem>> -> memref<1x128xi32, #tpu.memory_space<vmem>>
      %dma_start3A_163 = tpu.memref_squeeze %dma_start3A_162 : memref<1x128xi32, #tpu.memory_space<vmem>> -> memref<128xi32, #tpu.memory_space<vmem>>
      %dma_start3A_164 = arith.constant 0 : i32
      %dma_start3A_165 = arith.constant 0 : i32
      %dma_start3A_166 = tpu.memref_slice %arg12[%dma_start3A_164, %dma_start3A_165] : memref<10240x32xf32, #tpu.memory_space<vmem_shared>> -> memref<10240x32xf32, #tpu.memory_space<vmem_shared>>
      tpu.enqueue_indirect_dma source(%arg11 : memref<128x32xf32, #tpu.memory_space<vmem>>) target(%dma_start3A_166 : memref<10240x32xf32, #tpu.memory_space<vmem_shared>>) offsets(%dma_start3A_163 : memref<128xi32, #tpu.memory_space<vmem>>) semaphore(%arg16 : memref<!tpu.dma_semaphore, #tpu.memory_space<semaphore_mem>>) {add = true}
    }
    %scan3A_84 = arith.constant 39 : i32
    %dma_wait3A_85 = arith.constant 79 : i32
    %dma_wait3A_86 = arith.constant 0 : i32
    %dma_wait3A_87 = tpu.memref_slice %arg7[%dma_wait3A_85, %dma_wait3A_86] : memref<80x128xi32, #tpu.memory_space<vmem>> -> memref<1x128xi32, #tpu.memory_space<vmem>>
    %dma_wait3A_88 = tpu.memref_squeeze %dma_wait3A_87 : memref<1x128xi32, #tpu.memory_space<vmem>> -> memref<128xi32, #tpu.memory_space<vmem>>
    %dma_wait3A_89 = arith.constant 0 : i32
    %dma_wait3A_90 = arith.constant 0 : i32
    %dma_wait3A_91 = tpu.memref_slice %arg2[%dma_wait3A_89, %dma_wait3A_90] : memref<10000x32xf32, #tpu.memory_space<hbm>> -> memref<10000x32xf32, #tpu.memory_space<hbm>>
    tpu.wait_indirect_dma semaphore(%arg13 : memref<!tpu.dma_semaphore, #tpu.memory_space<semaphore_mem>>) src(%dma_wait3A_91 : memref<10000x32xf32, #tpu.memory_space<hbm>>) dst(%arg10 : memref<128x32xf32, #tpu.memory_space<vmem>>)
    %dma_wait3A_92 = arith.constant 79 : i32
    %dma_wait3A_93 = arith.constant 0 : i32
    %dma_wait3A_94 = tpu.memref_slice %arg8[%dma_wait3A_92, %dma_wait3A_93] : memref<80x128xi32, #tpu.memory_space<vmem>> -> memref<1x128xi32, #tpu.memory_space<vmem>>
    %dma_wait3A_95 = tpu.memref_squeeze %dma_wait3A_94 : memref<1x128xi32, #tpu.memory_space<vmem>> -> memref<128xi32, #tpu.memory_space<vmem>>
    %dma_wait3A_96 = arith.constant 0 : i32
    %dma_wait3A_97 = arith.constant 0 : i32
    %dma_wait3A_98 = tpu.memref_slice %arg12[%dma_wait3A_96, %dma_wait3A_97] : memref<10240x32xf32, #tpu.memory_space<vmem_shared>> -> memref<10240x32xf32, #tpu.memory_space<vmem_shared>>
    tpu.wait_indirect_dma semaphore(%arg16 : memref<!tpu.dma_semaphore, #tpu.memory_space<semaphore_mem>>) src(%arg11 : memref<128x32xf32, #tpu.memory_space<vmem>>) dst(%dma_wait3A_98 : memref<10240x32xf32, #tpu.memory_space<vmem_shared>>)
    %barrier3A_99 = arith.constant 0 : index
    tpu.barrier barrier_id(%barrier3A_99)
    %mul3A_100 = arith.constant 640 : i32
    %mul3A_101 = arith.muli %arg1, %mul3A_100 : i32
    %mul3A_102 = arith.constant 10240 : i32
    %mul3A_103 = arith.muli %arg0, %mul3A_102 : i32
    %mul3A_104 = arith.constant 640 : i32
    %mul3A_105 = arith.muli %arg1, %mul3A_104 : i32
    %add3A_106 = arith.addi %mul3A_103, %mul3A_105 : i32
    "tpu.region"() ({
      %run_scoped3A = tpu.sem_alloc : memref<!tpu.dma_semaphore, #tpu.memory_space<semaphore_mem>>
      %dma_start3A_107 = arith.constant 0 : i32
      %dma_start3A_108 = tpu.memref_slice %arg6[%add3A_106, %dma_start3A_107] : memref<20480x32xf32, #tpu.memory_space<hbm>> -> memref<640x32xf32, #tpu.memory_space<hbm>>
      %dma_start3A_109 = arith.constant 0 : i32
      %dma_start3A_110 = tpu.memref_slice %arg12[%mul3A_101, %dma_start3A_109] : memref<10240x32xf32, #tpu.memory_space<vmem_shared>> -> memref<640x32xf32, #tpu.memory_space<vmem_shared>>
      tpu.enqueue_dma source(%dma_start3A_110 : memref<640x32xf32, #tpu.memory_space<vmem_shared>>) target(%dma_start3A_108 : memref<640x32xf32, #tpu.memory_space<hbm>>) target_semaphore(%run_scoped3A : memref<!tpu.dma_semaphore, #tpu.memory_space<semaphore_mem>>)
      %dma_wait3A_111 = arith.constant 0 : i32
      %dma_wait3A_112 = tpu.memref_slice %arg6[%add3A_106, %dma_wait3A_111] : memref<20480x32xf32, #tpu.memory_space<hbm>> -> memref<640x32xf32, #tpu.memory_space<hbm>>
      %dma_wait3A_113 = arith.constant 0 : i32
      %dma_wait3A_114 = tpu.memref_slice %arg12[%mul3A_101, %dma_wait3A_113] : memref<10240x32xf32, #tpu.memory_space<vmem_shared>> -> memref<640x32xf32, #tpu.memory_space<vmem_shared>>
      tpu.wait_dma2 semaphore(%run_scoped3A : memref<!tpu.dma_semaphore, #tpu.memory_space<semaphore_mem>>) src(%dma_wait3A_114 : memref<640x32xf32, #tpu.memory_space<vmem_shared>>) dst(%dma_wait3A_112 : memref<640x32xf32, #tpu.memory_space<hbm>>)
      tpu.yield
    }) : () -> ()
    return
  }
}

#map = affine_map<(d0, d1) -> (0, 0)>
module attributes {stable_mosaic.version = 14 : i64} {
  func.func @msg(%arg0: i32, %arg1: i32, %arg2: memref<10000x64xf32, #tpu.memory_space<hbm>>, %arg3: memref<2560x128xi32, #tpu.memory_space<hbm>>, %arg4: memref<2560x128xi32, #tpu.memory_space<hbm>>, %arg5: memref<128x64xf32, #tpu.memory_space<hbm>>, %arg6: memref<20480x64xf32, #tpu.memory_space<hbm>>, %arg7: memref<80x128xi32, #tpu.memory_space<vmem>>, %arg8: memref<80x128xi32, #tpu.memory_space<vmem>>, %arg9: memref<128x64xf32, #tpu.memory_space<vmem>>, %arg10: memref<128x64xf32, #tpu.memory_space<vmem>>, %arg11: memref<128x64xf32, #tpu.memory_space<vmem>>, %arg12: memref<10240x64xf32, #tpu.memory_space<vmem_shared>>, %arg13: memref<!tpu.dma_semaphore, #tpu.memory_space<semaphore_mem>>, %arg14: memref<!tpu.dma_semaphore, #tpu.memory_space<semaphore_mem>>, %arg15: memref<!tpu.dma_semaphore, #tpu.memory_space<semaphore_mem>>, %arg16: memref<!tpu.dma_semaphore, #tpu.memory_space<semaphore_mem>>) attributes {dimension_semantics = [#tpu.dimension_semantics<core_parallel>, #tpu.dimension_semantics<subcore_parallel>], iteration_bounds = array<i64: 2, 16>, scalar_prefetch = 0 : i64, scratch_operands = 10 : i64, tpu.core_type = #tpu.core_type<sc_vector_subcore>, window_params = [{transform_indices = #map}, {transform_indices = #map}, {transform_indices = #map}, {transform_indices = #map}, {transform_indices = #map}]} {
    %mul3A = arith.constant 16 : i32
    %mul3A_0 = arith.muli %arg0, %mul3A : i32
    %add3A = arith.addi %mul3A_0, %arg1 : i32
    "tpu.region"() ({
      %run_scoped3A = tpu.sem_alloc : memref<!tpu.dma_semaphore, #tpu.memory_space<semaphore_mem>>
      tpu.enqueue_dma source(%arg5 : memref<128x64xf32, #tpu.memory_space<hbm>>) target(%arg9 : memref<128x64xf32, #tpu.memory_space<vmem>>) target_semaphore(%run_scoped3A : memref<!tpu.dma_semaphore, #tpu.memory_space<semaphore_mem>>)
      tpu.wait_dma2 semaphore(%run_scoped3A : memref<!tpu.dma_semaphore, #tpu.memory_space<semaphore_mem>>) src(%arg5 : memref<128x64xf32, #tpu.memory_space<hbm>>) dst(%arg9 : memref<128x64xf32, #tpu.memory_space<vmem>>)
      tpu.yield
    }) : () -> ()
    %mul3A_1 = arith.constant 640 : i32
    %mul3A_2 = arith.muli %arg1, %mul3A_1 : i32
    %add3A_3 = arith.constant 0 : i32
    %add3A_4 = arith.addi %mul3A_2, %add3A_3 : i32
    "tpu.region"() ({
      %run_scoped3A = tpu.sem_alloc : memref<!tpu.dma_semaphore, #tpu.memory_space<semaphore_mem>>
      %dma_start3A_107 = arith.constant 0 : i32
      %dma_start3A_108 = tpu.memref_slice %arg12[%add3A_4, %dma_start3A_107] : memref<10240x64xf32, #tpu.memory_space<vmem_shared>> -> memref<128x64xf32, #tpu.memory_space<vmem_shared>>
      %dma_start3A_109 = arith.constant 0 : i32
      %dma_start3A_110 = tpu.memref_slice %arg12[%add3A_4, %dma_start3A_109] : memref<10240x64xf32, #tpu.memory_space<vmem_shared>> -> memref<128x64xf32, #tpu.memory_space<vmem_shared>>
      tpu.enqueue_dma source(%arg9 : memref<128x64xf32, #tpu.memory_space<vmem>>) target(%dma_start3A_110 : memref<128x64xf32, #tpu.memory_space<vmem_shared>>) target_semaphore(%run_scoped3A : memref<!tpu.dma_semaphore, #tpu.memory_space<semaphore_mem>>)
      %dma_wait3A_111 = arith.constant 0 : i32
      %dma_wait3A_112 = tpu.memref_slice %arg12[%add3A_4, %dma_wait3A_111] : memref<10240x64xf32, #tpu.memory_space<vmem_shared>> -> memref<128x64xf32, #tpu.memory_space<vmem_shared>>
      %dma_wait3A_113 = arith.constant 0 : i32
      %dma_wait3A_114 = tpu.memref_slice %arg12[%add3A_4, %dma_wait3A_113] : memref<10240x64xf32, #tpu.memory_space<vmem_shared>> -> memref<128x64xf32, #tpu.memory_space<vmem_shared>>
      tpu.wait_dma2 semaphore(%run_scoped3A : memref<!tpu.dma_semaphore, #tpu.memory_space<semaphore_mem>>) src(%arg9 : memref<128x64xf32, #tpu.memory_space<vmem>>) dst(%dma_wait3A_114 : memref<128x64xf32, #tpu.memory_space<vmem_shared>>)
      tpu.yield
    }) : () -> ()
    %mul3A_5 = arith.constant 640 : i32
    %mul3A_6 = arith.muli %arg1, %mul3A_5 : i32
    %add3A_7 = arith.constant 128 : i32
    %add3A_8 = arith.addi %mul3A_6, %add3A_7 : i32
    "tpu.region"() ({
      %run_scoped3A = tpu.sem_alloc : memref<!tpu.dma_semaphore, #tpu.memory_space<semaphore_mem>>
      %dma_start3A_107 = arith.constant 0 : i32
      %dma_start3A_108 = tpu.memref_slice %arg12[%add3A_8, %dma_start3A_107] : memref<10240x64xf32, #tpu.memory_space<vmem_shared>> -> memref<128x64xf32, #tpu.memory_space<vmem_shared>>
      %dma_start3A_109 = arith.constant 0 : i32
      %dma_start3A_110 = tpu.memref_slice %arg12[%add3A_8, %dma_start3A_109] : memref<10240x64xf32, #tpu.memory_space<vmem_shared>> -> memref<128x64xf32, #tpu.memory_space<vmem_shared>>
      tpu.enqueue_dma source(%arg9 : memref<128x64xf32, #tpu.memory_space<vmem>>) target(%dma_start3A_110 : memref<128x64xf32, #tpu.memory_space<vmem_shared>>) target_semaphore(%run_scoped3A : memref<!tpu.dma_semaphore, #tpu.memory_space<semaphore_mem>>)
      %dma_wait3A_111 = arith.constant 0 : i32
      %dma_wait3A_112 = tpu.memref_slice %arg12[%add3A_8, %dma_wait3A_111] : memref<10240x64xf32, #tpu.memory_space<vmem_shared>> -> memref<128x64xf32, #tpu.memory_space<vmem_shared>>
      %dma_wait3A_113 = arith.constant 0 : i32
      %dma_wait3A_114 = tpu.memref_slice %arg12[%add3A_8, %dma_wait3A_113] : memref<10240x64xf32, #tpu.memory_space<vmem_shared>> -> memref<128x64xf32, #tpu.memory_space<vmem_shared>>
      tpu.wait_dma2 semaphore(%run_scoped3A : memref<!tpu.dma_semaphore, #tpu.memory_space<semaphore_mem>>) src(%arg9 : memref<128x64xf32, #tpu.memory_space<vmem>>) dst(%dma_wait3A_114 : memref<128x64xf32, #tpu.memory_space<vmem_shared>>)
      tpu.yield
    }) : () -> ()
    %mul3A_9 = arith.constant 640 : i32
    %mul3A_10 = arith.muli %arg1, %mul3A_9 : i32
    %add3A_11 = arith.constant 256 : i32
    %add3A_12 = arith.addi %mul3A_10, %add3A_11 : i32
    "tpu.region"() ({
      %run_scoped3A = tpu.sem_alloc : memref<!tpu.dma_semaphore, #tpu.memory_space<semaphore_mem>>
      %dma_start3A_107 = arith.constant 0 : i32
      %dma_start3A_108 = tpu.memref_slice %arg12[%add3A_12, %dma_start3A_107] : memref<10240x64xf32, #tpu.memory_space<vmem_shared>> -> memref<128x64xf32, #tpu.memory_space<vmem_shared>>
      %dma_start3A_109 = arith.constant 0 : i32
      %dma_start3A_110 = tpu.memref_slice %arg12[%add3A_12, %dma_start3A_109] : memref<10240x64xf32, #tpu.memory_space<vmem_shared>> -> memref<128x64xf32, #tpu.memory_space<vmem_shared>>
      tpu.enqueue_dma source(%arg9 : memref<128x64xf32, #tpu.memory_space<vmem>>) target(%dma_start3A_110 : memref<128x64xf32, #tpu.memory_space<vmem_shared>>) target_semaphore(%run_scoped3A : memref<!tpu.dma_semaphore, #tpu.memory_space<semaphore_mem>>)
      %dma_wait3A_111 = arith.constant 0 : i32
      %dma_wait3A_112 = tpu.memref_slice %arg12[%add3A_12, %dma_wait3A_111] : memref<10240x64xf32, #tpu.memory_space<vmem_shared>> -> memref<128x64xf32, #tpu.memory_space<vmem_shared>>
      %dma_wait3A_113 = arith.constant 0 : i32
      %dma_wait3A_114 = tpu.memref_slice %arg12[%add3A_12, %dma_wait3A_113] : memref<10240x64xf32, #tpu.memory_space<vmem_shared>> -> memref<128x64xf32, #tpu.memory_space<vmem_shared>>
      tpu.wait_dma2 semaphore(%run_scoped3A : memref<!tpu.dma_semaphore, #tpu.memory_space<semaphore_mem>>) src(%arg9 : memref<128x64xf32, #tpu.memory_space<vmem>>) dst(%dma_wait3A_114 : memref<128x64xf32, #tpu.memory_space<vmem_shared>>)
      tpu.yield
    }) : () -> ()
    %mul3A_13 = arith.constant 640 : i32
    %mul3A_14 = arith.muli %arg1, %mul3A_13 : i32
    %add3A_15 = arith.constant 384 : i32
    %add3A_16 = arith.addi %mul3A_14, %add3A_15 : i32
    "tpu.region"() ({
      %run_scoped3A = tpu.sem_alloc : memref<!tpu.dma_semaphore, #tpu.memory_space<semaphore_mem>>
      %dma_start3A_107 = arith.constant 0 : i32
      %dma_start3A_108 = tpu.memref_slice %arg12[%add3A_16, %dma_start3A_107] : memref<10240x64xf32, #tpu.memory_space<vmem_shared>> -> memref<128x64xf32, #tpu.memory_space<vmem_shared>>
      %dma_start3A_109 = arith.constant 0 : i32
      %dma_start3A_110 = tpu.memref_slice %arg12[%add3A_16, %dma_start3A_109] : memref<10240x64xf32, #tpu.memory_space<vmem_shared>> -> memref<128x64xf32, #tpu.memory_space<vmem_shared>>
      tpu.enqueue_dma source(%arg9 : memref<128x64xf32, #tpu.memory_space<vmem>>) target(%dma_start3A_110 : memref<128x64xf32, #tpu.memory_space<vmem_shared>>) target_semaphore(%run_scoped3A : memref<!tpu.dma_semaphore, #tpu.memory_space<semaphore_mem>>)
      %dma_wait3A_111 = arith.constant 0 : i32
      %dma_wait3A_112 = tpu.memref_slice %arg12[%add3A_16, %dma_wait3A_111] : memref<10240x64xf32, #tpu.memory_space<vmem_shared>> -> memref<128x64xf32, #tpu.memory_space<vmem_shared>>
      %dma_wait3A_113 = arith.constant 0 : i32
      %dma_wait3A_114 = tpu.memref_slice %arg12[%add3A_16, %dma_wait3A_113] : memref<10240x64xf32, #tpu.memory_space<vmem_shared>> -> memref<128x64xf32, #tpu.memory_space<vmem_shared>>
      tpu.wait_dma2 semaphore(%run_scoped3A : memref<!tpu.dma_semaphore, #tpu.memory_space<semaphore_mem>>) src(%arg9 : memref<128x64xf32, #tpu.memory_space<vmem>>) dst(%dma_wait3A_114 : memref<128x64xf32, #tpu.memory_space<vmem_shared>>)
      tpu.yield
    }) : () -> ()
    %mul3A_17 = arith.constant 640 : i32
    %mul3A_18 = arith.muli %arg1, %mul3A_17 : i32
    %add3A_19 = arith.constant 512 : i32
    %add3A_20 = arith.addi %mul3A_18, %add3A_19 : i32
    "tpu.region"() ({
      %run_scoped3A = tpu.sem_alloc : memref<!tpu.dma_semaphore, #tpu.memory_space<semaphore_mem>>
      %dma_start3A_107 = arith.constant 0 : i32
      %dma_start3A_108 = tpu.memref_slice %arg12[%add3A_20, %dma_start3A_107] : memref<10240x64xf32, #tpu.memory_space<vmem_shared>> -> memref<128x64xf32, #tpu.memory_space<vmem_shared>>
      %dma_start3A_109 = arith.constant 0 : i32
      %dma_start3A_110 = tpu.memref_slice %arg12[%add3A_20, %dma_start3A_109] : memref<10240x64xf32, #tpu.memory_space<vmem_shared>> -> memref<128x64xf32, #tpu.memory_space<vmem_shared>>
      tpu.enqueue_dma source(%arg9 : memref<128x64xf32, #tpu.memory_space<vmem>>) target(%dma_start3A_110 : memref<128x64xf32, #tpu.memory_space<vmem_shared>>) target_semaphore(%run_scoped3A : memref<!tpu.dma_semaphore, #tpu.memory_space<semaphore_mem>>)
      %dma_wait3A_111 = arith.constant 0 : i32
      %dma_wait3A_112 = tpu.memref_slice %arg12[%add3A_20, %dma_wait3A_111] : memref<10240x64xf32, #tpu.memory_space<vmem_shared>> -> memref<128x64xf32, #tpu.memory_space<vmem_shared>>
      %dma_wait3A_113 = arith.constant 0 : i32
      %dma_wait3A_114 = tpu.memref_slice %arg12[%add3A_20, %dma_wait3A_113] : memref<10240x64xf32, #tpu.memory_space<vmem_shared>> -> memref<128x64xf32, #tpu.memory_space<vmem_shared>>
      tpu.wait_dma2 semaphore(%run_scoped3A : memref<!tpu.dma_semaphore, #tpu.memory_space<semaphore_mem>>) src(%arg9 : memref<128x64xf32, #tpu.memory_space<vmem>>) dst(%dma_wait3A_114 : memref<128x64xf32, #tpu.memory_space<vmem_shared>>)
      tpu.yield
    }) : () -> ()
    %mul3A_21 = arith.constant 80 : i32
    %mul3A_22 = arith.muli %add3A, %mul3A_21 : i32
    "tpu.region"() ({
      %run_scoped3A = tpu.sem_alloc : memref<!tpu.dma_semaphore, #tpu.memory_space<semaphore_mem>>
      %dma_start3A_107 = arith.constant 0 : i32
      %dma_start3A_108 = tpu.memref_slice %arg3[%mul3A_22, %dma_start3A_107] : memref<2560x128xi32, #tpu.memory_space<hbm>> -> memref<80x128xi32, #tpu.memory_space<hbm>>
      %dma_start3A_109 = arith.constant 0 : i32
      %dma_start3A_110 = tpu.memref_slice %arg3[%mul3A_22, %dma_start3A_109] : memref<2560x128xi32, #tpu.memory_space<hbm>> -> memref<80x128xi32, #tpu.memory_space<hbm>>
      tpu.enqueue_dma source(%dma_start3A_110 : memref<80x128xi32, #tpu.memory_space<hbm>>) target(%arg7 : memref<80x128xi32, #tpu.memory_space<vmem>>) target_semaphore(%run_scoped3A : memref<!tpu.dma_semaphore, #tpu.memory_space<semaphore_mem>>)
      %dma_wait3A_111 = arith.constant 0 : i32
      %dma_wait3A_112 = tpu.memref_slice %arg3[%mul3A_22, %dma_wait3A_111] : memref<2560x128xi32, #tpu.memory_space<hbm>> -> memref<80x128xi32, #tpu.memory_space<hbm>>
      %dma_wait3A_113 = arith.constant 0 : i32
      %dma_wait3A_114 = tpu.memref_slice %arg3[%mul3A_22, %dma_wait3A_113] : memref<2560x128xi32, #tpu.memory_space<hbm>> -> memref<80x128xi32, #tpu.memory_space<hbm>>
      tpu.wait_dma2 semaphore(%run_scoped3A : memref<!tpu.dma_semaphore, #tpu.memory_space<semaphore_mem>>) src(%dma_wait3A_114 : memref<80x128xi32, #tpu.memory_space<hbm>>) dst(%arg7 : memref<80x128xi32, #tpu.memory_space<vmem>>)
      tpu.yield
    }) : () -> ()
    %mul3A_23 = arith.constant 80 : i32
    %mul3A_24 = arith.muli %add3A, %mul3A_23 : i32
    "tpu.region"() ({
      %run_scoped3A = tpu.sem_alloc : memref<!tpu.dma_semaphore, #tpu.memory_space<semaphore_mem>>
      %dma_start3A_107 = arith.constant 0 : i32
      %dma_start3A_108 = tpu.memref_slice %arg4[%mul3A_24, %dma_start3A_107] : memref<2560x128xi32, #tpu.memory_space<hbm>> -> memref<80x128xi32, #tpu.memory_space<hbm>>
      %dma_start3A_109 = arith.constant 0 : i32
      %dma_start3A_110 = tpu.memref_slice %arg4[%mul3A_24, %dma_start3A_109] : memref<2560x128xi32, #tpu.memory_space<hbm>> -> memref<80x128xi32, #tpu.memory_space<hbm>>
      tpu.enqueue_dma source(%dma_start3A_110 : memref<80x128xi32, #tpu.memory_space<hbm>>) target(%arg8 : memref<80x128xi32, #tpu.memory_space<vmem>>) target_semaphore(%run_scoped3A : memref<!tpu.dma_semaphore, #tpu.memory_space<semaphore_mem>>)
      %dma_wait3A_111 = arith.constant 0 : i32
      %dma_wait3A_112 = tpu.memref_slice %arg4[%mul3A_24, %dma_wait3A_111] : memref<2560x128xi32, #tpu.memory_space<hbm>> -> memref<80x128xi32, #tpu.memory_space<hbm>>
      %dma_wait3A_113 = arith.constant 0 : i32
      %dma_wait3A_114 = tpu.memref_slice %arg4[%mul3A_24, %dma_wait3A_113] : memref<2560x128xi32, #tpu.memory_space<hbm>> -> memref<80x128xi32, #tpu.memory_space<hbm>>
      tpu.wait_dma2 semaphore(%run_scoped3A : memref<!tpu.dma_semaphore, #tpu.memory_space<semaphore_mem>>) src(%dma_wait3A_114 : memref<80x128xi32, #tpu.memory_space<hbm>>) dst(%arg8 : memref<80x128xi32, #tpu.memory_space<vmem>>)
      tpu.yield
    }) : () -> ()
    %barrier3A = arith.constant 0 : index
    tpu.barrier barrier_id(%barrier3A)
    %dma_start3A = arith.constant 0 : i32
    %dma_start3A_25 = arith.constant 0 : i32
    %dma_start3A_26 = tpu.memref_slice %arg7[%dma_start3A, %dma_start3A_25] : memref<80x128xi32, #tpu.memory_space<vmem>> -> memref<1x128xi32, #tpu.memory_space<vmem>>
    %dma_start3A_27 = tpu.memref_squeeze %dma_start3A_26 : memref<1x128xi32, #tpu.memory_space<vmem>> -> memref<128xi32, #tpu.memory_space<vmem>>
    %dma_start3A_28 = arith.constant 0 : i32
    %dma_start3A_29 = arith.constant 0 : i32
    %dma_start3A_30 = tpu.memref_slice %arg2[%dma_start3A_28, %dma_start3A_29] : memref<10000x64xf32, #tpu.memory_space<hbm>> -> memref<10000x64xf32, #tpu.memory_space<hbm>>
    tpu.enqueue_indirect_dma source(%dma_start3A_30 : memref<10000x64xf32, #tpu.memory_space<hbm>>) target(%arg10 : memref<128x64xf32, #tpu.memory_space<vmem>>) offsets(%dma_start3A_27 : memref<128xi32, #tpu.memory_space<vmem>>) semaphore(%arg13 : memref<!tpu.dma_semaphore, #tpu.memory_space<semaphore_mem>>)
    %min3A = arith.constant 1 : i32
    %min3A_31 = arith.constant 79 : i32
    %min3A_32 = arith.minsi %min3A, %min3A_31 : i32
    %min3A_33 = arith.constant 2 : i32
    %min3A_34 = arith.constant 79 : i32
    %min3A_35 = arith.minsi %min3A_33, %min3A_34 : i32
    %dma_wait3A = arith.constant 0 : i32
    %dma_wait3A_36 = arith.constant 0 : i32
    %dma_wait3A_37 = tpu.memref_slice %arg7[%dma_wait3A, %dma_wait3A_36] : memref<80x128xi32, #tpu.memory_space<vmem>> -> memref<1x128xi32, #tpu.memory_space<vmem>>
    %dma_wait3A_38 = tpu.memref_squeeze %dma_wait3A_37 : memref<1x128xi32, #tpu.memory_space<vmem>> -> memref<128xi32, #tpu.memory_space<vmem>>
    %dma_wait3A_39 = arith.constant 0 : i32
    %dma_wait3A_40 = arith.constant 0 : i32
    %dma_wait3A_41 = tpu.memref_slice %arg2[%dma_wait3A_39, %dma_wait3A_40] : memref<10000x64xf32, #tpu.memory_space<hbm>> -> memref<10000x64xf32, #tpu.memory_space<hbm>>
    tpu.wait_indirect_dma semaphore(%arg13 : memref<!tpu.dma_semaphore, #tpu.memory_space<semaphore_mem>>) src(%dma_wait3A_41 : memref<10000x64xf32, #tpu.memory_space<hbm>>) dst(%arg10 : memref<128x64xf32, #tpu.memory_space<vmem>>)
    %dma_start3A_42 = arith.constant 0 : i32
    %dma_start3A_43 = tpu.memref_slice %arg7[%min3A_32, %dma_start3A_42] : memref<80x128xi32, #tpu.memory_space<vmem>> -> memref<1x128xi32, #tpu.memory_space<vmem>>
    %dma_start3A_44 = tpu.memref_squeeze %dma_start3A_43 : memref<1x128xi32, #tpu.memory_space<vmem>> -> memref<128xi32, #tpu.memory_space<vmem>>
    %dma_start3A_45 = arith.constant 0 : i32
    %dma_start3A_46 = arith.constant 0 : i32
    %dma_start3A_47 = tpu.memref_slice %arg2[%dma_start3A_45, %dma_start3A_46] : memref<10000x64xf32, #tpu.memory_space<hbm>> -> memref<10000x64xf32, #tpu.memory_space<hbm>>
    tpu.enqueue_indirect_dma source(%dma_start3A_47 : memref<10000x64xf32, #tpu.memory_space<hbm>>) target(%arg11 : memref<128x64xf32, #tpu.memory_space<vmem>>) offsets(%dma_start3A_44 : memref<128xi32, #tpu.memory_space<vmem>>) semaphore(%arg14 : memref<!tpu.dma_semaphore, #tpu.memory_space<semaphore_mem>>)
    %dma_start3A_48 = arith.constant 0 : i32
    %dma_start3A_49 = arith.constant 0 : i32
    %dma_start3A_50 = tpu.memref_slice %arg8[%dma_start3A_48, %dma_start3A_49] : memref<80x128xi32, #tpu.memory_space<vmem>> -> memref<1x128xi32, #tpu.memory_space<vmem>>
    %dma_start3A_51 = tpu.memref_squeeze %dma_start3A_50 : memref<1x128xi32, #tpu.memory_space<vmem>> -> memref<128xi32, #tpu.memory_space<vmem>>
    %dma_start3A_52 = arith.constant 0 : i32
    %dma_start3A_53 = arith.constant 0 : i32
    %dma_start3A_54 = tpu.memref_slice %arg12[%dma_start3A_52, %dma_start3A_53] : memref<10240x64xf32, #tpu.memory_space<vmem_shared>> -> memref<10240x64xf32, #tpu.memory_space<vmem_shared>>
    tpu.enqueue_indirect_dma source(%arg10 : memref<128x64xf32, #tpu.memory_space<vmem>>) target(%dma_start3A_54 : memref<10240x64xf32, #tpu.memory_space<vmem_shared>>) offsets(%dma_start3A_51 : memref<128xi32, #tpu.memory_space<vmem>>) semaphore(%arg15 : memref<!tpu.dma_semaphore, #tpu.memory_space<semaphore_mem>>) {add = true}
    %dma_wait3A_55 = arith.constant 0 : i32
    %dma_wait3A_56 = tpu.memref_slice %arg7[%min3A_32, %dma_wait3A_55] : memref<80x128xi32, #tpu.memory_space<vmem>> -> memref<1x128xi32, #tpu.memory_space<vmem>>
    %dma_wait3A_57 = tpu.memref_squeeze %dma_wait3A_56 : memref<1x128xi32, #tpu.memory_space<vmem>> -> memref<128xi32, #tpu.memory_space<vmem>>
    %dma_wait3A_58 = arith.constant 0 : i32
    %dma_wait3A_59 = arith.constant 0 : i32
    %dma_wait3A_60 = tpu.memref_slice %arg2[%dma_wait3A_58, %dma_wait3A_59] : memref<10000x64xf32, #tpu.memory_space<hbm>> -> memref<10000x64xf32, #tpu.memory_space<hbm>>
    tpu.wait_indirect_dma semaphore(%arg14 : memref<!tpu.dma_semaphore, #tpu.memory_space<semaphore_mem>>) src(%dma_wait3A_60 : memref<10000x64xf32, #tpu.memory_space<hbm>>) dst(%arg11 : memref<128x64xf32, #tpu.memory_space<vmem>>)
    %dma_wait3A_61 = arith.constant 0 : i32
    %dma_wait3A_62 = arith.constant 0 : i32
    %dma_wait3A_63 = tpu.memref_slice %arg8[%dma_wait3A_61, %dma_wait3A_62] : memref<80x128xi32, #tpu.memory_space<vmem>> -> memref<1x128xi32, #tpu.memory_space<vmem>>
    %dma_wait3A_64 = tpu.memref_squeeze %dma_wait3A_63 : memref<1x128xi32, #tpu.memory_space<vmem>> -> memref<128xi32, #tpu.memory_space<vmem>>
    %dma_wait3A_65 = arith.constant 0 : i32
    %dma_wait3A_66 = arith.constant 0 : i32
    %dma_wait3A_67 = tpu.memref_slice %arg12[%dma_wait3A_65, %dma_wait3A_66] : memref<10240x64xf32, #tpu.memory_space<vmem_shared>> -> memref<10240x64xf32, #tpu.memory_space<vmem_shared>>
    tpu.wait_indirect_dma semaphore(%arg15 : memref<!tpu.dma_semaphore, #tpu.memory_space<semaphore_mem>>) src(%arg10 : memref<128x64xf32, #tpu.memory_space<vmem>>) dst(%dma_wait3A_67 : memref<10240x64xf32, #tpu.memory_space<vmem_shared>>)
    %dma_start3A_68 = arith.constant 0 : i32
    %dma_start3A_69 = tpu.memref_slice %arg7[%min3A_35, %dma_start3A_68] : memref<80x128xi32, #tpu.memory_space<vmem>> -> memref<1x128xi32, #tpu.memory_space<vmem>>
    %dma_start3A_70 = tpu.memref_squeeze %dma_start3A_69 : memref<1x128xi32, #tpu.memory_space<vmem>> -> memref<128xi32, #tpu.memory_space<vmem>>
    %dma_start3A_71 = arith.constant 0 : i32
    %dma_start3A_72 = arith.constant 0 : i32
    %dma_start3A_73 = tpu.memref_slice %arg2[%dma_start3A_71, %dma_start3A_72] : memref<10000x64xf32, #tpu.memory_space<hbm>> -> memref<10000x64xf32, #tpu.memory_space<hbm>>
    tpu.enqueue_indirect_dma source(%dma_start3A_73 : memref<10000x64xf32, #tpu.memory_space<hbm>>) target(%arg10 : memref<128x64xf32, #tpu.memory_space<vmem>>) offsets(%dma_start3A_70 : memref<128xi32, #tpu.memory_space<vmem>>) semaphore(%arg13 : memref<!tpu.dma_semaphore, #tpu.memory_space<semaphore_mem>>)
    %dma_start3A_74 = arith.constant 0 : i32
    %dma_start3A_75 = tpu.memref_slice %arg8[%min3A_32, %dma_start3A_74] : memref<80x128xi32, #tpu.memory_space<vmem>> -> memref<1x128xi32, #tpu.memory_space<vmem>>
    %dma_start3A_76 = tpu.memref_squeeze %dma_start3A_75 : memref<1x128xi32, #tpu.memory_space<vmem>> -> memref<128xi32, #tpu.memory_space<vmem>>
    %dma_start3A_77 = arith.constant 0 : i32
    %dma_start3A_78 = arith.constant 0 : i32
    %dma_start3A_79 = tpu.memref_slice %arg12[%dma_start3A_77, %dma_start3A_78] : memref<10240x64xf32, #tpu.memory_space<vmem_shared>> -> memref<10240x64xf32, #tpu.memory_space<vmem_shared>>
    tpu.enqueue_indirect_dma source(%arg11 : memref<128x64xf32, #tpu.memory_space<vmem>>) target(%dma_start3A_79 : memref<10240x64xf32, #tpu.memory_space<vmem_shared>>) offsets(%dma_start3A_76 : memref<128xi32, #tpu.memory_space<vmem>>) semaphore(%arg16 : memref<!tpu.dma_semaphore, #tpu.memory_space<semaphore_mem>>) {add = true}
    %scan3A = arith.constant 0 : i32
    %scan3A_80 = arith.constant 1 : i32
    %scan3A_81 = arith.constant 39 : i32
    %scan3A_82 = arith.addi %scan3A_80, %scan3A_81 : i32
    %scan3A_83 = arith.constant 1 : i32
    scf.for %scan3A_107 = %scan3A_80 to %scan3A_82 step %scan3A_83  : i32 {
      %mul3A_108 = arith.constant 2 : i32
      %mul3A_109 = arith.muli %scan3A_107, %mul3A_108 : i32
      %add3A_110 = arith.constant 1 : i32
      %add3A_111 = arith.addi %mul3A_109, %add3A_110 : i32
      %min3A_112 = arith.constant 79 : i32
      %min3A_113 = arith.minsi %add3A_111, %min3A_112 : i32
      %add3A_114 = arith.constant 2 : i32
      %add3A_115 = arith.addi %mul3A_109, %add3A_114 : i32
      %min3A_116 = arith.constant 79 : i32
      %min3A_117 = arith.minsi %add3A_115, %min3A_116 : i32
      %dma_wait3A_118 = arith.constant 0 : i32
      %dma_wait3A_119 = tpu.memref_slice %arg7[%mul3A_109, %dma_wait3A_118] : memref<80x128xi32, #tpu.memory_space<vmem>> -> memref<1x128xi32, #tpu.memory_space<vmem>>
      %dma_wait3A_120 = tpu.memref_squeeze %dma_wait3A_119 : memref<1x128xi32, #tpu.memory_space<vmem>> -> memref<128xi32, #tpu.memory_space<vmem>>
      %dma_wait3A_121 = arith.constant 0 : i32
      %dma_wait3A_122 = arith.constant 0 : i32
      %dma_wait3A_123 = tpu.memref_slice %arg2[%dma_wait3A_121, %dma_wait3A_122] : memref<10000x64xf32, #tpu.memory_space<hbm>> -> memref<10000x64xf32, #tpu.memory_space<hbm>>
      tpu.wait_indirect_dma semaphore(%arg13 : memref<!tpu.dma_semaphore, #tpu.memory_space<semaphore_mem>>) src(%dma_wait3A_123 : memref<10000x64xf32, #tpu.memory_space<hbm>>) dst(%arg10 : memref<128x64xf32, #tpu.memory_space<vmem>>)
      %sub3A = arith.constant 1 : i32
      %sub3A_124 = arith.subi %mul3A_109, %sub3A : i32
      %dma_wait3A_125 = arith.constant 0 : i32
      %dma_wait3A_126 = tpu.memref_slice %arg8[%sub3A_124, %dma_wait3A_125] : memref<80x128xi32, #tpu.memory_space<vmem>> -> memref<1x128xi32, #tpu.memory_space<vmem>>
      %dma_wait3A_127 = tpu.memref_squeeze %dma_wait3A_126 : memref<1x128xi32, #tpu.memory_space<vmem>> -> memref<128xi32, #tpu.memory_space<vmem>>
      %dma_wait3A_128 = arith.constant 0 : i32
      %dma_wait3A_129 = arith.constant 0 : i32
      %dma_wait3A_130 = tpu.memref_slice %arg12[%dma_wait3A_128, %dma_wait3A_129] : memref<10240x64xf32, #tpu.memory_space<vmem_shared>> -> memref<10240x64xf32, #tpu.memory_space<vmem_shared>>
      tpu.wait_indirect_dma semaphore(%arg16 : memref<!tpu.dma_semaphore, #tpu.memory_space<semaphore_mem>>) src(%arg11 : memref<128x64xf32, #tpu.memory_space<vmem>>) dst(%dma_wait3A_130 : memref<10240x64xf32, #tpu.memory_space<vmem_shared>>)
      %dma_start3A_131 = arith.constant 0 : i32
      %dma_start3A_132 = tpu.memref_slice %arg7[%min3A_113, %dma_start3A_131] : memref<80x128xi32, #tpu.memory_space<vmem>> -> memref<1x128xi32, #tpu.memory_space<vmem>>
      %dma_start3A_133 = tpu.memref_squeeze %dma_start3A_132 : memref<1x128xi32, #tpu.memory_space<vmem>> -> memref<128xi32, #tpu.memory_space<vmem>>
      %dma_start3A_134 = arith.constant 0 : i32
      %dma_start3A_135 = arith.constant 0 : i32
      %dma_start3A_136 = tpu.memref_slice %arg2[%dma_start3A_134, %dma_start3A_135] : memref<10000x64xf32, #tpu.memory_space<hbm>> -> memref<10000x64xf32, #tpu.memory_space<hbm>>
      tpu.enqueue_indirect_dma source(%dma_start3A_136 : memref<10000x64xf32, #tpu.memory_space<hbm>>) target(%arg11 : memref<128x64xf32, #tpu.memory_space<vmem>>) offsets(%dma_start3A_133 : memref<128xi32, #tpu.memory_space<vmem>>) semaphore(%arg14 : memref<!tpu.dma_semaphore, #tpu.memory_space<semaphore_mem>>)
      %dma_start3A_137 = arith.constant 0 : i32
      %dma_start3A_138 = tpu.memref_slice %arg8[%mul3A_109, %dma_start3A_137] : memref<80x128xi32, #tpu.memory_space<vmem>> -> memref<1x128xi32, #tpu.memory_space<vmem>>
      %dma_start3A_139 = tpu.memref_squeeze %dma_start3A_138 : memref<1x128xi32, #tpu.memory_space<vmem>> -> memref<128xi32, #tpu.memory_space<vmem>>
      %dma_start3A_140 = arith.constant 0 : i32
      %dma_start3A_141 = arith.constant 0 : i32
      %dma_start3A_142 = tpu.memref_slice %arg12[%dma_start3A_140, %dma_start3A_141] : memref<10240x64xf32, #tpu.memory_space<vmem_shared>> -> memref<10240x64xf32, #tpu.memory_space<vmem_shared>>
      tpu.enqueue_indirect_dma source(%arg10 : memref<128x64xf32, #tpu.memory_space<vmem>>) target(%dma_start3A_142 : memref<10240x64xf32, #tpu.memory_space<vmem_shared>>) offsets(%dma_start3A_139 : memref<128xi32, #tpu.memory_space<vmem>>) semaphore(%arg15 : memref<!tpu.dma_semaphore, #tpu.memory_space<semaphore_mem>>) {add = true}
      %dma_wait3A_143 = arith.constant 0 : i32
      %dma_wait3A_144 = tpu.memref_slice %arg7[%min3A_113, %dma_wait3A_143] : memref<80x128xi32, #tpu.memory_space<vmem>> -> memref<1x128xi32, #tpu.memory_space<vmem>>
      %dma_wait3A_145 = tpu.memref_squeeze %dma_wait3A_144 : memref<1x128xi32, #tpu.memory_space<vmem>> -> memref<128xi32, #tpu.memory_space<vmem>>
      %dma_wait3A_146 = arith.constant 0 : i32
      %dma_wait3A_147 = arith.constant 0 : i32
      %dma_wait3A_148 = tpu.memref_slice %arg2[%dma_wait3A_146, %dma_wait3A_147] : memref<10000x64xf32, #tpu.memory_space<hbm>> -> memref<10000x64xf32, #tpu.memory_space<hbm>>
      tpu.wait_indirect_dma semaphore(%arg14 : memref<!tpu.dma_semaphore, #tpu.memory_space<semaphore_mem>>) src(%dma_wait3A_148 : memref<10000x64xf32, #tpu.memory_space<hbm>>) dst(%arg11 : memref<128x64xf32, #tpu.memory_space<vmem>>)
      %dma_wait3A_149 = arith.constant 0 : i32
      %dma_wait3A_150 = tpu.memref_slice %arg8[%mul3A_109, %dma_wait3A_149] : memref<80x128xi32, #tpu.memory_space<vmem>> -> memref<1x128xi32, #tpu.memory_space<vmem>>
      %dma_wait3A_151 = tpu.memref_squeeze %dma_wait3A_150 : memref<1x128xi32, #tpu.memory_space<vmem>> -> memref<128xi32, #tpu.memory_space<vmem>>
      %dma_wait3A_152 = arith.constant 0 : i32
      %dma_wait3A_153 = arith.constant 0 : i32
      %dma_wait3A_154 = tpu.memref_slice %arg12[%dma_wait3A_152, %dma_wait3A_153] : memref<10240x64xf32, #tpu.memory_space<vmem_shared>> -> memref<10240x64xf32, #tpu.memory_space<vmem_shared>>
      tpu.wait_indirect_dma semaphore(%arg15 : memref<!tpu.dma_semaphore, #tpu.memory_space<semaphore_mem>>) src(%arg10 : memref<128x64xf32, #tpu.memory_space<vmem>>) dst(%dma_wait3A_154 : memref<10240x64xf32, #tpu.memory_space<vmem_shared>>)
      %dma_start3A_155 = arith.constant 0 : i32
      %dma_start3A_156 = tpu.memref_slice %arg7[%min3A_117, %dma_start3A_155] : memref<80x128xi32, #tpu.memory_space<vmem>> -> memref<1x128xi32, #tpu.memory_space<vmem>>
      %dma_start3A_157 = tpu.memref_squeeze %dma_start3A_156 : memref<1x128xi32, #tpu.memory_space<vmem>> -> memref<128xi32, #tpu.memory_space<vmem>>
      %dma_start3A_158 = arith.constant 0 : i32
      %dma_start3A_159 = arith.constant 0 : i32
      %dma_start3A_160 = tpu.memref_slice %arg2[%dma_start3A_158, %dma_start3A_159] : memref<10000x64xf32, #tpu.memory_space<hbm>> -> memref<10000x64xf32, #tpu.memory_space<hbm>>
      tpu.enqueue_indirect_dma source(%dma_start3A_160 : memref<10000x64xf32, #tpu.memory_space<hbm>>) target(%arg10 : memref<128x64xf32, #tpu.memory_space<vmem>>) offsets(%dma_start3A_157 : memref<128xi32, #tpu.memory_space<vmem>>) semaphore(%arg13 : memref<!tpu.dma_semaphore, #tpu.memory_space<semaphore_mem>>)
      %dma_start3A_161 = arith.constant 0 : i32
      %dma_start3A_162 = tpu.memref_slice %arg8[%min3A_113, %dma_start3A_161] : memref<80x128xi32, #tpu.memory_space<vmem>> -> memref<1x128xi32, #tpu.memory_space<vmem>>
      %dma_start3A_163 = tpu.memref_squeeze %dma_start3A_162 : memref<1x128xi32, #tpu.memory_space<vmem>> -> memref<128xi32, #tpu.memory_space<vmem>>
      %dma_start3A_164 = arith.constant 0 : i32
      %dma_start3A_165 = arith.constant 0 : i32
      %dma_start3A_166 = tpu.memref_slice %arg12[%dma_start3A_164, %dma_start3A_165] : memref<10240x64xf32, #tpu.memory_space<vmem_shared>> -> memref<10240x64xf32, #tpu.memory_space<vmem_shared>>
      tpu.enqueue_indirect_dma source(%arg11 : memref<128x64xf32, #tpu.memory_space<vmem>>) target(%dma_start3A_166 : memref<10240x64xf32, #tpu.memory_space<vmem_shared>>) offsets(%dma_start3A_163 : memref<128xi32, #tpu.memory_space<vmem>>) semaphore(%arg16 : memref<!tpu.dma_semaphore, #tpu.memory_space<semaphore_mem>>) {add = true}
    }
    %scan3A_84 = arith.constant 39 : i32
    %dma_wait3A_85 = arith.constant 79 : i32
    %dma_wait3A_86 = arith.constant 0 : i32
    %dma_wait3A_87 = tpu.memref_slice %arg7[%dma_wait3A_85, %dma_wait3A_86] : memref<80x128xi32, #tpu.memory_space<vmem>> -> memref<1x128xi32, #tpu.memory_space<vmem>>
    %dma_wait3A_88 = tpu.memref_squeeze %dma_wait3A_87 : memref<1x128xi32, #tpu.memory_space<vmem>> -> memref<128xi32, #tpu.memory_space<vmem>>
    %dma_wait3A_89 = arith.constant 0 : i32
    %dma_wait3A_90 = arith.constant 0 : i32
    %dma_wait3A_91 = tpu.memref_slice %arg2[%dma_wait3A_89, %dma_wait3A_90] : memref<10000x64xf32, #tpu.memory_space<hbm>> -> memref<10000x64xf32, #tpu.memory_space<hbm>>
    tpu.wait_indirect_dma semaphore(%arg13 : memref<!tpu.dma_semaphore, #tpu.memory_space<semaphore_mem>>) src(%dma_wait3A_91 : memref<10000x64xf32, #tpu.memory_space<hbm>>) dst(%arg10 : memref<128x64xf32, #tpu.memory_space<vmem>>)
    %dma_wait3A_92 = arith.constant 79 : i32
    %dma_wait3A_93 = arith.constant 0 : i32
    %dma_wait3A_94 = tpu.memref_slice %arg8[%dma_wait3A_92, %dma_wait3A_93] : memref<80x128xi32, #tpu.memory_space<vmem>> -> memref<1x128xi32, #tpu.memory_space<vmem>>
    %dma_wait3A_95 = tpu.memref_squeeze %dma_wait3A_94 : memref<1x128xi32, #tpu.memory_space<vmem>> -> memref<128xi32, #tpu.memory_space<vmem>>
    %dma_wait3A_96 = arith.constant 0 : i32
    %dma_wait3A_97 = arith.constant 0 : i32
    %dma_wait3A_98 = tpu.memref_slice %arg12[%dma_wait3A_96, %dma_wait3A_97] : memref<10240x64xf32, #tpu.memory_space<vmem_shared>> -> memref<10240x64xf32, #tpu.memory_space<vmem_shared>>
    tpu.wait_indirect_dma semaphore(%arg16 : memref<!tpu.dma_semaphore, #tpu.memory_space<semaphore_mem>>) src(%arg11 : memref<128x64xf32, #tpu.memory_space<vmem>>) dst(%dma_wait3A_98 : memref<10240x64xf32, #tpu.memory_space<vmem_shared>>)
    %barrier3A_99 = arith.constant 0 : index
    tpu.barrier barrier_id(%barrier3A_99)
    %mul3A_100 = arith.constant 640 : i32
    %mul3A_101 = arith.muli %arg1, %mul3A_100 : i32
    %mul3A_102 = arith.constant 10240 : i32
    %mul3A_103 = arith.muli %arg0, %mul3A_102 : i32
    %mul3A_104 = arith.constant 640 : i32
    %mul3A_105 = arith.muli %arg1, %mul3A_104 : i32
    %add3A_106 = arith.addi %mul3A_103, %mul3A_105 : i32
    "tpu.region"() ({
      %run_scoped3A = tpu.sem_alloc : memref<!tpu.dma_semaphore, #tpu.memory_space<semaphore_mem>>
      %dma_start3A_107 = arith.constant 0 : i32
      %dma_start3A_108 = tpu.memref_slice %arg6[%add3A_106, %dma_start3A_107] : memref<20480x64xf32, #tpu.memory_space<hbm>> -> memref<640x64xf32, #tpu.memory_space<hbm>>
      %dma_start3A_109 = arith.constant 0 : i32
      %dma_start3A_110 = tpu.memref_slice %arg12[%mul3A_101, %dma_start3A_109] : memref<10240x64xf32, #tpu.memory_space<vmem_shared>> -> memref<640x64xf32, #tpu.memory_space<vmem_shared>>
      tpu.enqueue_dma source(%dma_start3A_110 : memref<640x64xf32, #tpu.memory_space<vmem_shared>>) target(%dma_start3A_108 : memref<640x64xf32, #tpu.memory_space<hbm>>) target_semaphore(%run_scoped3A : memref<!tpu.dma_semaphore, #tpu.memory_space<semaphore_mem>>)
      %dma_wait3A_111 = arith.constant 0 : i32
      %dma_wait3A_112 = tpu.memref_slice %arg6[%add3A_106, %dma_wait3A_111] : memref<20480x64xf32, #tpu.memory_space<hbm>> -> memref<640x64xf32, #tpu.memory_space<hbm>>
      %dma_wait3A_113 = arith.constant 0 : i32
      %dma_wait3A_114 = tpu.memref_slice %arg12[%mul3A_101, %dma_wait3A_113] : memref<10240x64xf32, #tpu.memory_space<vmem_shared>> -> memref<640x64xf32, #tpu.memory_space<vmem_shared>>
      tpu.wait_dma2 semaphore(%run_scoped3A : memref<!tpu.dma_semaphore, #tpu.memory_space<semaphore_mem>>) src(%dma_wait3A_114 : memref<640x64xf32, #tpu.memory_space<vmem_shared>>) dst(%dma_wait3A_112 : memref<640x64xf32, #tpu.memory_space<hbm>>)
      tpu.yield
    }) : () -> ()
    return
  }
}

#map = affine_map<(d0, d1) -> (0, 0)>
module attributes {stable_mosaic.version = 14 : i64} {
  func.func @msg(%arg0: i32, %arg1: i32, %arg2: memref<20000x64xf32, #tpu.memory_space<hbm>>, %arg3: memref<5120x128xi32, #tpu.memory_space<hbm>>, %arg4: memref<2560x128xi32, #tpu.memory_space<hbm>>, %arg5: memref<128x64xf32, #tpu.memory_space<hbm>>, %arg6: memref<20480x64xf32, #tpu.memory_space<hbm>>, %arg7: memref<160x128xi32, #tpu.memory_space<vmem>>, %arg8: memref<160x128xi32, #tpu.memory_space<vmem>>, %arg9: memref<128x64xf32, #tpu.memory_space<vmem>>, %arg10: memref<128x64xf32, #tpu.memory_space<vmem>>, %arg11: memref<128x64xf32, #tpu.memory_space<vmem>>, %arg12: memref<10240x64xf32, #tpu.memory_space<vmem_shared>>, %arg13: memref<!tpu.dma_semaphore, #tpu.memory_space<semaphore_mem>>, %arg14: memref<!tpu.dma_semaphore, #tpu.memory_space<semaphore_mem>>, %arg15: memref<!tpu.dma_semaphore, #tpu.memory_space<semaphore_mem>>, %arg16: memref<!tpu.dma_semaphore, #tpu.memory_space<semaphore_mem>>) attributes {dimension_semantics = [#tpu.dimension_semantics<core_parallel>, #tpu.dimension_semantics<subcore_parallel>], iteration_bounds = array<i64: 2, 16>, scalar_prefetch = 0 : i64, scratch_operands = 10 : i64, tpu.core_type = #tpu.core_type<sc_vector_subcore>, window_params = [{transform_indices = #map}, {transform_indices = #map}, {transform_indices = #map}, {transform_indices = #map}, {transform_indices = #map}]} {
    "tpu.region"() ({
      %run_scoped3A = tpu.sem_alloc : memref<!tpu.dma_semaphore, #tpu.memory_space<semaphore_mem>>
      tpu.enqueue_dma source(%arg5 : memref<128x64xf32, #tpu.memory_space<hbm>>) target(%arg9 : memref<128x64xf32, #tpu.memory_space<vmem>>) target_semaphore(%run_scoped3A : memref<!tpu.dma_semaphore, #tpu.memory_space<semaphore_mem>>)
      tpu.wait_dma2 semaphore(%run_scoped3A : memref<!tpu.dma_semaphore, #tpu.memory_space<semaphore_mem>>) src(%arg5 : memref<128x64xf32, #tpu.memory_space<hbm>>) dst(%arg9 : memref<128x64xf32, #tpu.memory_space<vmem>>)
      tpu.yield
    }) : () -> ()
    %mul3A = arith.constant 640 : i32
    %mul3A_0 = arith.muli %arg1, %mul3A : i32
    %add3A = arith.constant 0 : i32
    %add3A_1 = arith.addi %mul3A_0, %add3A : i32
    "tpu.region"() ({
      %run_scoped3A = tpu.sem_alloc : memref<!tpu.dma_semaphore, #tpu.memory_space<semaphore_mem>>
      %dma_start3A_107 = arith.constant 0 : i32
      %dma_start3A_108 = tpu.memref_slice %arg12[%add3A_1, %dma_start3A_107] : memref<10240x64xf32, #tpu.memory_space<vmem_shared>> -> memref<128x64xf32, #tpu.memory_space<vmem_shared>>
      %dma_start3A_109 = arith.constant 0 : i32
      %dma_start3A_110 = tpu.memref_slice %arg12[%add3A_1, %dma_start3A_109] : memref<10240x64xf32, #tpu.memory_space<vmem_shared>> -> memref<128x64xf32, #tpu.memory_space<vmem_shared>>
      tpu.enqueue_dma source(%arg9 : memref<128x64xf32, #tpu.memory_space<vmem>>) target(%dma_start3A_110 : memref<128x64xf32, #tpu.memory_space<vmem_shared>>) target_semaphore(%run_scoped3A : memref<!tpu.dma_semaphore, #tpu.memory_space<semaphore_mem>>)
      %dma_wait3A_111 = arith.constant 0 : i32
      %dma_wait3A_112 = tpu.memref_slice %arg12[%add3A_1, %dma_wait3A_111] : memref<10240x64xf32, #tpu.memory_space<vmem_shared>> -> memref<128x64xf32, #tpu.memory_space<vmem_shared>>
      %dma_wait3A_113 = arith.constant 0 : i32
      %dma_wait3A_114 = tpu.memref_slice %arg12[%add3A_1, %dma_wait3A_113] : memref<10240x64xf32, #tpu.memory_space<vmem_shared>> -> memref<128x64xf32, #tpu.memory_space<vmem_shared>>
      tpu.wait_dma2 semaphore(%run_scoped3A : memref<!tpu.dma_semaphore, #tpu.memory_space<semaphore_mem>>) src(%arg9 : memref<128x64xf32, #tpu.memory_space<vmem>>) dst(%dma_wait3A_114 : memref<128x64xf32, #tpu.memory_space<vmem_shared>>)
      tpu.yield
    }) : () -> ()
    %mul3A_2 = arith.constant 640 : i32
    %mul3A_3 = arith.muli %arg1, %mul3A_2 : i32
    %add3A_4 = arith.constant 128 : i32
    %add3A_5 = arith.addi %mul3A_3, %add3A_4 : i32
    "tpu.region"() ({
      %run_scoped3A = tpu.sem_alloc : memref<!tpu.dma_semaphore, #tpu.memory_space<semaphore_mem>>
      %dma_start3A_107 = arith.constant 0 : i32
      %dma_start3A_108 = tpu.memref_slice %arg12[%add3A_5, %dma_start3A_107] : memref<10240x64xf32, #tpu.memory_space<vmem_shared>> -> memref<128x64xf32, #tpu.memory_space<vmem_shared>>
      %dma_start3A_109 = arith.constant 0 : i32
      %dma_start3A_110 = tpu.memref_slice %arg12[%add3A_5, %dma_start3A_109] : memref<10240x64xf32, #tpu.memory_space<vmem_shared>> -> memref<128x64xf32, #tpu.memory_space<vmem_shared>>
      tpu.enqueue_dma source(%arg9 : memref<128x64xf32, #tpu.memory_space<vmem>>) target(%dma_start3A_110 : memref<128x64xf32, #tpu.memory_space<vmem_shared>>) target_semaphore(%run_scoped3A : memref<!tpu.dma_semaphore, #tpu.memory_space<semaphore_mem>>)
      %dma_wait3A_111 = arith.constant 0 : i32
      %dma_wait3A_112 = tpu.memref_slice %arg12[%add3A_5, %dma_wait3A_111] : memref<10240x64xf32, #tpu.memory_space<vmem_shared>> -> memref<128x64xf32, #tpu.memory_space<vmem_shared>>
      %dma_wait3A_113 = arith.constant 0 : i32
      %dma_wait3A_114 = tpu.memref_slice %arg12[%add3A_5, %dma_wait3A_113] : memref<10240x64xf32, #tpu.memory_space<vmem_shared>> -> memref<128x64xf32, #tpu.memory_space<vmem_shared>>
      tpu.wait_dma2 semaphore(%run_scoped3A : memref<!tpu.dma_semaphore, #tpu.memory_space<semaphore_mem>>) src(%arg9 : memref<128x64xf32, #tpu.memory_space<vmem>>) dst(%dma_wait3A_114 : memref<128x64xf32, #tpu.memory_space<vmem_shared>>)
      tpu.yield
    }) : () -> ()
    %mul3A_6 = arith.constant 640 : i32
    %mul3A_7 = arith.muli %arg1, %mul3A_6 : i32
    %add3A_8 = arith.constant 256 : i32
    %add3A_9 = arith.addi %mul3A_7, %add3A_8 : i32
    "tpu.region"() ({
      %run_scoped3A = tpu.sem_alloc : memref<!tpu.dma_semaphore, #tpu.memory_space<semaphore_mem>>
      %dma_start3A_107 = arith.constant 0 : i32
      %dma_start3A_108 = tpu.memref_slice %arg12[%add3A_9, %dma_start3A_107] : memref<10240x64xf32, #tpu.memory_space<vmem_shared>> -> memref<128x64xf32, #tpu.memory_space<vmem_shared>>
      %dma_start3A_109 = arith.constant 0 : i32
      %dma_start3A_110 = tpu.memref_slice %arg12[%add3A_9, %dma_start3A_109] : memref<10240x64xf32, #tpu.memory_space<vmem_shared>> -> memref<128x64xf32, #tpu.memory_space<vmem_shared>>
      tpu.enqueue_dma source(%arg9 : memref<128x64xf32, #tpu.memory_space<vmem>>) target(%dma_start3A_110 : memref<128x64xf32, #tpu.memory_space<vmem_shared>>) target_semaphore(%run_scoped3A : memref<!tpu.dma_semaphore, #tpu.memory_space<semaphore_mem>>)
      %dma_wait3A_111 = arith.constant 0 : i32
      %dma_wait3A_112 = tpu.memref_slice %arg12[%add3A_9, %dma_wait3A_111] : memref<10240x64xf32, #tpu.memory_space<vmem_shared>> -> memref<128x64xf32, #tpu.memory_space<vmem_shared>>
      %dma_wait3A_113 = arith.constant 0 : i32
      %dma_wait3A_114 = tpu.memref_slice %arg12[%add3A_9, %dma_wait3A_113] : memref<10240x64xf32, #tpu.memory_space<vmem_shared>> -> memref<128x64xf32, #tpu.memory_space<vmem_shared>>
      tpu.wait_dma2 semaphore(%run_scoped3A : memref<!tpu.dma_semaphore, #tpu.memory_space<semaphore_mem>>) src(%arg9 : memref<128x64xf32, #tpu.memory_space<vmem>>) dst(%dma_wait3A_114 : memref<128x64xf32, #tpu.memory_space<vmem_shared>>)
      tpu.yield
    }) : () -> ()
    %mul3A_10 = arith.constant 640 : i32
    %mul3A_11 = arith.muli %arg1, %mul3A_10 : i32
    %add3A_12 = arith.constant 384 : i32
    %add3A_13 = arith.addi %mul3A_11, %add3A_12 : i32
    "tpu.region"() ({
      %run_scoped3A = tpu.sem_alloc : memref<!tpu.dma_semaphore, #tpu.memory_space<semaphore_mem>>
      %dma_start3A_107 = arith.constant 0 : i32
      %dma_start3A_108 = tpu.memref_slice %arg12[%add3A_13, %dma_start3A_107] : memref<10240x64xf32, #tpu.memory_space<vmem_shared>> -> memref<128x64xf32, #tpu.memory_space<vmem_shared>>
      %dma_start3A_109 = arith.constant 0 : i32
      %dma_start3A_110 = tpu.memref_slice %arg12[%add3A_13, %dma_start3A_109] : memref<10240x64xf32, #tpu.memory_space<vmem_shared>> -> memref<128x64xf32, #tpu.memory_space<vmem_shared>>
      tpu.enqueue_dma source(%arg9 : memref<128x64xf32, #tpu.memory_space<vmem>>) target(%dma_start3A_110 : memref<128x64xf32, #tpu.memory_space<vmem_shared>>) target_semaphore(%run_scoped3A : memref<!tpu.dma_semaphore, #tpu.memory_space<semaphore_mem>>)
      %dma_wait3A_111 = arith.constant 0 : i32
      %dma_wait3A_112 = tpu.memref_slice %arg12[%add3A_13, %dma_wait3A_111] : memref<10240x64xf32, #tpu.memory_space<vmem_shared>> -> memref<128x64xf32, #tpu.memory_space<vmem_shared>>
      %dma_wait3A_113 = arith.constant 0 : i32
      %dma_wait3A_114 = tpu.memref_slice %arg12[%add3A_13, %dma_wait3A_113] : memref<10240x64xf32, #tpu.memory_space<vmem_shared>> -> memref<128x64xf32, #tpu.memory_space<vmem_shared>>
      tpu.wait_dma2 semaphore(%run_scoped3A : memref<!tpu.dma_semaphore, #tpu.memory_space<semaphore_mem>>) src(%arg9 : memref<128x64xf32, #tpu.memory_space<vmem>>) dst(%dma_wait3A_114 : memref<128x64xf32, #tpu.memory_space<vmem_shared>>)
      tpu.yield
    }) : () -> ()
    %mul3A_14 = arith.constant 640 : i32
    %mul3A_15 = arith.muli %arg1, %mul3A_14 : i32
    %add3A_16 = arith.constant 512 : i32
    %add3A_17 = arith.addi %mul3A_15, %add3A_16 : i32
    "tpu.region"() ({
      %run_scoped3A = tpu.sem_alloc : memref<!tpu.dma_semaphore, #tpu.memory_space<semaphore_mem>>
      %dma_start3A_107 = arith.constant 0 : i32
      %dma_start3A_108 = tpu.memref_slice %arg12[%add3A_17, %dma_start3A_107] : memref<10240x64xf32, #tpu.memory_space<vmem_shared>> -> memref<128x64xf32, #tpu.memory_space<vmem_shared>>
      %dma_start3A_109 = arith.constant 0 : i32
      %dma_start3A_110 = tpu.memref_slice %arg12[%add3A_17, %dma_start3A_109] : memref<10240x64xf32, #tpu.memory_space<vmem_shared>> -> memref<128x64xf32, #tpu.memory_space<vmem_shared>>
      tpu.enqueue_dma source(%arg9 : memref<128x64xf32, #tpu.memory_space<vmem>>) target(%dma_start3A_110 : memref<128x64xf32, #tpu.memory_space<vmem_shared>>) target_semaphore(%run_scoped3A : memref<!tpu.dma_semaphore, #tpu.memory_space<semaphore_mem>>)
      %dma_wait3A_111 = arith.constant 0 : i32
      %dma_wait3A_112 = tpu.memref_slice %arg12[%add3A_17, %dma_wait3A_111] : memref<10240x64xf32, #tpu.memory_space<vmem_shared>> -> memref<128x64xf32, #tpu.memory_space<vmem_shared>>
      %dma_wait3A_113 = arith.constant 0 : i32
      %dma_wait3A_114 = tpu.memref_slice %arg12[%add3A_17, %dma_wait3A_113] : memref<10240x64xf32, #tpu.memory_space<vmem_shared>> -> memref<128x64xf32, #tpu.memory_space<vmem_shared>>
      tpu.wait_dma2 semaphore(%run_scoped3A : memref<!tpu.dma_semaphore, #tpu.memory_space<semaphore_mem>>) src(%arg9 : memref<128x64xf32, #tpu.memory_space<vmem>>) dst(%dma_wait3A_114 : memref<128x64xf32, #tpu.memory_space<vmem_shared>>)
      tpu.yield
    }) : () -> ()
    %mul3A_18 = arith.constant 2560 : i32
    %mul3A_19 = arith.muli %arg0, %mul3A_18 : i32
    %mul3A_20 = arith.constant 160 : i32
    %mul3A_21 = arith.muli %arg1, %mul3A_20 : i32
    %add3A_22 = arith.addi %mul3A_19, %mul3A_21 : i32
    "tpu.region"() ({
      %run_scoped3A = tpu.sem_alloc : memref<!tpu.dma_semaphore, #tpu.memory_space<semaphore_mem>>
      %dma_start3A_107 = arith.constant 0 : i32
      %dma_start3A_108 = tpu.memref_slice %arg3[%add3A_22, %dma_start3A_107] : memref<5120x128xi32, #tpu.memory_space<hbm>> -> memref<160x128xi32, #tpu.memory_space<hbm>>
      %dma_start3A_109 = arith.constant 0 : i32
      %dma_start3A_110 = tpu.memref_slice %arg3[%add3A_22, %dma_start3A_109] : memref<5120x128xi32, #tpu.memory_space<hbm>> -> memref<160x128xi32, #tpu.memory_space<hbm>>
      tpu.enqueue_dma source(%dma_start3A_110 : memref<160x128xi32, #tpu.memory_space<hbm>>) target(%arg7 : memref<160x128xi32, #tpu.memory_space<vmem>>) target_semaphore(%run_scoped3A : memref<!tpu.dma_semaphore, #tpu.memory_space<semaphore_mem>>)
      %dma_wait3A_111 = arith.constant 0 : i32
      %dma_wait3A_112 = tpu.memref_slice %arg3[%add3A_22, %dma_wait3A_111] : memref<5120x128xi32, #tpu.memory_space<hbm>> -> memref<160x128xi32, #tpu.memory_space<hbm>>
      %dma_wait3A_113 = arith.constant 0 : i32
      %dma_wait3A_114 = tpu.memref_slice %arg3[%add3A_22, %dma_wait3A_113] : memref<5120x128xi32, #tpu.memory_space<hbm>> -> memref<160x128xi32, #tpu.memory_space<hbm>>
      tpu.wait_dma2 semaphore(%run_scoped3A : memref<!tpu.dma_semaphore, #tpu.memory_space<semaphore_mem>>) src(%dma_wait3A_114 : memref<160x128xi32, #tpu.memory_space<hbm>>) dst(%arg7 : memref<160x128xi32, #tpu.memory_space<vmem>>)
      tpu.yield
    }) : () -> ()
    %mul3A_23 = arith.constant 160 : i32
    %mul3A_24 = arith.muli %arg1, %mul3A_23 : i32
    "tpu.region"() ({
      %run_scoped3A = tpu.sem_alloc : memref<!tpu.dma_semaphore, #tpu.memory_space<semaphore_mem>>
      %dma_start3A_107 = arith.constant 0 : i32
      %dma_start3A_108 = tpu.memref_slice %arg4[%mul3A_24, %dma_start3A_107] : memref<2560x128xi32, #tpu.memory_space<hbm>> -> memref<160x128xi32, #tpu.memory_space<hbm>>
      %dma_start3A_109 = arith.constant 0 : i32
      %dma_start3A_110 = tpu.memref_slice %arg4[%mul3A_24, %dma_start3A_109] : memref<2560x128xi32, #tpu.memory_space<hbm>> -> memref<160x128xi32, #tpu.memory_space<hbm>>
      tpu.enqueue_dma source(%dma_start3A_110 : memref<160x128xi32, #tpu.memory_space<hbm>>) target(%arg8 : memref<160x128xi32, #tpu.memory_space<vmem>>) target_semaphore(%run_scoped3A : memref<!tpu.dma_semaphore, #tpu.memory_space<semaphore_mem>>)
      %dma_wait3A_111 = arith.constant 0 : i32
      %dma_wait3A_112 = tpu.memref_slice %arg4[%mul3A_24, %dma_wait3A_111] : memref<2560x128xi32, #tpu.memory_space<hbm>> -> memref<160x128xi32, #tpu.memory_space<hbm>>
      %dma_wait3A_113 = arith.constant 0 : i32
      %dma_wait3A_114 = tpu.memref_slice %arg4[%mul3A_24, %dma_wait3A_113] : memref<2560x128xi32, #tpu.memory_space<hbm>> -> memref<160x128xi32, #tpu.memory_space<hbm>>
      tpu.wait_dma2 semaphore(%run_scoped3A : memref<!tpu.dma_semaphore, #tpu.memory_space<semaphore_mem>>) src(%dma_wait3A_114 : memref<160x128xi32, #tpu.memory_space<hbm>>) dst(%arg8 : memref<160x128xi32, #tpu.memory_space<vmem>>)
      tpu.yield
    }) : () -> ()
    %barrier3A = arith.constant 0 : index
    tpu.barrier barrier_id(%barrier3A)
    %dma_start3A = arith.constant 0 : i32
    %dma_start3A_25 = arith.constant 0 : i32
    %dma_start3A_26 = tpu.memref_slice %arg7[%dma_start3A, %dma_start3A_25] : memref<160x128xi32, #tpu.memory_space<vmem>> -> memref<1x128xi32, #tpu.memory_space<vmem>>
    %dma_start3A_27 = tpu.memref_squeeze %dma_start3A_26 : memref<1x128xi32, #tpu.memory_space<vmem>> -> memref<128xi32, #tpu.memory_space<vmem>>
    %dma_start3A_28 = arith.constant 0 : i32
    %dma_start3A_29 = arith.constant 0 : i32
    %dma_start3A_30 = tpu.memref_slice %arg2[%dma_start3A_28, %dma_start3A_29] : memref<20000x64xf32, #tpu.memory_space<hbm>> -> memref<20000x64xf32, #tpu.memory_space<hbm>>
    tpu.enqueue_indirect_dma source(%dma_start3A_30 : memref<20000x64xf32, #tpu.memory_space<hbm>>) target(%arg10 : memref<128x64xf32, #tpu.memory_space<vmem>>) offsets(%dma_start3A_27 : memref<128xi32, #tpu.memory_space<vmem>>) semaphore(%arg13 : memref<!tpu.dma_semaphore, #tpu.memory_space<semaphore_mem>>)
    %min3A = arith.constant 1 : i32
    %min3A_31 = arith.constant 159 : i32
    %min3A_32 = arith.minsi %min3A, %min3A_31 : i32
    %min3A_33 = arith.constant 2 : i32
    %min3A_34 = arith.constant 159 : i32
    %min3A_35 = arith.minsi %min3A_33, %min3A_34 : i32
    %dma_wait3A = arith.constant 0 : i32
    %dma_wait3A_36 = arith.constant 0 : i32
    %dma_wait3A_37 = tpu.memref_slice %arg7[%dma_wait3A, %dma_wait3A_36] : memref<160x128xi32, #tpu.memory_space<vmem>> -> memref<1x128xi32, #tpu.memory_space<vmem>>
    %dma_wait3A_38 = tpu.memref_squeeze %dma_wait3A_37 : memref<1x128xi32, #tpu.memory_space<vmem>> -> memref<128xi32, #tpu.memory_space<vmem>>
    %dma_wait3A_39 = arith.constant 0 : i32
    %dma_wait3A_40 = arith.constant 0 : i32
    %dma_wait3A_41 = tpu.memref_slice %arg2[%dma_wait3A_39, %dma_wait3A_40] : memref<20000x64xf32, #tpu.memory_space<hbm>> -> memref<20000x64xf32, #tpu.memory_space<hbm>>
    tpu.wait_indirect_dma semaphore(%arg13 : memref<!tpu.dma_semaphore, #tpu.memory_space<semaphore_mem>>) src(%dma_wait3A_41 : memref<20000x64xf32, #tpu.memory_space<hbm>>) dst(%arg10 : memref<128x64xf32, #tpu.memory_space<vmem>>)
    %dma_start3A_42 = arith.constant 0 : i32
    %dma_start3A_43 = tpu.memref_slice %arg7[%min3A_32, %dma_start3A_42] : memref<160x128xi32, #tpu.memory_space<vmem>> -> memref<1x128xi32, #tpu.memory_space<vmem>>
    %dma_start3A_44 = tpu.memref_squeeze %dma_start3A_43 : memref<1x128xi32, #tpu.memory_space<vmem>> -> memref<128xi32, #tpu.memory_space<vmem>>
    %dma_start3A_45 = arith.constant 0 : i32
    %dma_start3A_46 = arith.constant 0 : i32
    %dma_start3A_47 = tpu.memref_slice %arg2[%dma_start3A_45, %dma_start3A_46] : memref<20000x64xf32, #tpu.memory_space<hbm>> -> memref<20000x64xf32, #tpu.memory_space<hbm>>
    tpu.enqueue_indirect_dma source(%dma_start3A_47 : memref<20000x64xf32, #tpu.memory_space<hbm>>) target(%arg11 : memref<128x64xf32, #tpu.memory_space<vmem>>) offsets(%dma_start3A_44 : memref<128xi32, #tpu.memory_space<vmem>>) semaphore(%arg14 : memref<!tpu.dma_semaphore, #tpu.memory_space<semaphore_mem>>)
    %dma_start3A_48 = arith.constant 0 : i32
    %dma_start3A_49 = arith.constant 0 : i32
    %dma_start3A_50 = tpu.memref_slice %arg8[%dma_start3A_48, %dma_start3A_49] : memref<160x128xi32, #tpu.memory_space<vmem>> -> memref<1x128xi32, #tpu.memory_space<vmem>>
    %dma_start3A_51 = tpu.memref_squeeze %dma_start3A_50 : memref<1x128xi32, #tpu.memory_space<vmem>> -> memref<128xi32, #tpu.memory_space<vmem>>
    %dma_start3A_52 = arith.constant 0 : i32
    %dma_start3A_53 = arith.constant 0 : i32
    %dma_start3A_54 = tpu.memref_slice %arg12[%dma_start3A_52, %dma_start3A_53] : memref<10240x64xf32, #tpu.memory_space<vmem_shared>> -> memref<10240x64xf32, #tpu.memory_space<vmem_shared>>
    tpu.enqueue_indirect_dma source(%arg10 : memref<128x64xf32, #tpu.memory_space<vmem>>) target(%dma_start3A_54 : memref<10240x64xf32, #tpu.memory_space<vmem_shared>>) offsets(%dma_start3A_51 : memref<128xi32, #tpu.memory_space<vmem>>) semaphore(%arg15 : memref<!tpu.dma_semaphore, #tpu.memory_space<semaphore_mem>>) {add = true}
    %dma_wait3A_55 = arith.constant 0 : i32
    %dma_wait3A_56 = tpu.memref_slice %arg7[%min3A_32, %dma_wait3A_55] : memref<160x128xi32, #tpu.memory_space<vmem>> -> memref<1x128xi32, #tpu.memory_space<vmem>>
    %dma_wait3A_57 = tpu.memref_squeeze %dma_wait3A_56 : memref<1x128xi32, #tpu.memory_space<vmem>> -> memref<128xi32, #tpu.memory_space<vmem>>
    %dma_wait3A_58 = arith.constant 0 : i32
    %dma_wait3A_59 = arith.constant 0 : i32
    %dma_wait3A_60 = tpu.memref_slice %arg2[%dma_wait3A_58, %dma_wait3A_59] : memref<20000x64xf32, #tpu.memory_space<hbm>> -> memref<20000x64xf32, #tpu.memory_space<hbm>>
    tpu.wait_indirect_dma semaphore(%arg14 : memref<!tpu.dma_semaphore, #tpu.memory_space<semaphore_mem>>) src(%dma_wait3A_60 : memref<20000x64xf32, #tpu.memory_space<hbm>>) dst(%arg11 : memref<128x64xf32, #tpu.memory_space<vmem>>)
    %dma_wait3A_61 = arith.constant 0 : i32
    %dma_wait3A_62 = arith.constant 0 : i32
    %dma_wait3A_63 = tpu.memref_slice %arg8[%dma_wait3A_61, %dma_wait3A_62] : memref<160x128xi32, #tpu.memory_space<vmem>> -> memref<1x128xi32, #tpu.memory_space<vmem>>
    %dma_wait3A_64 = tpu.memref_squeeze %dma_wait3A_63 : memref<1x128xi32, #tpu.memory_space<vmem>> -> memref<128xi32, #tpu.memory_space<vmem>>
    %dma_wait3A_65 = arith.constant 0 : i32
    %dma_wait3A_66 = arith.constant 0 : i32
    %dma_wait3A_67 = tpu.memref_slice %arg12[%dma_wait3A_65, %dma_wait3A_66] : memref<10240x64xf32, #tpu.memory_space<vmem_shared>> -> memref<10240x64xf32, #tpu.memory_space<vmem_shared>>
    tpu.wait_indirect_dma semaphore(%arg15 : memref<!tpu.dma_semaphore, #tpu.memory_space<semaphore_mem>>) src(%arg10 : memref<128x64xf32, #tpu.memory_space<vmem>>) dst(%dma_wait3A_67 : memref<10240x64xf32, #tpu.memory_space<vmem_shared>>)
    %dma_start3A_68 = arith.constant 0 : i32
    %dma_start3A_69 = tpu.memref_slice %arg7[%min3A_35, %dma_start3A_68] : memref<160x128xi32, #tpu.memory_space<vmem>> -> memref<1x128xi32, #tpu.memory_space<vmem>>
    %dma_start3A_70 = tpu.memref_squeeze %dma_start3A_69 : memref<1x128xi32, #tpu.memory_space<vmem>> -> memref<128xi32, #tpu.memory_space<vmem>>
    %dma_start3A_71 = arith.constant 0 : i32
    %dma_start3A_72 = arith.constant 0 : i32
    %dma_start3A_73 = tpu.memref_slice %arg2[%dma_start3A_71, %dma_start3A_72] : memref<20000x64xf32, #tpu.memory_space<hbm>> -> memref<20000x64xf32, #tpu.memory_space<hbm>>
    tpu.enqueue_indirect_dma source(%dma_start3A_73 : memref<20000x64xf32, #tpu.memory_space<hbm>>) target(%arg10 : memref<128x64xf32, #tpu.memory_space<vmem>>) offsets(%dma_start3A_70 : memref<128xi32, #tpu.memory_space<vmem>>) semaphore(%arg13 : memref<!tpu.dma_semaphore, #tpu.memory_space<semaphore_mem>>)
    %dma_start3A_74 = arith.constant 0 : i32
    %dma_start3A_75 = tpu.memref_slice %arg8[%min3A_32, %dma_start3A_74] : memref<160x128xi32, #tpu.memory_space<vmem>> -> memref<1x128xi32, #tpu.memory_space<vmem>>
    %dma_start3A_76 = tpu.memref_squeeze %dma_start3A_75 : memref<1x128xi32, #tpu.memory_space<vmem>> -> memref<128xi32, #tpu.memory_space<vmem>>
    %dma_start3A_77 = arith.constant 0 : i32
    %dma_start3A_78 = arith.constant 0 : i32
    %dma_start3A_79 = tpu.memref_slice %arg12[%dma_start3A_77, %dma_start3A_78] : memref<10240x64xf32, #tpu.memory_space<vmem_shared>> -> memref<10240x64xf32, #tpu.memory_space<vmem_shared>>
    tpu.enqueue_indirect_dma source(%arg11 : memref<128x64xf32, #tpu.memory_space<vmem>>) target(%dma_start3A_79 : memref<10240x64xf32, #tpu.memory_space<vmem_shared>>) offsets(%dma_start3A_76 : memref<128xi32, #tpu.memory_space<vmem>>) semaphore(%arg16 : memref<!tpu.dma_semaphore, #tpu.memory_space<semaphore_mem>>) {add = true}
    %scan3A = arith.constant 0 : i32
    %scan3A_80 = arith.constant 1 : i32
    %scan3A_81 = arith.constant 79 : i32
    %scan3A_82 = arith.addi %scan3A_80, %scan3A_81 : i32
    %scan3A_83 = arith.constant 1 : i32
    scf.for %scan3A_107 = %scan3A_80 to %scan3A_82 step %scan3A_83  : i32 {
      %mul3A_108 = arith.constant 2 : i32
      %mul3A_109 = arith.muli %scan3A_107, %mul3A_108 : i32
      %add3A_110 = arith.constant 1 : i32
      %add3A_111 = arith.addi %mul3A_109, %add3A_110 : i32
      %min3A_112 = arith.constant 159 : i32
      %min3A_113 = arith.minsi %add3A_111, %min3A_112 : i32
      %add3A_114 = arith.constant 2 : i32
      %add3A_115 = arith.addi %mul3A_109, %add3A_114 : i32
      %min3A_116 = arith.constant 159 : i32
      %min3A_117 = arith.minsi %add3A_115, %min3A_116 : i32
      %dma_wait3A_118 = arith.constant 0 : i32
      %dma_wait3A_119 = tpu.memref_slice %arg7[%mul3A_109, %dma_wait3A_118] : memref<160x128xi32, #tpu.memory_space<vmem>> -> memref<1x128xi32, #tpu.memory_space<vmem>>
      %dma_wait3A_120 = tpu.memref_squeeze %dma_wait3A_119 : memref<1x128xi32, #tpu.memory_space<vmem>> -> memref<128xi32, #tpu.memory_space<vmem>>
      %dma_wait3A_121 = arith.constant 0 : i32
      %dma_wait3A_122 = arith.constant 0 : i32
      %dma_wait3A_123 = tpu.memref_slice %arg2[%dma_wait3A_121, %dma_wait3A_122] : memref<20000x64xf32, #tpu.memory_space<hbm>> -> memref<20000x64xf32, #tpu.memory_space<hbm>>
      tpu.wait_indirect_dma semaphore(%arg13 : memref<!tpu.dma_semaphore, #tpu.memory_space<semaphore_mem>>) src(%dma_wait3A_123 : memref<20000x64xf32, #tpu.memory_space<hbm>>) dst(%arg10 : memref<128x64xf32, #tpu.memory_space<vmem>>)
      %sub3A = arith.constant 1 : i32
      %sub3A_124 = arith.subi %mul3A_109, %sub3A : i32
      %dma_wait3A_125 = arith.constant 0 : i32
      %dma_wait3A_126 = tpu.memref_slice %arg8[%sub3A_124, %dma_wait3A_125] : memref<160x128xi32, #tpu.memory_space<vmem>> -> memref<1x128xi32, #tpu.memory_space<vmem>>
      %dma_wait3A_127 = tpu.memref_squeeze %dma_wait3A_126 : memref<1x128xi32, #tpu.memory_space<vmem>> -> memref<128xi32, #tpu.memory_space<vmem>>
      %dma_wait3A_128 = arith.constant 0 : i32
      %dma_wait3A_129 = arith.constant 0 : i32
      %dma_wait3A_130 = tpu.memref_slice %arg12[%dma_wait3A_128, %dma_wait3A_129] : memref<10240x64xf32, #tpu.memory_space<vmem_shared>> -> memref<10240x64xf32, #tpu.memory_space<vmem_shared>>
      tpu.wait_indirect_dma semaphore(%arg16 : memref<!tpu.dma_semaphore, #tpu.memory_space<semaphore_mem>>) src(%arg11 : memref<128x64xf32, #tpu.memory_space<vmem>>) dst(%dma_wait3A_130 : memref<10240x64xf32, #tpu.memory_space<vmem_shared>>)
      %dma_start3A_131 = arith.constant 0 : i32
      %dma_start3A_132 = tpu.memref_slice %arg7[%min3A_113, %dma_start3A_131] : memref<160x128xi32, #tpu.memory_space<vmem>> -> memref<1x128xi32, #tpu.memory_space<vmem>>
      %dma_start3A_133 = tpu.memref_squeeze %dma_start3A_132 : memref<1x128xi32, #tpu.memory_space<vmem>> -> memref<128xi32, #tpu.memory_space<vmem>>
      %dma_start3A_134 = arith.constant 0 : i32
      %dma_start3A_135 = arith.constant 0 : i32
      %dma_start3A_136 = tpu.memref_slice %arg2[%dma_start3A_134, %dma_start3A_135] : memref<20000x64xf32, #tpu.memory_space<hbm>> -> memref<20000x64xf32, #tpu.memory_space<hbm>>
      tpu.enqueue_indirect_dma source(%dma_start3A_136 : memref<20000x64xf32, #tpu.memory_space<hbm>>) target(%arg11 : memref<128x64xf32, #tpu.memory_space<vmem>>) offsets(%dma_start3A_133 : memref<128xi32, #tpu.memory_space<vmem>>) semaphore(%arg14 : memref<!tpu.dma_semaphore, #tpu.memory_space<semaphore_mem>>)
      %dma_start3A_137 = arith.constant 0 : i32
      %dma_start3A_138 = tpu.memref_slice %arg8[%mul3A_109, %dma_start3A_137] : memref<160x128xi32, #tpu.memory_space<vmem>> -> memref<1x128xi32, #tpu.memory_space<vmem>>
      %dma_start3A_139 = tpu.memref_squeeze %dma_start3A_138 : memref<1x128xi32, #tpu.memory_space<vmem>> -> memref<128xi32, #tpu.memory_space<vmem>>
      %dma_start3A_140 = arith.constant 0 : i32
      %dma_start3A_141 = arith.constant 0 : i32
      %dma_start3A_142 = tpu.memref_slice %arg12[%dma_start3A_140, %dma_start3A_141] : memref<10240x64xf32, #tpu.memory_space<vmem_shared>> -> memref<10240x64xf32, #tpu.memory_space<vmem_shared>>
      tpu.enqueue_indirect_dma source(%arg10 : memref<128x64xf32, #tpu.memory_space<vmem>>) target(%dma_start3A_142 : memref<10240x64xf32, #tpu.memory_space<vmem_shared>>) offsets(%dma_start3A_139 : memref<128xi32, #tpu.memory_space<vmem>>) semaphore(%arg15 : memref<!tpu.dma_semaphore, #tpu.memory_space<semaphore_mem>>) {add = true}
      %dma_wait3A_143 = arith.constant 0 : i32
      %dma_wait3A_144 = tpu.memref_slice %arg7[%min3A_113, %dma_wait3A_143] : memref<160x128xi32, #tpu.memory_space<vmem>> -> memref<1x128xi32, #tpu.memory_space<vmem>>
      %dma_wait3A_145 = tpu.memref_squeeze %dma_wait3A_144 : memref<1x128xi32, #tpu.memory_space<vmem>> -> memref<128xi32, #tpu.memory_space<vmem>>
      %dma_wait3A_146 = arith.constant 0 : i32
      %dma_wait3A_147 = arith.constant 0 : i32
      %dma_wait3A_148 = tpu.memref_slice %arg2[%dma_wait3A_146, %dma_wait3A_147] : memref<20000x64xf32, #tpu.memory_space<hbm>> -> memref<20000x64xf32, #tpu.memory_space<hbm>>
      tpu.wait_indirect_dma semaphore(%arg14 : memref<!tpu.dma_semaphore, #tpu.memory_space<semaphore_mem>>) src(%dma_wait3A_148 : memref<20000x64xf32, #tpu.memory_space<hbm>>) dst(%arg11 : memref<128x64xf32, #tpu.memory_space<vmem>>)
      %dma_wait3A_149 = arith.constant 0 : i32
      %dma_wait3A_150 = tpu.memref_slice %arg8[%mul3A_109, %dma_wait3A_149] : memref<160x128xi32, #tpu.memory_space<vmem>> -> memref<1x128xi32, #tpu.memory_space<vmem>>
      %dma_wait3A_151 = tpu.memref_squeeze %dma_wait3A_150 : memref<1x128xi32, #tpu.memory_space<vmem>> -> memref<128xi32, #tpu.memory_space<vmem>>
      %dma_wait3A_152 = arith.constant 0 : i32
      %dma_wait3A_153 = arith.constant 0 : i32
      %dma_wait3A_154 = tpu.memref_slice %arg12[%dma_wait3A_152, %dma_wait3A_153] : memref<10240x64xf32, #tpu.memory_space<vmem_shared>> -> memref<10240x64xf32, #tpu.memory_space<vmem_shared>>
      tpu.wait_indirect_dma semaphore(%arg15 : memref<!tpu.dma_semaphore, #tpu.memory_space<semaphore_mem>>) src(%arg10 : memref<128x64xf32, #tpu.memory_space<vmem>>) dst(%dma_wait3A_154 : memref<10240x64xf32, #tpu.memory_space<vmem_shared>>)
      %dma_start3A_155 = arith.constant 0 : i32
      %dma_start3A_156 = tpu.memref_slice %arg7[%min3A_117, %dma_start3A_155] : memref<160x128xi32, #tpu.memory_space<vmem>> -> memref<1x128xi32, #tpu.memory_space<vmem>>
      %dma_start3A_157 = tpu.memref_squeeze %dma_start3A_156 : memref<1x128xi32, #tpu.memory_space<vmem>> -> memref<128xi32, #tpu.memory_space<vmem>>
      %dma_start3A_158 = arith.constant 0 : i32
      %dma_start3A_159 = arith.constant 0 : i32
      %dma_start3A_160 = tpu.memref_slice %arg2[%dma_start3A_158, %dma_start3A_159] : memref<20000x64xf32, #tpu.memory_space<hbm>> -> memref<20000x64xf32, #tpu.memory_space<hbm>>
      tpu.enqueue_indirect_dma source(%dma_start3A_160 : memref<20000x64xf32, #tpu.memory_space<hbm>>) target(%arg10 : memref<128x64xf32, #tpu.memory_space<vmem>>) offsets(%dma_start3A_157 : memref<128xi32, #tpu.memory_space<vmem>>) semaphore(%arg13 : memref<!tpu.dma_semaphore, #tpu.memory_space<semaphore_mem>>)
      %dma_start3A_161 = arith.constant 0 : i32
      %dma_start3A_162 = tpu.memref_slice %arg8[%min3A_113, %dma_start3A_161] : memref<160x128xi32, #tpu.memory_space<vmem>> -> memref<1x128xi32, #tpu.memory_space<vmem>>
      %dma_start3A_163 = tpu.memref_squeeze %dma_start3A_162 : memref<1x128xi32, #tpu.memory_space<vmem>> -> memref<128xi32, #tpu.memory_space<vmem>>
      %dma_start3A_164 = arith.constant 0 : i32
      %dma_start3A_165 = arith.constant 0 : i32
      %dma_start3A_166 = tpu.memref_slice %arg12[%dma_start3A_164, %dma_start3A_165] : memref<10240x64xf32, #tpu.memory_space<vmem_shared>> -> memref<10240x64xf32, #tpu.memory_space<vmem_shared>>
      tpu.enqueue_indirect_dma source(%arg11 : memref<128x64xf32, #tpu.memory_space<vmem>>) target(%dma_start3A_166 : memref<10240x64xf32, #tpu.memory_space<vmem_shared>>) offsets(%dma_start3A_163 : memref<128xi32, #tpu.memory_space<vmem>>) semaphore(%arg16 : memref<!tpu.dma_semaphore, #tpu.memory_space<semaphore_mem>>) {add = true}
    }
    %scan3A_84 = arith.constant 79 : i32
    %dma_wait3A_85 = arith.constant 159 : i32
    %dma_wait3A_86 = arith.constant 0 : i32
    %dma_wait3A_87 = tpu.memref_slice %arg7[%dma_wait3A_85, %dma_wait3A_86] : memref<160x128xi32, #tpu.memory_space<vmem>> -> memref<1x128xi32, #tpu.memory_space<vmem>>
    %dma_wait3A_88 = tpu.memref_squeeze %dma_wait3A_87 : memref<1x128xi32, #tpu.memory_space<vmem>> -> memref<128xi32, #tpu.memory_space<vmem>>
    %dma_wait3A_89 = arith.constant 0 : i32
    %dma_wait3A_90 = arith.constant 0 : i32
    %dma_wait3A_91 = tpu.memref_slice %arg2[%dma_wait3A_89, %dma_wait3A_90] : memref<20000x64xf32, #tpu.memory_space<hbm>> -> memref<20000x64xf32, #tpu.memory_space<hbm>>
    tpu.wait_indirect_dma semaphore(%arg13 : memref<!tpu.dma_semaphore, #tpu.memory_space<semaphore_mem>>) src(%dma_wait3A_91 : memref<20000x64xf32, #tpu.memory_space<hbm>>) dst(%arg10 : memref<128x64xf32, #tpu.memory_space<vmem>>)
    %dma_wait3A_92 = arith.constant 159 : i32
    %dma_wait3A_93 = arith.constant 0 : i32
    %dma_wait3A_94 = tpu.memref_slice %arg8[%dma_wait3A_92, %dma_wait3A_93] : memref<160x128xi32, #tpu.memory_space<vmem>> -> memref<1x128xi32, #tpu.memory_space<vmem>>
    %dma_wait3A_95 = tpu.memref_squeeze %dma_wait3A_94 : memref<1x128xi32, #tpu.memory_space<vmem>> -> memref<128xi32, #tpu.memory_space<vmem>>
    %dma_wait3A_96 = arith.constant 0 : i32
    %dma_wait3A_97 = arith.constant 0 : i32
    %dma_wait3A_98 = tpu.memref_slice %arg12[%dma_wait3A_96, %dma_wait3A_97] : memref<10240x64xf32, #tpu.memory_space<vmem_shared>> -> memref<10240x64xf32, #tpu.memory_space<vmem_shared>>
    tpu.wait_indirect_dma semaphore(%arg16 : memref<!tpu.dma_semaphore, #tpu.memory_space<semaphore_mem>>) src(%arg11 : memref<128x64xf32, #tpu.memory_space<vmem>>) dst(%dma_wait3A_98 : memref<10240x64xf32, #tpu.memory_space<vmem_shared>>)
    %barrier3A_99 = arith.constant 0 : index
    tpu.barrier barrier_id(%barrier3A_99)
    %mul3A_100 = arith.constant 640 : i32
    %mul3A_101 = arith.muli %arg1, %mul3A_100 : i32
    %mul3A_102 = arith.constant 10240 : i32
    %mul3A_103 = arith.muli %arg0, %mul3A_102 : i32
    %mul3A_104 = arith.constant 640 : i32
    %mul3A_105 = arith.muli %arg1, %mul3A_104 : i32
    %add3A_106 = arith.addi %mul3A_103, %mul3A_105 : i32
    "tpu.region"() ({
      %run_scoped3A = tpu.sem_alloc : memref<!tpu.dma_semaphore, #tpu.memory_space<semaphore_mem>>
      %dma_start3A_107 = arith.constant 0 : i32
      %dma_start3A_108 = tpu.memref_slice %arg6[%add3A_106, %dma_start3A_107] : memref<20480x64xf32, #tpu.memory_space<hbm>> -> memref<640x64xf32, #tpu.memory_space<hbm>>
      %dma_start3A_109 = arith.constant 0 : i32
      %dma_start3A_110 = tpu.memref_slice %arg12[%mul3A_101, %dma_start3A_109] : memref<10240x64xf32, #tpu.memory_space<vmem_shared>> -> memref<640x64xf32, #tpu.memory_space<vmem_shared>>
      tpu.enqueue_dma source(%dma_start3A_110 : memref<640x64xf32, #tpu.memory_space<vmem_shared>>) target(%dma_start3A_108 : memref<640x64xf32, #tpu.memory_space<hbm>>) target_semaphore(%run_scoped3A : memref<!tpu.dma_semaphore, #tpu.memory_space<semaphore_mem>>)
      %dma_wait3A_111 = arith.constant 0 : i32
      %dma_wait3A_112 = tpu.memref_slice %arg6[%add3A_106, %dma_wait3A_111] : memref<20480x64xf32, #tpu.memory_space<hbm>> -> memref<640x64xf32, #tpu.memory_space<hbm>>
      %dma_wait3A_113 = arith.constant 0 : i32
      %dma_wait3A_114 = tpu.memref_slice %arg12[%mul3A_101, %dma_wait3A_113] : memref<10240x64xf32, #tpu.memory_space<vmem_shared>> -> memref<640x64xf32, #tpu.memory_space<vmem_shared>>
      tpu.wait_dma2 semaphore(%run_scoped3A : memref<!tpu.dma_semaphore, #tpu.memory_space<semaphore_mem>>) src(%dma_wait3A_114 : memref<640x64xf32, #tpu.memory_space<vmem_shared>>) dst(%dma_wait3A_112 : memref<640x64xf32, #tpu.memory_space<hbm>>)
      tpu.yield
    }) : () -> ()
    return
  }
}

module attributes {stable_mosaic.version = 14 : i64} {
  func.func @body(%arg0: memref<20480x16xf32, #tpu.memory_space<vmem>>, %arg1: memref<10000x128xf32, #tpu.memory_space<vmem>>, %arg2: memref<128x128xf32, #tpu.memory_space<vmem>>, %arg3: memref<10000x1xf32, #tpu.memory_space<vmem>>, %arg4: memref<20000x64xf32, #tpu.memory_space<vmem>>) attributes {dimension_semantics = [], scalar_prefetch = 0 : i64, scratch_operands = 0 : i64, tpu.core_type = #tpu.core_type<tc>} {
    %get3A = arith.constant 0 : index
    %get3A_0 = arith.constant 0 : index
    %get3A_1 = vector.load %arg0[%get3A, %get3A_0] : memref<20480x16xf32, #tpu.memory_space<vmem>>, vector<10000x16xf32>
    %get3A_2 = arith.constant 10240 : index
    %get3A_3 = arith.constant 0 : index
    %get3A_4 = vector.load %arg0[%get3A_2, %get3A_3] : memref<20480x16xf32, #tpu.memory_space<vmem>>, vector<10000x16xf32>
    %slice3A = vector.extract_strided_slice %get3A_1 {offsets = [0, 0], sizes = [10000, 1], strides = [1, 1]} : vector<10000x16xf32> to vector<10000x1xf32>
    %add3A = arith.constant 1.000000e+00 : f32
    %add3A_5 = vector.broadcast %add3A : f32 to vector<10000x1xf32>
    %add3A_6 = arith.addf %add3A_5, %slice3A : vector<10000x1xf32>
    %slice3A_7 = vector.extract_strided_slice %get3A_4 {offsets = [0, 0], sizes = [10000, 1], strides = [1, 1]} : vector<10000x16xf32> to vector<10000x1xf32>
    %add3A_8 = arith.addf %add3A_6, %slice3A_7 : vector<10000x1xf32>
    %sqrt3A = math.sqrt %add3A_8 : vector<10000x1xf32>
    %div3A = arith.constant 1.000000e+00 : f32
    %div3A_9 = vector.broadcast %div3A : f32 to vector<10000x1xf32>
    %div3A_10 = arith.divf %div3A_9, %sqrt3A : vector<10000x1xf32>
    %swap3A = arith.constant 0 : index
    %swap3A_11 = arith.constant 0 : index
    %swap3A_12 = vector.load %arg3[%swap3A, %swap3A_11] : memref<10000x1xf32, #tpu.memory_space<vmem>>, vector<10000x1xf32>
    tpu.vector_store %arg3[%swap3A, %swap3A_11], %div3A_10 {strides = array<i32>} : memref<10000x1xf32, #tpu.memory_space<vmem>>, vector<10000x1xf32>,
    %get3A_13 = arith.constant 0 : index
    %get3A_14 = arith.constant 0 : index
    %get3A_15 = vector.load %arg1[%get3A_13, %get3A_14] : memref<10000x128xf32, #tpu.memory_space<vmem>>, vector<10000x128xf32>
    %get3A_16 = arith.constant 0 : index
    %get3A_17 = arith.constant 0 : index
    %get3A_18 = vector.load %arg2[%get3A_16, %get3A_17] : memref<128x128xf32, #tpu.memory_space<vmem>>, vector<128x128xf32>
    %dot_general3A = arith.constant dense<0.000000e+00> : vector<10000x128xf32>
    %dot_general3A_19 = tpu.matmul %get3A_15, %get3A_18, %dot_general3A {dimension_numbers = #tpu.dot_dimension_numbers<[1], [0], [0], [1], [0, 0, 1, 1], [], []>, transpose_lhs_hint = false} : vector<10000x128xf32>, vector<128x128xf32>, vector<10000x128xf32> -> vector<10000x128xf32>
    %mul3A = vector.broadcast %div3A_10 : vector<10000x1xf32> to vector<10000x128xf32>
    %mul3A_20 = arith.mulf %dot_general3A_19, %mul3A : vector<10000x128xf32>
    %slice3A_21 = vector.extract_strided_slice %mul3A_20 {offsets = [0, 0], sizes = [10000, 64], strides = [1, 1]} : vector<10000x128xf32> to vector<10000x64xf32>
    %swap3A_22 = arith.constant 0 : index
    %swap3A_23 = arith.constant 0 : index
    %swap3A_24 = vector.load %arg4[%swap3A_22, %swap3A_23] : memref<20000x64xf32, #tpu.memory_space<vmem>>, vector<10000x64xf32>
    tpu.vector_store %arg4[%swap3A_22, %swap3A_23], %slice3A_21 {strides = array<i32>} : memref<20000x64xf32, #tpu.memory_space<vmem>>, vector<10000x64xf32>,
    %slice3A_25 = vector.extract_strided_slice %mul3A_20 {offsets = [0, 64], sizes = [10000, 64], strides = [1, 1]} : vector<10000x128xf32> to vector<10000x64xf32>
    %swap3A_26 = arith.constant 10000 : index
    %swap3A_27 = arith.constant 0 : index
    %swap3A_28 = vector.load %arg4[%swap3A_26, %swap3A_27] : memref<20000x64xf32, #tpu.memory_space<vmem>>, vector<10000x64xf32>
    tpu.vector_store %arg4[%swap3A_26, %swap3A_27], %slice3A_25 {strides = array<i32>} : memref<20000x64xf32, #tpu.memory_space<vmem>>, vector<10000x64xf32>,
    return
  }
}

module attributes {stable_mosaic.version = 14 : i64} {
  func.func @body(%arg0: memref<20480x64xf32, #tpu.memory_space<vmem>>, %arg1: memref<20000x64xf32, #tpu.memory_space<vmem>>, %arg2: memref<10000x1xf32, #tpu.memory_space<vmem>>, %arg3: memref<1x128xf32, #tpu.memory_space<vmem>>, %arg4: memref<128x64xf32, #tpu.memory_space<vmem>>, %arg5: memref<10000x64xf32, #tpu.memory_space<vmem>>) attributes {dimension_semantics = [], scalar_prefetch = 0 : i64, scratch_operands = 0 : i64, tpu.core_type = #tpu.core_type<tc>} {
    %get3A = arith.constant 0 : index
    %get3A_0 = arith.constant 0 : index
    %get3A_1 = vector.load %arg2[%get3A, %get3A_0] : memref<10000x1xf32, #tpu.memory_space<vmem>>, vector<10000x1xf32>
    %get3A_2 = arith.constant 0 : index
    %get3A_3 = arith.constant 0 : index
    %get3A_4 = vector.load %arg0[%get3A_2, %get3A_3] : memref<20480x64xf32, #tpu.memory_space<vmem>>, vector<10000x64xf32>
    %get3A_5 = arith.constant 0 : index
    %get3A_6 = arith.constant 0 : index
    %get3A_7 = vector.load %arg1[%get3A_5, %get3A_6] : memref<20000x64xf32, #tpu.memory_space<vmem>>, vector<10000x64xf32>
    %add3A = arith.addf %get3A_4, %get3A_7 : vector<10000x64xf32>
    %get3A_8 = arith.constant 10240 : index
    %get3A_9 = arith.constant 0 : index
    %get3A_10 = vector.load %arg0[%get3A_8, %get3A_9] : memref<20480x64xf32, #tpu.memory_space<vmem>>, vector<10000x64xf32>
    %get3A_11 = arith.constant 10000 : index
    %get3A_12 = arith.constant 0 : index
    %get3A_13 = vector.load %arg1[%get3A_11, %get3A_12] : memref<20000x64xf32, #tpu.memory_space<vmem>>, vector<10000x64xf32>
    %add3A_14 = arith.addf %get3A_10, %get3A_13 : vector<10000x64xf32>
    %concatenate3A = tpu.concatenate %add3A, %add3A_14 in 1 : vector<10000x64xf32>, vector<10000x64xf32> -> vector<10000x128xf32>
    %mul3A = vector.broadcast %get3A_1 : vector<10000x1xf32> to vector<10000x128xf32>
    %mul3A_15 = arith.mulf %concatenate3A, %mul3A : vector<10000x128xf32>
    %get3A_16 = arith.constant 0 : index
    %get3A_17 = arith.constant 0 : index
    %get3A_18 = vector.load %arg3[%get3A_16, %get3A_17] : memref<1x128xf32, #tpu.memory_space<vmem>>, vector<1x128xf32>
    %add3A_19 = vector.broadcast %get3A_18 : vector<1x128xf32> to vector<10000x128xf32>
    %add3A_20 = arith.addf %mul3A_15, %add3A_19 : vector<10000x128xf32>
    %max3A = arith.constant 0.000000e+00 : f32
    %max3A_21 = vector.broadcast %max3A : f32 to vector<10000x128xf32>
    %max3A_22 = arith.maximumf %add3A_20, %max3A_21 : vector<10000x128xf32>
    %get3A_23 = arith.constant 0 : index
    %get3A_24 = arith.constant 0 : index
    %get3A_25 = vector.load %arg4[%get3A_23, %get3A_24] : memref<128x64xf32, #tpu.memory_space<vmem>>, vector<128x64xf32>
    %dot_general3A = arith.constant dense<0.000000e+00> : vector<10000x64xf32>
    %dot_general3A_26 = tpu.matmul %max3A_22, %get3A_25, %dot_general3A {dimension_numbers = #tpu.dot_dimension_numbers<[1], [0], [0], [1], [0, 0, 1, 1], [], []>, transpose_lhs_hint = false} : vector<10000x128xf32>, vector<128x64xf32>, vector<10000x64xf32> -> vector<10000x64xf32>
    %mul3A_27 = vector.broadcast %get3A_1 : vector<10000x1xf32> to vector<10000x64xf32>
    %mul3A_28 = arith.mulf %dot_general3A_26, %mul3A_27 : vector<10000x64xf32>
    %swap3A = arith.constant 0 : index
    %swap3A_29 = arith.constant 0 : index
    %swap3A_30 = vector.load %arg5[%swap3A, %swap3A_29] : memref<10000x64xf32, #tpu.memory_space<vmem>>, vector<10000x64xf32>
    tpu.vector_store %arg5[%swap3A, %swap3A_29], %mul3A_28 {strides = array<i32>} : memref<10000x64xf32, #tpu.memory_space<vmem>>, vector<10000x64xf32>,
    return
  }
}

module attributes {stable_mosaic.version = 14 : i64} {
  func.func @body(%arg0: memref<20480x64xf32, #tpu.memory_space<vmem>>, %arg1: memref<10000x64xf32, #tpu.memory_space<vmem>>, %arg2: memref<10000x1xf32, #tpu.memory_space<vmem>>, %arg3: memref<1x64xf32, #tpu.memory_space<vmem>>, %arg4: memref<64x32xf32, #tpu.memory_space<vmem>>, %arg5: memref<10000x32xf32, #tpu.memory_space<vmem>>) attributes {dimension_semantics = [], scalar_prefetch = 0 : i64, scratch_operands = 0 : i64, tpu.core_type = #tpu.core_type<tc>} {
    %get3A = arith.constant 0 : index
    %get3A_0 = arith.constant 0 : index
    %get3A_1 = vector.load %arg2[%get3A, %get3A_0] : memref<10000x1xf32, #tpu.memory_space<vmem>>, vector<10000x1xf32>
    %get3A_2 = arith.constant 0 : index
    %get3A_3 = arith.constant 0 : index
    %get3A_4 = vector.load %arg0[%get3A_2, %get3A_3] : memref<20480x64xf32, #tpu.memory_space<vmem>>, vector<10000x64xf32>
    %get3A_5 = arith.constant 10240 : index
    %get3A_6 = arith.constant 0 : index
    %get3A_7 = vector.load %arg0[%get3A_5, %get3A_6] : memref<20480x64xf32, #tpu.memory_space<vmem>>, vector<10000x64xf32>
    %add3A = arith.addf %get3A_4, %get3A_7 : vector<10000x64xf32>
    %get3A_8 = arith.constant 0 : index
    %get3A_9 = arith.constant 0 : index
    %get3A_10 = vector.load %arg1[%get3A_8, %get3A_9] : memref<10000x64xf32, #tpu.memory_space<vmem>>, vector<10000x64xf32>
    %add3A_11 = arith.addf %add3A, %get3A_10 : vector<10000x64xf32>
    %mul3A = vector.broadcast %get3A_1 : vector<10000x1xf32> to vector<10000x64xf32>
    %mul3A_12 = arith.mulf %add3A_11, %mul3A : vector<10000x64xf32>
    %get3A_13 = arith.constant 0 : index
    %get3A_14 = arith.constant 0 : index
    %get3A_15 = vector.load %arg3[%get3A_13, %get3A_14] : memref<1x64xf32, #tpu.memory_space<vmem>>, vector<1x64xf32>
    %add3A_16 = vector.broadcast %get3A_15 : vector<1x64xf32> to vector<10000x64xf32>
    %add3A_17 = arith.addf %mul3A_12, %add3A_16 : vector<10000x64xf32>
    %max3A = arith.constant 0.000000e+00 : f32
    %max3A_18 = vector.broadcast %max3A : f32 to vector<10000x64xf32>
    %max3A_19 = arith.maximumf %add3A_17, %max3A_18 : vector<10000x64xf32>
    %get3A_20 = arith.constant 0 : index
    %get3A_21 = arith.constant 0 : index
    %get3A_22 = vector.load %arg4[%get3A_20, %get3A_21] : memref<64x32xf32, #tpu.memory_space<vmem>>, vector<64x32xf32>
    %dot_general3A = arith.constant dense<0.000000e+00> : vector<10000x32xf32>
    %dot_general3A_23 = tpu.matmul %max3A_19, %get3A_22, %dot_general3A {dimension_numbers = #tpu.dot_dimension_numbers<[1], [0], [0], [1], [0, 0, 1, 1], [], []>, transpose_lhs_hint = false} : vector<10000x64xf32>, vector<64x32xf32>, vector<10000x32xf32> -> vector<10000x32xf32>
    %mul3A_24 = vector.broadcast %get3A_1 : vector<10000x1xf32> to vector<10000x32xf32>
    %mul3A_25 = arith.mulf %dot_general3A_23, %mul3A_24 : vector<10000x32xf32>
    %swap3A = arith.constant 0 : index
    %swap3A_26 = arith.constant 0 : index
    %swap3A_27 = vector.load %arg5[%swap3A, %swap3A_26] : memref<10000x32xf32, #tpu.memory_space<vmem>>, vector<10000x32xf32>
    tpu.vector_store %arg5[%swap3A, %swap3A_26], %mul3A_25 {strides = array<i32>} : memref<10000x32xf32, #tpu.memory_space<vmem>>, vector<10000x32xf32>,
    return
  }
}

module attributes {stable_mosaic.version = 14 : i64} {
  func.func @body(%arg0: memref<20480x32xf32, #tpu.memory_space<vmem>>, %arg1: memref<10000x32xf32, #tpu.memory_space<vmem>>, %arg2: memref<10000x1xf32, #tpu.memory_space<vmem>>, %arg3: memref<1x32xf32, #tpu.memory_space<vmem>>, %arg4: memref<10000x1xi32, #tpu.memory_space<vmem>>, %arg5: memref<32x1xf32, #tpu.memory_space<vmem>>, %arg6: memref<1x1xf32, #tpu.memory_space<vmem>>, %arg7: memref<16x1xf32, #tpu.memory_space<vmem>>) attributes {dimension_semantics = [], scalar_prefetch = 0 : i64, scratch_operands = 0 : i64, tpu.core_type = #tpu.core_type<tc>} {
    %get3A = arith.constant 0 : index
    %get3A_0 = arith.constant 0 : index
    %get3A_1 = vector.load %arg0[%get3A, %get3A_0] : memref<20480x32xf32, #tpu.memory_space<vmem>>, vector<10000x32xf32>
    %get3A_2 = arith.constant 10240 : index
    %get3A_3 = arith.constant 0 : index
    %get3A_4 = vector.load %arg0[%get3A_2, %get3A_3] : memref<20480x32xf32, #tpu.memory_space<vmem>>, vector<10000x32xf32>
    %add3A = arith.addf %get3A_1, %get3A_4 : vector<10000x32xf32>
    %get3A_5 = arith.constant 0 : index
    %get3A_6 = arith.constant 0 : index
    %get3A_7 = vector.load %arg1[%get3A_5, %get3A_6] : memref<10000x32xf32, #tpu.memory_space<vmem>>, vector<10000x32xf32>
    %add3A_8 = arith.addf %add3A, %get3A_7 : vector<10000x32xf32>
    %get3A_9 = arith.constant 0 : index
    %get3A_10 = arith.constant 0 : index
    %get3A_11 = vector.load %arg2[%get3A_9, %get3A_10] : memref<10000x1xf32, #tpu.memory_space<vmem>>, vector<10000x1xf32>
    %mul3A = vector.broadcast %get3A_11 : vector<10000x1xf32> to vector<10000x32xf32>
    %mul3A_12 = arith.mulf %add3A_8, %mul3A : vector<10000x32xf32>
    %get3A_13 = arith.constant 0 : index
    %get3A_14 = arith.constant 0 : index
    %get3A_15 = vector.load %arg3[%get3A_13, %get3A_14] : memref<1x32xf32, #tpu.memory_space<vmem>>, vector<1x32xf32>
    %add3A_16 = vector.broadcast %get3A_15 : vector<1x32xf32> to vector<10000x32xf32>
    %add3A_17 = arith.addf %mul3A_12, %add3A_16 : vector<10000x32xf32>
    %max3A = arith.constant 0.000000e+00 : f32
    %max3A_18 = vector.broadcast %max3A : f32 to vector<10000x32xf32>
    %max3A_19 = arith.maximumf %add3A_17, %max3A_18 : vector<10000x32xf32>
    %get3A_20 = arith.constant 0 : index
    %get3A_21 = arith.constant 0 : index
    %get3A_22 = vector.load %arg4[%get3A_20, %get3A_21] : memref<10000x1xi32, #tpu.memory_space<vmem>>, vector<10000x1xi32>
    %eq3A = arith.constant 0 : i32
    %eq3A_23 = vector.broadcast %eq3A : i32 to vector<10000x1xi32>
    %eq3A_24 = arith.cmpi eq, %get3A_22, %eq3A_23 : vector<10000x1xi32>
    %jit3A = arith.constant 0.000000e+00 : f32
    %broadcast_in_dim3A = vector.shape_cast %eq3A_24 : vector<10000x1xi1> to vector<10000x1xi1>
    %broadcast_in_dim3A_25 = vector.broadcast %broadcast_in_dim3A : vector<10000x1xi1> to vector<10000x32xi1>
    %broadcast_in_dim3A_26 = vector.broadcast %jit3A : f32 to vector<10000x32xf32>
    %select_n3A = arith.select %broadcast_in_dim3A_25, %max3A_19, %broadcast_in_dim3A_26 : vector<10000x32xi1>, vector<10000x32xf32>
    %reduce_sum3A = arith.constant dense<0.000000e+00> : vector<32xf32>
    %reduce_sum3A_27 = vector.multi_reduction <add>, %select_n3A, %reduce_sum3A [0] : vector<10000x32xf32> to vector<32xf32>
    %broadcast_in_dim3A_28 = vector.shape_cast %reduce_sum3A_27 : vector<32xf32> to vector<1x32xf32>
    %jit3A_29 = arith.constant 1.000000e+00 : f32
    %jit3A_30 = arith.constant 0.000000e+00 : f32
    %broadcast_in_dim3A_31 = vector.broadcast %jit3A_29 : f32 to vector<10000x1xf32>
    %broadcast_in_dim3A_32 = vector.broadcast %jit3A_30 : f32 to vector<10000x1xf32>
    %select_n3A_33 = arith.select %eq3A_24, %broadcast_in_dim3A_31, %broadcast_in_dim3A_32 : vector<10000x1xi1>, vector<10000x1xf32>
    %reduce_sum3A_34 = arith.constant dense<0.000000e+00> : vector<1xf32>
    %reduce_sum3A_35 = vector.multi_reduction <add>, %select_n3A_33, %reduce_sum3A_34 [0] : vector<10000x1xf32> to vector<1xf32>
    %broadcast_in_dim3A_36 = vector.shape_cast %reduce_sum3A_35 : vector<1xf32> to vector<1x1xf32>
    %max3A_37 = arith.constant 1.000000e+00 : f32
    %max3A_38 = vector.broadcast %max3A_37 : f32 to vector<1x1xf32>
    %max3A_39 = arith.maximumf %broadcast_in_dim3A_36, %max3A_38 : vector<1x1xf32>
    %div3A = vector.broadcast %max3A_39 : vector<1x1xf32> to vector<1x32xf32>
    %div3A_40 = arith.divf %broadcast_in_dim3A_28, %div3A : vector<1x32xf32>
    %eq3A_41 = arith.constant 1 : i32
    %eq3A_42 = vector.broadcast %eq3A_41 : i32 to vector<10000x1xi32>
    %eq3A_43 = arith.cmpi eq, %get3A_22, %eq3A_42 : vector<10000x1xi32>
    %jit3A_44 = arith.constant 0.000000e+00 : f32
    %broadcast_in_dim3A_45 = vector.shape_cast %eq3A_43 : vector<10000x1xi1> to vector<10000x1xi1>
    %broadcast_in_dim3A_46 = vector.broadcast %broadcast_in_dim3A_45 : vector<10000x1xi1> to vector<10000x32xi1>
    %broadcast_in_dim3A_47 = vector.broadcast %jit3A_44 : f32 to vector<10000x32xf32>
    %select_n3A_48 = arith.select %broadcast_in_dim3A_46, %max3A_19, %broadcast_in_dim3A_47 : vector<10000x32xi1>, vector<10000x32xf32>
    %reduce_sum3A_49 = arith.constant dense<0.000000e+00> : vector<32xf32>
    %reduce_sum3A_50 = vector.multi_reduction <add>, %select_n3A_48, %reduce_sum3A_49 [0] : vector<10000x32xf32> to vector<32xf32>
    %broadcast_in_dim3A_51 = vector.shape_cast %reduce_sum3A_50 : vector<32xf32> to vector<1x32xf32>
    %jit3A_52 = arith.constant 1.000000e+00 : f32
    %jit3A_53 = arith.constant 0.000000e+00 : f32
    %broadcast_in_dim3A_54 = vector.broadcast %jit3A_52 : f32 to vector<10000x1xf32>
    %broadcast_in_dim3A_55 = vector.broadcast %jit3A_53 : f32 to vector<10000x1xf32>
    %select_n3A_56 = arith.select %eq3A_43, %broadcast_in_dim3A_54, %broadcast_in_dim3A_55 : vector<10000x1xi1>, vector<10000x1xf32>
    %reduce_sum3A_57 = arith.constant dense<0.000000e+00> : vector<1xf32>
    %reduce_sum3A_58 = vector.multi_reduction <add>, %select_n3A_56, %reduce_sum3A_57 [0] : vector<10000x1xf32> to vector<1xf32>
    %broadcast_in_dim3A_59 = vector.shape_cast %reduce_sum3A_58 : vector<1xf32> to vector<1x1xf32>
    %max3A_60 = arith.constant 1.000000e+00 : f32
    %max3A_61 = vector.broadcast %max3A_60 : f32 to vector<1x1xf32>
    %max3A_62 = arith.maximumf %broadcast_in_dim3A_59, %max3A_61 : vector<1x1xf32>
    %div3A_63 = vector.broadcast %max3A_62 : vector<1x1xf32> to vector<1x32xf32>
    %div3A_64 = arith.divf %broadcast_in_dim3A_51, %div3A_63 : vector<1x32xf32>
    %eq3A_65 = arith.constant 2 : i32
    %eq3A_66 = vector.broadcast %eq3A_65 : i32 to vector<10000x1xi32>
    %eq3A_67 = arith.cmpi eq, %get3A_22, %eq3A_66 : vector<10000x1xi32>
    %jit3A_68 = arith.constant 0.000000e+00 : f32
    %broadcast_in_dim3A_69 = vector.shape_cast %eq3A_67 : vector<10000x1xi1> to vector<10000x1xi1>
    %broadcast_in_dim3A_70 = vector.broadcast %broadcast_in_dim3A_69 : vector<10000x1xi1> to vector<10000x32xi1>
    %broadcast_in_dim3A_71 = vector.broadcast %jit3A_68 : f32 to vector<10000x32xf32>
    %select_n3A_72 = arith.select %broadcast_in_dim3A_70, %max3A_19, %broadcast_in_dim3A_71 : vector<10000x32xi1>, vector<10000x32xf32>
    %reduce_sum3A_73 = arith.constant dense<0.000000e+00> : vector<32xf32>
    %reduce_sum3A_74 = vector.multi_reduction <add>, %select_n3A_72, %reduce_sum3A_73 [0] : vector<10000x32xf32> to vector<32xf32>
    %broadcast_in_dim3A_75 = vector.shape_cast %reduce_sum3A_74 : vector<32xf32> to vector<1x32xf32>
    %jit3A_76 = arith.constant 1.000000e+00 : f32
    %jit3A_77 = arith.constant 0.000000e+00 : f32
    %broadcast_in_dim3A_78 = vector.broadcast %jit3A_76 : f32 to vector<10000x1xf32>
    %broadcast_in_dim3A_79 = vector.broadcast %jit3A_77 : f32 to vector<10000x1xf32>
    %select_n3A_80 = arith.select %eq3A_67, %broadcast_in_dim3A_78, %broadcast_in_dim3A_79 : vector<10000x1xi1>, vector<10000x1xf32>
    %reduce_sum3A_81 = arith.constant dense<0.000000e+00> : vector<1xf32>
    %reduce_sum3A_82 = vector.multi_reduction <add>, %select_n3A_80, %reduce_sum3A_81 [0] : vector<10000x1xf32> to vector<1xf32>
    %broadcast_in_dim3A_83 = vector.shape_cast %reduce_sum3A_82 : vector<1xf32> to vector<1x1xf32>
    %max3A_84 = arith.constant 1.000000e+00 : f32
    %max3A_85 = vector.broadcast %max3A_84 : f32 to vector<1x1xf32>
    %max3A_86 = arith.maximumf %broadcast_in_dim3A_83, %max3A_85 : vector<1x1xf32>
    %div3A_87 = vector.broadcast %max3A_86 : vector<1x1xf32> to vector<1x32xf32>
    %div3A_88 = arith.divf %broadcast_in_dim3A_75, %div3A_87 : vector<1x32xf32>
    %eq3A_89 = arith.constant 3 : i32
    %eq3A_90 = vector.broadcast %eq3A_89 : i32 to vector<10000x1xi32>
    %eq3A_91 = arith.cmpi eq, %get3A_22, %eq3A_90 : vector<10000x1xi32>
    %jit3A_92 = arith.constant 0.000000e+00 : f32
    %broadcast_in_dim3A_93 = vector.shape_cast %eq3A_91 : vector<10000x1xi1> to vector<10000x1xi1>
    %broadcast_in_dim3A_94 = vector.broadcast %broadcast_in_dim3A_93 : vector<10000x1xi1> to vector<10000x32xi1>
    %broadcast_in_dim3A_95 = vector.broadcast %jit3A_92 : f32 to vector<10000x32xf32>
    %select_n3A_96 = arith.select %broadcast_in_dim3A_94, %max3A_19, %broadcast_in_dim3A_95 : vector<10000x32xi1>, vector<10000x32xf32>
    %reduce_sum3A_97 = arith.constant dense<0.000000e+00> : vector<32xf32>
    %reduce_sum3A_98 = vector.multi_reduction <add>, %select_n3A_96, %reduce_sum3A_97 [0] : vector<10000x32xf32> to vector<32xf32>
    %broadcast_in_dim3A_99 = vector.shape_cast %reduce_sum3A_98 : vector<32xf32> to vector<1x32xf32>
    %jit3A_100 = arith.constant 1.000000e+00 : f32
    %jit3A_101 = arith.constant 0.000000e+00 : f32
    %broadcast_in_dim3A_102 = vector.broadcast %jit3A_100 : f32 to vector<10000x1xf32>
    %broadcast_in_dim3A_103 = vector.broadcast %jit3A_101 : f32 to vector<10000x1xf32>
    %select_n3A_104 = arith.select %eq3A_91, %broadcast_in_dim3A_102, %broadcast_in_dim3A_103 : vector<10000x1xi1>, vector<10000x1xf32>
    %reduce_sum3A_105 = arith.constant dense<0.000000e+00> : vector<1xf32>
    %reduce_sum3A_106 = vector.multi_reduction <add>, %select_n3A_104, %reduce_sum3A_105 [0] : vector<10000x1xf32> to vector<1xf32>
    %broadcast_in_dim3A_107 = vector.shape_cast %reduce_sum3A_106 : vector<1xf32> to vector<1x1xf32>
    %max3A_108 = arith.constant 1.000000e+00 : f32
    %max3A_109 = vector.broadcast %max3A_108 : f32 to vector<1x1xf32>
    %max3A_110 = arith.maximumf %broadcast_in_dim3A_107, %max3A_109 : vector<1x1xf32>
    %div3A_111 = vector.broadcast %max3A_110 : vector<1x1xf32> to vector<1x32xf32>
    %div3A_112 = arith.divf %broadcast_in_dim3A_99, %div3A_111 : vector<1x32xf32>
    %eq3A_113 = arith.constant 4 : i32
    %eq3A_114 = vector.broadcast %eq3A_113 : i32 to vector<10000x1xi32>
    %eq3A_115 = arith.cmpi eq, %get3A_22, %eq3A_114 : vector<10000x1xi32>
    %jit3A_116 = arith.constant 0.000000e+00 : f32
    %broadcast_in_dim3A_117 = vector.shape_cast %eq3A_115 : vector<10000x1xi1> to vector<10000x1xi1>
    %broadcast_in_dim3A_118 = vector.broadcast %broadcast_in_dim3A_117 : vector<10000x1xi1> to vector<10000x32xi1>
    %broadcast_in_dim3A_119 = vector.broadcast %jit3A_116 : f32 to vector<10000x32xf32>
    %select_n3A_120 = arith.select %broadcast_in_dim3A_118, %max3A_19, %broadcast_in_dim3A_119 : vector<10000x32xi1>, vector<10000x32xf32>
    %reduce_sum3A_121 = arith.constant dense<0.000000e+00> : vector<32xf32>
    %reduce_sum3A_122 = vector.multi_reduction <add>, %select_n3A_120, %reduce_sum3A_121 [0] : vector<10000x32xf32> to vector<32xf32>
    %broadcast_in_dim3A_123 = vector.shape_cast %reduce_sum3A_122 : vector<32xf32> to vector<1x32xf32>
    %jit3A_124 = arith.constant 1.000000e+00 : f32
    %jit3A_125 = arith.constant 0.000000e+00 : f32
    %broadcast_in_dim3A_126 = vector.broadcast %jit3A_124 : f32 to vector<10000x1xf32>
    %broadcast_in_dim3A_127 = vector.broadcast %jit3A_125 : f32 to vector<10000x1xf32>
    %select_n3A_128 = arith.select %eq3A_115, %broadcast_in_dim3A_126, %broadcast_in_dim3A_127 : vector<10000x1xi1>, vector<10000x1xf32>
    %reduce_sum3A_129 = arith.constant dense<0.000000e+00> : vector<1xf32>
    %reduce_sum3A_130 = vector.multi_reduction <add>, %select_n3A_128, %reduce_sum3A_129 [0] : vector<10000x1xf32> to vector<1xf32>
    %broadcast_in_dim3A_131 = vector.shape_cast %reduce_sum3A_130 : vector<1xf32> to vector<1x1xf32>
    %max3A_132 = arith.constant 1.000000e+00 : f32
    %max3A_133 = vector.broadcast %max3A_132 : f32 to vector<1x1xf32>
    %max3A_134 = arith.maximumf %broadcast_in_dim3A_131, %max3A_133 : vector<1x1xf32>
    %div3A_135 = vector.broadcast %max3A_134 : vector<1x1xf32> to vector<1x32xf32>
    %div3A_136 = arith.divf %broadcast_in_dim3A_123, %div3A_135 : vector<1x32xf32>
    %eq3A_137 = arith.constant 5 : i32
    %eq3A_138 = vector.broadcast %eq3A_137 : i32 to vector<10000x1xi32>
    %eq3A_139 = arith.cmpi eq, %get3A_22, %eq3A_138 : vector<10000x1xi32>
    %jit3A_140 = arith.constant 0.000000e+00 : f32
    %broadcast_in_dim3A_141 = vector.shape_cast %eq3A_139 : vector<10000x1xi1> to vector<10000x1xi1>
    %broadcast_in_dim3A_142 = vector.broadcast %broadcast_in_dim3A_141 : vector<10000x1xi1> to vector<10000x32xi1>
    %broadcast_in_dim3A_143 = vector.broadcast %jit3A_140 : f32 to vector<10000x32xf32>
    %select_n3A_144 = arith.select %broadcast_in_dim3A_142, %max3A_19, %broadcast_in_dim3A_143 : vector<10000x32xi1>, vector<10000x32xf32>
    %reduce_sum3A_145 = arith.constant dense<0.000000e+00> : vector<32xf32>
    %reduce_sum3A_146 = vector.multi_reduction <add>, %select_n3A_144, %reduce_sum3A_145 [0] : vector<10000x32xf32> to vector<32xf32>
    %broadcast_in_dim3A_147 = vector.shape_cast %reduce_sum3A_146 : vector<32xf32> to vector<1x32xf32>
    %jit3A_148 = arith.constant 1.000000e+00 : f32
    %jit3A_149 = arith.constant 0.000000e+00 : f32
    %broadcast_in_dim3A_150 = vector.broadcast %jit3A_148 : f32 to vector<10000x1xf32>
    %broadcast_in_dim3A_151 = vector.broadcast %jit3A_149 : f32 to vector<10000x1xf32>
    %select_n3A_152 = arith.select %eq3A_139, %broadcast_in_dim3A_150, %broadcast_in_dim3A_151 : vector<10000x1xi1>, vector<10000x1xf32>
    %reduce_sum3A_153 = arith.constant dense<0.000000e+00> : vector<1xf32>
    %reduce_sum3A_154 = vector.multi_reduction <add>, %select_n3A_152, %reduce_sum3A_153 [0] : vector<10000x1xf32> to vector<1xf32>
    %broadcast_in_dim3A_155 = vector.shape_cast %reduce_sum3A_154 : vector<1xf32> to vector<1x1xf32>
    %max3A_156 = arith.constant 1.000000e+00 : f32
    %max3A_157 = vector.broadcast %max3A_156 : f32 to vector<1x1xf32>
    %max3A_158 = arith.maximumf %broadcast_in_dim3A_155, %max3A_157 : vector<1x1xf32>
    %div3A_159 = vector.broadcast %max3A_158 : vector<1x1xf32> to vector<1x32xf32>
    %div3A_160 = arith.divf %broadcast_in_dim3A_147, %div3A_159 : vector<1x32xf32>
    %eq3A_161 = arith.constant 6 : i32
    %eq3A_162 = vector.broadcast %eq3A_161 : i32 to vector<10000x1xi32>
    %eq3A_163 = arith.cmpi eq, %get3A_22, %eq3A_162 : vector<10000x1xi32>
    %jit3A_164 = arith.constant 0.000000e+00 : f32
    %broadcast_in_dim3A_165 = vector.shape_cast %eq3A_163 : vector<10000x1xi1> to vector<10000x1xi1>
    %broadcast_in_dim3A_166 = vector.broadcast %broadcast_in_dim3A_165 : vector<10000x1xi1> to vector<10000x32xi1>
    %broadcast_in_dim3A_167 = vector.broadcast %jit3A_164 : f32 to vector<10000x32xf32>
    %select_n3A_168 = arith.select %broadcast_in_dim3A_166, %max3A_19, %broadcast_in_dim3A_167 : vector<10000x32xi1>, vector<10000x32xf32>
    %reduce_sum3A_169 = arith.constant dense<0.000000e+00> : vector<32xf32>
    %reduce_sum3A_170 = vector.multi_reduction <add>, %select_n3A_168, %reduce_sum3A_169 [0] : vector<10000x32xf32> to vector<32xf32>
    %broadcast_in_dim3A_171 = vector.shape_cast %reduce_sum3A_170 : vector<32xf32> to vector<1x32xf32>
    %jit3A_172 = arith.constant 1.000000e+00 : f32
    %jit3A_173 = arith.constant 0.000000e+00 : f32
    %broadcast_in_dim3A_174 = vector.broadcast %jit3A_172 : f32 to vector<10000x1xf32>
    %broadcast_in_dim3A_175 = vector.broadcast %jit3A_173 : f32 to vector<10000x1xf32>
    %select_n3A_176 = arith.select %eq3A_163, %broadcast_in_dim3A_174, %broadcast_in_dim3A_175 : vector<10000x1xi1>, vector<10000x1xf32>
    %reduce_sum3A_177 = arith.constant dense<0.000000e+00> : vector<1xf32>
    %reduce_sum3A_178 = vector.multi_reduction <add>, %select_n3A_176, %reduce_sum3A_177 [0] : vector<10000x1xf32> to vector<1xf32>
    %broadcast_in_dim3A_179 = vector.shape_cast %reduce_sum3A_178 : vector<1xf32> to vector<1x1xf32>
    %max3A_180 = arith.constant 1.000000e+00 : f32
    %max3A_181 = vector.broadcast %max3A_180 : f32 to vector<1x1xf32>
    %max3A_182 = arith.maximumf %broadcast_in_dim3A_179, %max3A_181 : vector<1x1xf32>
    %div3A_183 = vector.broadcast %max3A_182 : vector<1x1xf32> to vector<1x32xf32>
    %div3A_184 = arith.divf %broadcast_in_dim3A_171, %div3A_183 : vector<1x32xf32>
    %eq3A_185 = arith.constant 7 : i32
    %eq3A_186 = vector.broadcast %eq3A_185 : i32 to vector<10000x1xi32>
    %eq3A_187 = arith.cmpi eq, %get3A_22, %eq3A_186 : vector<10000x1xi32>
    %jit3A_188 = arith.constant 0.000000e+00 : f32
    %broadcast_in_dim3A_189 = vector.shape_cast %eq3A_187 : vector<10000x1xi1> to vector<10000x1xi1>
    %broadcast_in_dim3A_190 = vector.broadcast %broadcast_in_dim3A_189 : vector<10000x1xi1> to vector<10000x32xi1>
    %broadcast_in_dim3A_191 = vector.broadcast %jit3A_188 : f32 to vector<10000x32xf32>
    %select_n3A_192 = arith.select %broadcast_in_dim3A_190, %max3A_19, %broadcast_in_dim3A_191 : vector<10000x32xi1>, vector<10000x32xf32>
    %reduce_sum3A_193 = arith.constant dense<0.000000e+00> : vector<32xf32>
    %reduce_sum3A_194 = vector.multi_reduction <add>, %select_n3A_192, %reduce_sum3A_193 [0] : vector<10000x32xf32> to vector<32xf32>
    %broadcast_in_dim3A_195 = vector.shape_cast %reduce_sum3A_194 : vector<32xf32> to vector<1x32xf32>
    %jit3A_196 = arith.constant 1.000000e+00 : f32
    %jit3A_197 = arith.constant 0.000000e+00 : f32
    %broadcast_in_dim3A_198 = vector.broadcast %jit3A_196 : f32 to vector<10000x1xf32>
    %broadcast_in_dim3A_199 = vector.broadcast %jit3A_197 : f32 to vector<10000x1xf32>
    %select_n3A_200 = arith.select %eq3A_187, %broadcast_in_dim3A_198, %broadcast_in_dim3A_199 : vector<10000x1xi1>, vector<10000x1xf32>
    %reduce_sum3A_201 = arith.constant dense<0.000000e+00> : vector<1xf32>
    %reduce_sum3A_202 = vector.multi_reduction <add>, %select_n3A_200, %reduce_sum3A_201 [0] : vector<10000x1xf32> to vector<1xf32>
    %broadcast_in_dim3A_203 = vector.shape_cast %reduce_sum3A_202 : vector<1xf32> to vector<1x1xf32>
    %max3A_204 = arith.constant 1.000000e+00 : f32
    %max3A_205 = vector.broadcast %max3A_204 : f32 to vector<1x1xf32>
    %max3A_206 = arith.maximumf %broadcast_in_dim3A_203, %max3A_205 : vector<1x1xf32>
    %div3A_207 = vector.broadcast %max3A_206 : vector<1x1xf32> to vector<1x32xf32>
    %div3A_208 = arith.divf %broadcast_in_dim3A_195, %div3A_207 : vector<1x32xf32>
    %eq3A_209 = arith.constant 8 : i32
    %eq3A_210 = vector.broadcast %eq3A_209 : i32 to vector<10000x1xi32>
    %eq3A_211 = arith.cmpi eq, %get3A_22, %eq3A_210 : vector<10000x1xi32>
    %jit3A_212 = arith.constant 0.000000e+00 : f32
    %broadcast_in_dim3A_213 = vector.shape_cast %eq3A_211 : vector<10000x1xi1> to vector<10000x1xi1>
    %broadcast_in_dim3A_214 = vector.broadcast %broadcast_in_dim3A_213 : vector<10000x1xi1> to vector<10000x32xi1>
    %broadcast_in_dim3A_215 = vector.broadcast %jit3A_212 : f32 to vector<10000x32xf32>
    %select_n3A_216 = arith.select %broadcast_in_dim3A_214, %max3A_19, %broadcast_in_dim3A_215 : vector<10000x32xi1>, vector<10000x32xf32>
    %reduce_sum3A_217 = arith.constant dense<0.000000e+00> : vector<32xf32>
    %reduce_sum3A_218 = vector.multi_reduction <add>, %select_n3A_216, %reduce_sum3A_217 [0] : vector<10000x32xf32> to vector<32xf32>
    %broadcast_in_dim3A_219 = vector.shape_cast %reduce_sum3A_218 : vector<32xf32> to vector<1x32xf32>
    %jit3A_220 = arith.constant 1.000000e+00 : f32
    %jit3A_221 = arith.constant 0.000000e+00 : f32
    %broadcast_in_dim3A_222 = vector.broadcast %jit3A_220 : f32 to vector<10000x1xf32>
    %broadcast_in_dim3A_223 = vector.broadcast %jit3A_221 : f32 to vector<10000x1xf32>
    %select_n3A_224 = arith.select %eq3A_211, %broadcast_in_dim3A_222, %broadcast_in_dim3A_223 : vector<10000x1xi1>, vector<10000x1xf32>
    %reduce_sum3A_225 = arith.constant dense<0.000000e+00> : vector<1xf32>
    %reduce_sum3A_226 = vector.multi_reduction <add>, %select_n3A_224, %reduce_sum3A_225 [0] : vector<10000x1xf32> to vector<1xf32>
    %broadcast_in_dim3A_227 = vector.shape_cast %reduce_sum3A_226 : vector<1xf32> to vector<1x1xf32>
    %max3A_228 = arith.constant 1.000000e+00 : f32
    %max3A_229 = vector.broadcast %max3A_228 : f32 to vector<1x1xf32>
    %max3A_230 = arith.maximumf %broadcast_in_dim3A_227, %max3A_229 : vector<1x1xf32>
    %div3A_231 = vector.broadcast %max3A_230 : vector<1x1xf32> to vector<1x32xf32>
    %div3A_232 = arith.divf %broadcast_in_dim3A_219, %div3A_231 : vector<1x32xf32>
    %eq3A_233 = arith.constant 9 : i32
    %eq3A_234 = vector.broadcast %eq3A_233 : i32 to vector<10000x1xi32>
    %eq3A_235 = arith.cmpi eq, %get3A_22, %eq3A_234 : vector<10000x1xi32>
    %jit3A_236 = arith.constant 0.000000e+00 : f32
    %broadcast_in_dim3A_237 = vector.shape_cast %eq3A_235 : vector<10000x1xi1> to vector<10000x1xi1>
    %broadcast_in_dim3A_238 = vector.broadcast %broadcast_in_dim3A_237 : vector<10000x1xi1> to vector<10000x32xi1>
    %broadcast_in_dim3A_239 = vector.broadcast %jit3A_236 : f32 to vector<10000x32xf32>
    %select_n3A_240 = arith.select %broadcast_in_dim3A_238, %max3A_19, %broadcast_in_dim3A_239 : vector<10000x32xi1>, vector<10000x32xf32>
    %reduce_sum3A_241 = arith.constant dense<0.000000e+00> : vector<32xf32>
    %reduce_sum3A_242 = vector.multi_reduction <add>, %select_n3A_240, %reduce_sum3A_241 [0] : vector<10000x32xf32> to vector<32xf32>
    %broadcast_in_dim3A_243 = vector.shape_cast %reduce_sum3A_242 : vector<32xf32> to vector<1x32xf32>
    %jit3A_244 = arith.constant 1.000000e+00 : f32
    %jit3A_245 = arith.constant 0.000000e+00 : f32
    %broadcast_in_dim3A_246 = vector.broadcast %jit3A_244 : f32 to vector<10000x1xf32>
    %broadcast_in_dim3A_247 = vector.broadcast %jit3A_245 : f32 to vector<10000x1xf32>
    %select_n3A_248 = arith.select %eq3A_235, %broadcast_in_dim3A_246, %broadcast_in_dim3A_247 : vector<10000x1xi1>, vector<10000x1xf32>
    %reduce_sum3A_249 = arith.constant dense<0.000000e+00> : vector<1xf32>
    %reduce_sum3A_250 = vector.multi_reduction <add>, %select_n3A_248, %reduce_sum3A_249 [0] : vector<10000x1xf32> to vector<1xf32>
    %broadcast_in_dim3A_251 = vector.shape_cast %reduce_sum3A_250 : vector<1xf32> to vector<1x1xf32>
    %max3A_252 = arith.constant 1.000000e+00 : f32
    %max3A_253 = vector.broadcast %max3A_252 : f32 to vector<1x1xf32>
    %max3A_254 = arith.maximumf %broadcast_in_dim3A_251, %max3A_253 : vector<1x1xf32>
    %div3A_255 = vector.broadcast %max3A_254 : vector<1x1xf32> to vector<1x32xf32>
    %div3A_256 = arith.divf %broadcast_in_dim3A_243, %div3A_255 : vector<1x32xf32>
    %eq3A_257 = arith.constant 10 : i32
    %eq3A_258 = vector.broadcast %eq3A_257 : i32 to vector<10000x1xi32>
    %eq3A_259 = arith.cmpi eq, %get3A_22, %eq3A_258 : vector<10000x1xi32>
    %jit3A_260 = arith.constant 0.000000e+00 : f32
    %broadcast_in_dim3A_261 = vector.shape_cast %eq3A_259 : vector<10000x1xi1> to vector<10000x1xi1>
    %broadcast_in_dim3A_262 = vector.broadcast %broadcast_in_dim3A_261 : vector<10000x1xi1> to vector<10000x32xi1>
    %broadcast_in_dim3A_263 = vector.broadcast %jit3A_260 : f32 to vector<10000x32xf32>
    %select_n3A_264 = arith.select %broadcast_in_dim3A_262, %max3A_19, %broadcast_in_dim3A_263 : vector<10000x32xi1>, vector<10000x32xf32>
    %reduce_sum3A_265 = arith.constant dense<0.000000e+00> : vector<32xf32>
    %reduce_sum3A_266 = vector.multi_reduction <add>, %select_n3A_264, %reduce_sum3A_265 [0] : vector<10000x32xf32> to vector<32xf32>
    %broadcast_in_dim3A_267 = vector.shape_cast %reduce_sum3A_266 : vector<32xf32> to vector<1x32xf32>
    %jit3A_268 = arith.constant 1.000000e+00 : f32
    %jit3A_269 = arith.constant 0.000000e+00 : f32
    %broadcast_in_dim3A_270 = vector.broadcast %jit3A_268 : f32 to vector<10000x1xf32>
    %broadcast_in_dim3A_271 = vector.broadcast %jit3A_269 : f32 to vector<10000x1xf32>
    %select_n3A_272 = arith.select %eq3A_259, %broadcast_in_dim3A_270, %broadcast_in_dim3A_271 : vector<10000x1xi1>, vector<10000x1xf32>
    %reduce_sum3A_273 = arith.constant dense<0.000000e+00> : vector<1xf32>
    %reduce_sum3A_274 = vector.multi_reduction <add>, %select_n3A_272, %reduce_sum3A_273 [0] : vector<10000x1xf32> to vector<1xf32>
    %broadcast_in_dim3A_275 = vector.shape_cast %reduce_sum3A_274 : vector<1xf32> to vector<1x1xf32>
    %max3A_276 = arith.constant 1.000000e+00 : f32
    %max3A_277 = vector.broadcast %max3A_276 : f32 to vector<1x1xf32>
    %max3A_278 = arith.maximumf %broadcast_in_dim3A_275, %max3A_277 : vector<1x1xf32>
    %div3A_279 = vector.broadcast %max3A_278 : vector<1x1xf32> to vector<1x32xf32>
    %div3A_280 = arith.divf %broadcast_in_dim3A_267, %div3A_279 : vector<1x32xf32>
    %eq3A_281 = arith.constant 11 : i32
    %eq3A_282 = vector.broadcast %eq3A_281 : i32 to vector<10000x1xi32>
    %eq3A_283 = arith.cmpi eq, %get3A_22, %eq3A_282 : vector<10000x1xi32>
    %jit3A_284 = arith.constant 0.000000e+00 : f32
    %broadcast_in_dim3A_285 = vector.shape_cast %eq3A_283 : vector<10000x1xi1> to vector<10000x1xi1>
    %broadcast_in_dim3A_286 = vector.broadcast %broadcast_in_dim3A_285 : vector<10000x1xi1> to vector<10000x32xi1>
    %broadcast_in_dim3A_287 = vector.broadcast %jit3A_284 : f32 to vector<10000x32xf32>
    %select_n3A_288 = arith.select %broadcast_in_dim3A_286, %max3A_19, %broadcast_in_dim3A_287 : vector<10000x32xi1>, vector<10000x32xf32>
    %reduce_sum3A_289 = arith.constant dense<0.000000e+00> : vector<32xf32>
    %reduce_sum3A_290 = vector.multi_reduction <add>, %select_n3A_288, %reduce_sum3A_289 [0] : vector<10000x32xf32> to vector<32xf32>
    %broadcast_in_dim3A_291 = vector.shape_cast %reduce_sum3A_290 : vector<32xf32> to vector<1x32xf32>
    %jit3A_292 = arith.constant 1.000000e+00 : f32
    %jit3A_293 = arith.constant 0.000000e+00 : f32
    %broadcast_in_dim3A_294 = vector.broadcast %jit3A_292 : f32 to vector<10000x1xf32>
    %broadcast_in_dim3A_295 = vector.broadcast %jit3A_293 : f32 to vector<10000x1xf32>
    %select_n3A_296 = arith.select %eq3A_283, %broadcast_in_dim3A_294, %broadcast_in_dim3A_295 : vector<10000x1xi1>, vector<10000x1xf32>
    %reduce_sum3A_297 = arith.constant dense<0.000000e+00> : vector<1xf32>
    %reduce_sum3A_298 = vector.multi_reduction <add>, %select_n3A_296, %reduce_sum3A_297 [0] : vector<10000x1xf32> to vector<1xf32>
    %broadcast_in_dim3A_299 = vector.shape_cast %reduce_sum3A_298 : vector<1xf32> to vector<1x1xf32>
    %max3A_300 = arith.constant 1.000000e+00 : f32
    %max3A_301 = vector.broadcast %max3A_300 : f32 to vector<1x1xf32>
    %max3A_302 = arith.maximumf %broadcast_in_dim3A_299, %max3A_301 : vector<1x1xf32>
    %div3A_303 = vector.broadcast %max3A_302 : vector<1x1xf32> to vector<1x32xf32>
    %div3A_304 = arith.divf %broadcast_in_dim3A_291, %div3A_303 : vector<1x32xf32>
    %eq3A_305 = arith.constant 12 : i32
    %eq3A_306 = vector.broadcast %eq3A_305 : i32 to vector<10000x1xi32>
    %eq3A_307 = arith.cmpi eq, %get3A_22, %eq3A_306 : vector<10000x1xi32>
    %jit3A_308 = arith.constant 0.000000e+00 : f32
    %broadcast_in_dim3A_309 = vector.shape_cast %eq3A_307 : vector<10000x1xi1> to vector<10000x1xi1>
    %broadcast_in_dim3A_310 = vector.broadcast %broadcast_in_dim3A_309 : vector<10000x1xi1> to vector<10000x32xi1>
    %broadcast_in_dim3A_311 = vector.broadcast %jit3A_308 : f32 to vector<10000x32xf32>
    %select_n3A_312 = arith.select %broadcast_in_dim3A_310, %max3A_19, %broadcast_in_dim3A_311 : vector<10000x32xi1>, vector<10000x32xf32>
    %reduce_sum3A_313 = arith.constant dense<0.000000e+00> : vector<32xf32>
    %reduce_sum3A_314 = vector.multi_reduction <add>, %select_n3A_312, %reduce_sum3A_313 [0] : vector<10000x32xf32> to vector<32xf32>
    %broadcast_in_dim3A_315 = vector.shape_cast %reduce_sum3A_314 : vector<32xf32> to vector<1x32xf32>
    %jit3A_316 = arith.constant 1.000000e+00 : f32
    %jit3A_317 = arith.constant 0.000000e+00 : f32
    %broadcast_in_dim3A_318 = vector.broadcast %jit3A_316 : f32 to vector<10000x1xf32>
    %broadcast_in_dim3A_319 = vector.broadcast %jit3A_317 : f32 to vector<10000x1xf32>
    %select_n3A_320 = arith.select %eq3A_307, %broadcast_in_dim3A_318, %broadcast_in_dim3A_319 : vector<10000x1xi1>, vector<10000x1xf32>
    %reduce_sum3A_321 = arith.constant dense<0.000000e+00> : vector<1xf32>
    %reduce_sum3A_322 = vector.multi_reduction <add>, %select_n3A_320, %reduce_sum3A_321 [0] : vector<10000x1xf32> to vector<1xf32>
    %broadcast_in_dim3A_323 = vector.shape_cast %reduce_sum3A_322 : vector<1xf32> to vector<1x1xf32>
    %max3A_324 = arith.constant 1.000000e+00 : f32
    %max3A_325 = vector.broadcast %max3A_324 : f32 to vector<1x1xf32>
    %max3A_326 = arith.maximumf %broadcast_in_dim3A_323, %max3A_325 : vector<1x1xf32>
    %div3A_327 = vector.broadcast %max3A_326 : vector<1x1xf32> to vector<1x32xf32>
    %div3A_328 = arith.divf %broadcast_in_dim3A_315, %div3A_327 : vector<1x32xf32>
    %eq3A_329 = arith.constant 13 : i32
    %eq3A_330 = vector.broadcast %eq3A_329 : i32 to vector<10000x1xi32>
    %eq3A_331 = arith.cmpi eq, %get3A_22, %eq3A_330 : vector<10000x1xi32>
    %jit3A_332 = arith.constant 0.000000e+00 : f32
    %broadcast_in_dim3A_333 = vector.shape_cast %eq3A_331 : vector<10000x1xi1> to vector<10000x1xi1>
    %broadcast_in_dim3A_334 = vector.broadcast %broadcast_in_dim3A_333 : vector<10000x1xi1> to vector<10000x32xi1>
    %broadcast_in_dim3A_335 = vector.broadcast %jit3A_332 : f32 to vector<10000x32xf32>
    %select_n3A_336 = arith.select %broadcast_in_dim3A_334, %max3A_19, %broadcast_in_dim3A_335 : vector<10000x32xi1>, vector<10000x32xf32>
    %reduce_sum3A_337 = arith.constant dense<0.000000e+00> : vector<32xf32>
    %reduce_sum3A_338 = vector.multi_reduction <add>, %select_n3A_336, %reduce_sum3A_337 [0] : vector<10000x32xf32> to vector<32xf32>
    %broadcast_in_dim3A_339 = vector.shape_cast %reduce_sum3A_338 : vector<32xf32> to vector<1x32xf32>
    %jit3A_340 = arith.constant 1.000000e+00 : f32
    %jit3A_341 = arith.constant 0.000000e+00 : f32
    %broadcast_in_dim3A_342 = vector.broadcast %jit3A_340 : f32 to vector<10000x1xf32>
    %broadcast_in_dim3A_343 = vector.broadcast %jit3A_341 : f32 to vector<10000x1xf32>
    %select_n3A_344 = arith.select %eq3A_331, %broadcast_in_dim3A_342, %broadcast_in_dim3A_343 : vector<10000x1xi1>, vector<10000x1xf32>
    %reduce_sum3A_345 = arith.constant dense<0.000000e+00> : vector<1xf32>
    %reduce_sum3A_346 = vector.multi_reduction <add>, %select_n3A_344, %reduce_sum3A_345 [0] : vector<10000x1xf32> to vector<1xf32>
    %broadcast_in_dim3A_347 = vector.shape_cast %reduce_sum3A_346 : vector<1xf32> to vector<1x1xf32>
    %max3A_348 = arith.constant 1.000000e+00 : f32
    %max3A_349 = vector.broadcast %max3A_348 : f32 to vector<1x1xf32>
    %max3A_350 = arith.maximumf %broadcast_in_dim3A_347, %max3A_349 : vector<1x1xf32>
    %div3A_351 = vector.broadcast %max3A_350 : vector<1x1xf32> to vector<1x32xf32>
    %div3A_352 = arith.divf %broadcast_in_dim3A_339, %div3A_351 : vector<1x32xf32>
    %eq3A_353 = arith.constant 14 : i32
    %eq3A_354 = vector.broadcast %eq3A_353 : i32 to vector<10000x1xi32>
    %eq3A_355 = arith.cmpi eq, %get3A_22, %eq3A_354 : vector<10000x1xi32>
    %jit3A_356 = arith.constant 0.000000e+00 : f32
    %broadcast_in_dim3A_357 = vector.shape_cast %eq3A_355 : vector<10000x1xi1> to vector<10000x1xi1>
    %broadcast_in_dim3A_358 = vector.broadcast %broadcast_in_dim3A_357 : vector<10000x1xi1> to vector<10000x32xi1>
    %broadcast_in_dim3A_359 = vector.broadcast %jit3A_356 : f32 to vector<10000x32xf32>
    %select_n3A_360 = arith.select %broadcast_in_dim3A_358, %max3A_19, %broadcast_in_dim3A_359 : vector<10000x32xi1>, vector<10000x32xf32>
    %reduce_sum3A_361 = arith.constant dense<0.000000e+00> : vector<32xf32>
    %reduce_sum3A_362 = vector.multi_reduction <add>, %select_n3A_360, %reduce_sum3A_361 [0] : vector<10000x32xf32> to vector<32xf32>
    %broadcast_in_dim3A_363 = vector.shape_cast %reduce_sum3A_362 : vector<32xf32> to vector<1x32xf32>
    %jit3A_364 = arith.constant 1.000000e+00 : f32
    %jit3A_365 = arith.constant 0.000000e+00 : f32
    %broadcast_in_dim3A_366 = vector.broadcast %jit3A_364 : f32 to vector<10000x1xf32>
    %broadcast_in_dim3A_367 = vector.broadcast %jit3A_365 : f32 to vector<10000x1xf32>
    %select_n3A_368 = arith.select %eq3A_355, %broadcast_in_dim3A_366, %broadcast_in_dim3A_367 : vector<10000x1xi1>, vector<10000x1xf32>
    %reduce_sum3A_369 = arith.constant dense<0.000000e+00> : vector<1xf32>
    %reduce_sum3A_370 = vector.multi_reduction <add>, %select_n3A_368, %reduce_sum3A_369 [0] : vector<10000x1xf32> to vector<1xf32>
    %broadcast_in_dim3A_371 = vector.shape_cast %reduce_sum3A_370 : vector<1xf32> to vector<1x1xf32>
    %max3A_372 = arith.constant 1.000000e+00 : f32
    %max3A_373 = vector.broadcast %max3A_372 : f32 to vector<1x1xf32>
    %max3A_374 = arith.maximumf %broadcast_in_dim3A_371, %max3A_373 : vector<1x1xf32>
    %div3A_375 = vector.broadcast %max3A_374 : vector<1x1xf32> to vector<1x32xf32>
    %div3A_376 = arith.divf %broadcast_in_dim3A_363, %div3A_375 : vector<1x32xf32>
    %eq3A_377 = arith.constant 15 : i32
    %eq3A_378 = vector.broadcast %eq3A_377 : i32 to vector<10000x1xi32>
    %eq3A_379 = arith.cmpi eq, %get3A_22, %eq3A_378 : vector<10000x1xi32>
    %jit3A_380 = arith.constant 0.000000e+00 : f32
    %broadcast_in_dim3A_381 = vector.shape_cast %eq3A_379 : vector<10000x1xi1> to vector<10000x1xi1>
    %broadcast_in_dim3A_382 = vector.broadcast %broadcast_in_dim3A_381 : vector<10000x1xi1> to vector<10000x32xi1>
    %broadcast_in_dim3A_383 = vector.broadcast %jit3A_380 : f32 to vector<10000x32xf32>
    %select_n3A_384 = arith.select %broadcast_in_dim3A_382, %max3A_19, %broadcast_in_dim3A_383 : vector<10000x32xi1>, vector<10000x32xf32>
    %reduce_sum3A_385 = arith.constant dense<0.000000e+00> : vector<32xf32>
    %reduce_sum3A_386 = vector.multi_reduction <add>, %select_n3A_384, %reduce_sum3A_385 [0] : vector<10000x32xf32> to vector<32xf32>
    %broadcast_in_dim3A_387 = vector.shape_cast %reduce_sum3A_386 : vector<32xf32> to vector<1x32xf32>
    %jit3A_388 = arith.constant 1.000000e+00 : f32
    %jit3A_389 = arith.constant 0.000000e+00 : f32
    %broadcast_in_dim3A_390 = vector.broadcast %jit3A_388 : f32 to vector<10000x1xf32>
    %broadcast_in_dim3A_391 = vector.broadcast %jit3A_389 : f32 to vector<10000x1xf32>
    %select_n3A_392 = arith.select %eq3A_379, %broadcast_in_dim3A_390, %broadcast_in_dim3A_391 : vector<10000x1xi1>, vector<10000x1xf32>
    %reduce_sum3A_393 = arith.constant dense<0.000000e+00> : vector<1xf32>
    %reduce_sum3A_394 = vector.multi_reduction <add>, %select_n3A_392, %reduce_sum3A_393 [0] : vector<10000x1xf32> to vector<1xf32>
    %broadcast_in_dim3A_395 = vector.shape_cast %reduce_sum3A_394 : vector<1xf32> to vector<1x1xf32>
    %max3A_396 = arith.constant 1.000000e+00 : f32
    %max3A_397 = vector.broadcast %max3A_396 : f32 to vector<1x1xf32>
    %max3A_398 = arith.maximumf %broadcast_in_dim3A_395, %max3A_397 : vector<1x1xf32>
    %div3A_399 = vector.broadcast %max3A_398 : vector<1x1xf32> to vector<1x32xf32>
    %div3A_400 = arith.divf %broadcast_in_dim3A_387, %div3A_399 : vector<1x32xf32>
    %concatenate3A = tpu.concatenate %div3A_40, %div3A_64, %div3A_88, %div3A_112, %div3A_136, %div3A_160, %div3A_184, %div3A_208, %div3A_232, %div3A_256, %div3A_280, %div3A_304, %div3A_328, %div3A_352, %div3A_376, %div3A_400 in 0 : vector<1x32xf32>, vector<1x32xf32>, vector<1x32xf32>, vector<1x32xf32>, vector<1x32xf32>, vector<1x32xf32>, vector<1x32xf32>, vector<1x32xf32>, vector<1x32xf32>, vector<1x32xf32>, vector<1x32xf32>, vector<1x32xf32>, vector<1x32xf32>, vector<1x32xf32>, vector<1x32xf32>, vector<1x32xf32> -> vector<16x32xf32>
    %get3A_401 = arith.constant 0 : index
    %get3A_402 = arith.constant 0 : index
    %get3A_403 = vector.load %arg5[%get3A_401, %get3A_402] : memref<32x1xf32, #tpu.memory_space<vmem>>, vector<32x1xf32>
    %dot_general3A = arith.constant dense<0.000000e+00> : vector<16x1xf32>
    %dot_general3A_404 = tpu.matmul %concatenate3A, %get3A_403, %dot_general3A {dimension_numbers = #tpu.dot_dimension_numbers<[1], [0], [0], [1], [0, 0, 1, 1], [], []>, transpose_lhs_hint = false} : vector<16x32xf32>, vector<32x1xf32>, vector<16x1xf32> -> vector<16x1xf32>
    %get3A_405 = arith.constant 0 : index
    %get3A_406 = arith.constant 0 : index
    %get3A_407 = vector.load %arg6[%get3A_405, %get3A_406] : memref<1x1xf32, #tpu.memory_space<vmem>>, vector<1x1xf32>
    %add3A_408 = vector.broadcast %get3A_407 : vector<1x1xf32> to vector<16x1xf32>
    %add3A_409 = arith.addf %dot_general3A_404, %add3A_408 : vector<16x1xf32>
    %swap3A = arith.constant 0 : index
    %swap3A_410 = arith.constant 0 : index
    %swap3A_411 = vector.load %arg7[%swap3A, %swap3A_410] : memref<16x1xf32, #tpu.memory_space<vmem>>, vector<16x1xf32>
    tpu.vector_store %arg7[%swap3A, %swap3A_410], %add3A_409 {strides = array<i32>} : memref<16x1xf32, #tpu.memory_space<vmem>>, vector<16x1xf32>,
    return
  }
}

</mosaic_0001>

<sc_bundles>
// kernel: kernel.10.cloned.1.call-start
scs
__scs_entry_jumppad:
0x0: {  	(pc) =	sbr.rel $0x88, $3  }
0x1: {  	(tag) =	ssettag $0x0;
	lr =	simm.s32 $0x1  }
0x2: {  	[smem:$0x3F96] =	sst lr;
	_ =	strace $0xD0000000  }
0x3: {  	_ = 	snop  }
0x4: {  	_ = 	snop  }
0x5: {  	_ = 	snop  }
0x6: {  	_ = 	snop  }
0x7: {  	_ = 	snop  }
__scs_overlays_trampoline_lowered:
0x8: {  	[smem:$0x3FA5] =	sst s0  }
0x9: {  	[smem:$0x3FA6] =	sst s1  }
0xa: {  	[smem:$0x3FA7] =	sst s2  }
0xb: {  	[smem:$0x3FA8] =	sst s3  }
0xc: {  	[smem:$0x3FA9] =	sst s4  }
0xd: {  	[smem:$0x3FAA] =	sst s5  }
0xe: {  	[smem:$0x3FAB] =	sst s6  }
0xf: {  	[smem:$0x3FAC] =	sst s7  }
0x10: {  	[smem:$0x3FAD] =	sst s8  }
0x11: {  	[smem:$0x3FAE] =	sst s9;
	s0 =	simm.s32 @!p0 $0x0  }
0x12: {  	s1 =	sld [smem:$0x3F94];
	s0 =	simm.s32 @p0 $0x1  }
0x13: {  	[smem:$0x3FAF] =	sst s0;
	s0 =	simm.s32 @!p1 $0x0  }
0x14: {  	s2 =	sld [smem:$0x3F93];
	s0 =	simm.s32 @p1 $0x1  }
0x15: {  	[smem:$0x3FB0] =	sst s0;
	s0 =	simm.s32 @!p2 $0x0  }
0x16: {  	s3 =	sld [smem:$0x3FDB];
	s0 =	simm.s32 @p2 $0x1  }
0x17: {  	s4 =	simm.s32 $0x1BF5;
	[smem:$0x3FB2] =	sst s0  }
0x18: {  	s0 =	sld [smem:$0x3F95];
	_ =	swait.ge [sflag:s4], $0x0  }
0x19: {  	s7 =	sld [smem:$0x3F96]  }
0x1a: {  	s8 =	sadd.s32 $0xFFFFE003, lr  }
0x1b: {  	s9 =	sadd.s32 $0xFFFFFEF7, lr;
	s5 =	simm.s32 $0xFFFFFFFF;
	p2 =	slt.u32 s8, $0xFFFFF086  }
0x1c: {  	p1 =	slt.u32 s9, $0xF7A;
	s5 =	simm.s32 @!p2 $0x0  }
0x1d: {  	s5 =	simm.s32 @p1 $0x1;
	p0 =	seq.s32 s7, s2  }
0x1e: {  	s7 =	smul.u32 @!p0 $0xF7A, s2;
	p2 =	seq.s32 @!p0 s5, $0x0  }
0x1f: {  	s9 =	smul.u32 $0xF7A, s1;
	s8 =	simm.s32 @!p0 $0x1BF5;
	p2 =	por !p2, p0  }
0x20: {  	[sflag:s8] =	ssyncset.s32 @!p0 $0xFFFFF086;
	s6 =	sadd.s32 @!p0 s3, s7;
	s7 =	simm.s32 @!p0 $0x108  }
0x21: {  	s3 =	sadd.s32 s3, s9;
	s6 =	sadd.s32 @!p0 $0x88, s6;
	s7 =	simm.s32 @p2 $0x1082  }
0x22: {  	[simem:s7], [sflag:s8] =	dma.local @!p0 [hbm:s6], $0xF7A  }
0x23: {  	s9 =	sor.u32 $0xD0000000, s2;
	s6 =	simm.s32 $0x108;
	_ =	swait.ge @!p0 [sflag:s8], $0x0  }
0x24: {  	s3 =	sadd.s32 $0x88, s3;
	s6 =	simm.s32 @!p1 $0x1082;
	[sflag:s4] =	ssyncset.s32 $0xFFFFF086  }
0x25: {  	[simem:s6], [sflag:s4] =	dma.local [hbm:s3], $0xF7A  }
0x26: {  	[smem:$0x3F96] =	sst s1;
	(tag) =	ssettag s2;
	_ =	strace s9  }
0x27: {  	s1 =	sld [smem:$0x3FA6]  }
0x28: {  	s2 =	sld [smem:$0x3FA7]  }
0x29: {  	s4 =	sld [smem:$0x3FA9]  }
0x2a: {  	p0 =	seq.s32 s5, $0x0;
	s5 =	sld [smem:$0x3FAA]  }
0x2b: {  	s6 =	sld [smem:$0x3FAB]  }
0x2c: {  	s7 =	sld [smem:$0x3FAC]  }
0x2d: {  	s3 =	simm.s32 $0x108;
	s8 =	sld [smem:$0x3FAD]  }
0x2e: {  	s3 =	simm.s32 @!p0 $0x1082;
	s9 =	sld [smem:$0x3FAE]  }
0x2f: {  	lr =	sadd.s32 s0, s3;
	s0 =	sld [smem:$0x3FA5]  }
0x30: {  	s3 =	sld [smem:$0x3FA8]  }
0x31: {  	[smem:$0x3FB1] =	sst s10  }
0x32: {  	s10 =	sld [smem:$0x3FAF];
	_ =	sdelay $0x3  }
0x33: {  	p0 =	seq.s32 s10, $0x1;
	s10 =	sld [smem:$0x3FB1];
	_ =	sdelay $0x3  }
0x34: {  	[smem:$0x3FB1] =	sst s10  }
0x35: {  	s10 =	sld [smem:$0x3FB0];
	_ =	sdelay $0x3  }
0x36: {  	p1 =	seq.s32 s10, $0x1;
	s10 =	sld [smem:$0x3FB1];
	_ =	sdelay $0x3  }
0x37: {  	[smem:$0x3FB1] =	sst s10  }
0x38: {  	s10 =	sld [smem:$0x3FB2]  }
0x39: {  	_ = 	snop;
	(pc) =	sbr.ind lr, $3  }
0x3a: {  	_ = 	snop  }
0x3b: {  	_ = 	snop  }
0x3c: {  	p2 =	seq.s32 s10, $0x1;
	s10 =	sld [smem:$0x3FB1]  }
0x3d: {  	_ =	shalt  }
0x3e: {  	_ =	shalt  }
0x3f: {  	_ =	shalt  }
0x40: {  	_ =	shalt  }
0x41: {  	_ =	shalt  }
0x42: {  	_ =	shalt  }
0x43: {  	_ =	shalt  }
0x44: {  	_ =	shalt  }
0x45: {  	_ =	shalt  }
0x46: {  	_ =	shalt  }
0x47: {  	_ =	shalt  }
0x48: {  	_ =	shalt  }
0x49: {  	_ =	shalt  }
0x4a: {  	_ =	shalt  }
0x4b: {  	_ =	shalt  }
0x4c: {  	_ =	shalt  }
0x4d: {  	_ =	shalt  }
0x4e: {  	_ =	shalt  }
0x4f: {  	_ =	shalt  }
0x50: {  	_ =	shalt  }
0x51: {  	_ =	shalt  }
0x52: {  	_ =	shalt  }
0x53: {  	_ =	shalt  }
0x54: {  	_ =	shalt  }
0x55: {  	_ =	shalt  }
0x56: {  	_ =	shalt  }
0x57: {  	_ =	shalt  }
0x58: {  	_ =	shalt  }
0x59: {  	_ =	shalt  }
0x5a: {  	_ =	shalt  }
0x5b: {  	_ =	shalt  }
0x5c: {  	_ =	shalt  }
0x5d: {  	_ =	shalt  }
0x5e: {  	_ =	shalt  }
0x5f: {  	_ =	shalt  }
0x60: {  	_ =	shalt  }
0x61: {  	_ =	shalt  }
0x62: {  	_ =	shalt  }
0x63: {  	_ =	shalt  }
0x64: {  	_ =	shalt  }
0x65: {  	_ =	shalt  }
0x66: {  	_ =	shalt  }
0x67: {  	_ =	shalt  }
0x68: {  	_ =	shalt  }
0x69: {  	_ =	shalt  }
0x6a: {  	_ =	shalt  }
0x6b: {  	_ =	shalt  }
0x6c: {  	_ =	shalt  }
0x6d: {  	_ =	shalt  }
0x6e: {  	_ =	shalt  }
0x6f: {  	_ =	shalt  }
0x70: {  	_ =	shalt  }
0x71: {  	_ =	shalt  }
0x72: {  	_ =	shalt  }
0x73: {  	_ =	shalt  }
0x74: {  	_ =	shalt  }
0x75: {  	_ =	shalt  }
0x76: {  	_ =	shalt  }
0x77: {  	_ =	shalt  }
0x78: {  	_ =	shalt  }
0x79: {  	_ =	shalt  }
0x7a: {  	_ =	shalt  }
0x7b: {  	_ =	shalt  }
0x7c: {  	_ =	shalt  }
0x7d: {  	_ =	shalt  }
0x7e: {  	_ =	shalt  }
0x7f: {  	_ =	shalt  }
0x80: {  	_ =	shalt  }
0x81: {  	_ =	shalt  }
0x82: {  	_ =	shalt  }
0x83: {  	_ =	shalt  }
0x84: {  	_ =	shalt  }
0x85: {  	_ =	shalt  }
0x86: {  	_ =	shalt  }
0x87: {  	_ =	shalt  }
.Lfunc_end0:
.L_simem_size_0:
called_computation_lowered:
.L_overlay_start_0:
0x88: {  	s2 =	sld [smem:$0x3FD9]  }
0x89: {  	s3 =	sld [smem:$0x3FFE];
	_ =	sdelay $0x1  }
0x8a: {  	s1 =	srdreg.scid  }
0x8b: {  	s0 =	sand.u32 $0x1, s1  }
0x8c: {  	s16 =	sshll.u32 s0, $0xA;
	s2 =	sadd.s32 s3, s2  }
0x8d: {  	s2 =	sadd.s32 s2, s16  }
0x8e: {  	[smem:$0x3FBD] =	sst s2  }
0x8f: {  	_ = 	snop  }
0x90: {  	(tm) =	ssettm $0x1  }
0x91: {  	s17 =	sld [smem:$0x3FFB];
	_ =	sdelay $0x3  }
0x92: {  	_ =	strace s17  }
0x93: {  	s2 =	sld [smem:$0x3FFC];
	_ =	sdelay $0x3  }
0x94: {  	_ =	strace s2  }
0x95: {  	s2 =	sld [smem:$0x3FFD];
	_ =	sdelay $0x3  }
0x96: {  	_ =	strace s2  }
0x97: {  	_ =	strace $0x8FFFFFFF  }
0x98: {  	s18 =	sld [smem:$0x3FDB];
	_ =	sdelay $0x1  }
0x99: {  	s19 =	simm.s32 $_scs_section_size  }
0x9a: {  	s4 =	simm.s32 $_size__tile_overlayer_lowered;
	s5 =	simm.s32 $_tile_overlayer_lowered  }
0x9b: {  	s22 =	simm.s32 $0x1BFF;
	s21 =	sshll.u32 s5, $0x1;
	s2 =	sadd.s32 s19, s18  }
0x9c: {  	s6 =	simm.s32 $0x0;
	s20 =	sshll.u32 s4, $0x1;
	s4 =	sadd.s32 s21, s2  }
0x9d: {  	[timem:s6], [sflag:s22] =	dma.local [hbm:s4], s20  }
0x9e: {  	_ =	swait.ge [sflag:s22], s20  }
0x9f: {  	s3 =	ssub.s32 $0x0, s20;
	[sflag:s22] =	ssyncset.done $0x0  }
0xa0: {  	[sflag:s22] =	ssyncadd.s32 s3;
	_ =	sdelay $0x1  }
0xa1: {  	s23 =	simm.s32 $0x1B8B  }
0xa2: {  	_ =	swait.ge [sflag:s23], $0x1  }
0xa3: {  	[sflag:s23] =	ssyncset.done $0x0  }
0xa4: {  	s25 =	simm.s32 $0x1B8E;
	s24 =	sld [smem:$0x3FFE];
	[sflag:s23] =	ssyncadd.s32 $0xFFFFFFFF  }
0xa5: {  	s26 =	simm.s32 $execute0_lowered;
	[smem:$0x3FD2] =	sst s25  }
0xa6: {  	s4 =	sshll.u32 s26, $0x1;
	_ =	strace $0x80000046;
	[dreg:$0x1] =	wrdreg $0xFFFFFFFF  }
0xa7: {  	s28 =	simm.s32 $_size_execute0_lowered;
	s2 =	sadd.s32 s2, s4;
	[dreg:$0x0] =	wrdreg $0x0  }
0xa8: {  	s4 =	sshll.u32 s28, $0x1;
	[dreg:$0x2] =	wrdreg s2  }
0xa9: {  	[dreg:$0x3] =	wrdreg s4  }
0xaa: {  	[dreg:$0x4] =	wrdreg $0xC0  }
0xab: {  	_ =	task [dreg:s6], $0x5FFFF  }
0xac: {  	[dreg:$0x1] =	wrdreg $0xFFFFFFFF  }
0xad: {  	[dreg:$0x0] =	wrdreg $0x60  }
0xae: {  	[dreg:$0x2] =	wrdreg s24  }
0xaf: {  	[dreg:$0x3] =	wrdreg $0x38000  }
0xb0: {  	[dreg:$0x4] =	wrdreg $0x9  }
0xb1: {  	_ =	task.clear_ibuf [dreg:s6], $0x5FFFF;
	_ =	strace $0x90000046  }
0xb2: {  	s29 =	simm.s32 $0x9;
	_ =	strace $0x80000048  }
0xb3: {  	_ =	swait.ge [sflag:s29], $0x1  }
0xb4: {  	[sflag:s29] =	ssyncadd.s32 $0xFFFFFFFF  }
0xb5: {  	_ =	strace $0x90000048  }
0xb6: {  	_ =	sfence  }
0xb7: {  	s30 =	sld [smem:$0x0];
	_ =	sdelay $0x2  }
0xb8: {  	s31 =	sshll.u32 s1, $0xD;
	s1 =	sshrl.u32 s1, $0x2  }
0xb9: {  	s3 =	sand.u32 $0x4000, s31;
	s1 =	sadd.s32 s1, s30  }
0xba: {  	s0 =	sor.u32 s3, s0;
	s1 =	sshll.u32 s1, $0x11  }
0xbb: {  	s0 =	sor.u32 s1, s0  }
0xbc: {  	s0 =	sadd.s32 $0x8F2B, s0  }
0xbd: {  	[sflag:s0] =	ssyncadd.remote.s32 $0x1  }
0xbe: {  	_ =	sfence.sel $0xFFFF  }
0xbf: {  	[dreg:$0x0] =	wrdreg $0xFFFFFFFF;
	(pc) =	sbr.abs _section_cstart, $3  }
0xc0: {  	[dreg:$0x1] =	wrdreg $0xFFFFFFFF  }
0xc1: {  	_ =	task.clear_ibuf [dreg:s6], $0x2FFFF;
	_ =	strace $0x9FFFFFFF  }
0xc2: {  	(tm) =	ssettm $0x7FFFFFFF  }
0xc3: {  	_ =	shalt  }
tec
execute0_lowered:
.L_overlay_start_1:
0x0: {  	(tag) =	ssettag $0x1  }
0x1: {  	s7 =	rddreg [dreg:$0x0]  }
0x2: {  	s0 =	srdreg.scid;
	s2 =	rddreg [dreg:$0x1];
	s3 =	simm.s32 $0x0  }
0x3: {  	s14 =	simm.s32 $0x3000;
	s15 =	simm.s32 $0x1;
	s16 =	simm.s32 $0x2800  }
0x4: {  	s17 =	simm.s32 $0x80;
	s6 =	sand.u32 $0x1, s0;
	s0 =	stileid.u32  }
0x5: {  	s20 =	simm.s32 $0x0;
	[smem:$0x7FF] =	sst s3;
	s8 =	smul.u32 $0x500, s0  }
0x6: {  	s5 =	sadd.s32 $0xC800, s7;
	s1 =	sshll.u32 s6, $0x4;
	s9 =	smul.u32 $0x5000, s6  }
0x7: {  	s10 =	smul.u32 $0xA000, s0;
	s6 =	ssub.s32 $0x2, s6;
	s18 =	sshll.u32 s0, $0x6  }
0x8: {  	s1 =	sor.u32 s0, s1;
	s31 =	sshrl.u32 s6, $0x1;
	s18 =	sor.u32 $0x1C01, s18  }
0x9: {  	s4 =	smul.u32 $0x500, s1;
	s1 =	rddreg [dreg:$0x2];
	_ =	strace $0x80000047  }
0xa: {  	s8 =	sadd.s32 s8, s9;
	s10 =	sshrl.u32 s10, $0x2;
	s13 =	ssub.s32 s6, s31  }
0xb: {  	s12 =	sadd.s32 s8, s7;
	s6 =	sadd.s32 s10, s2;
	s13 =	smax.u32 s13, $0x1  }
0xc: {  	s11 =	sadd.s32 s4, s7;
	s4 =	sadd.s32 $0xCA00, s7;
	s7 =	sadd.s32 $0x800, s6  }
0xd: {  	s8 =	sadd.s32 $0x1000, s6;
	s9 =	sadd.s32 $0x1800, s6;
	s10 =	sadd.s32 $0x2000, s6  }
0xe: {  	s12 =	sadd.s32 $0xCC00, s12;
	s19 =	sshrl.u32 s6, $0x3;
	s11 =	sadd.s32 $0x2800, s11  }
.LBB2_1:
0xf: {  	[tilespmem:s14], [sflag:$0x1] =	stream.linear.gather [hbm4b:s5+s3], $0x800, $0x38;
	[tilespmem:$0x6000] =	vst v63  }
0x10: {  	_ =	swait.ge [sflag:s15], $0x800  }
0x11: {  	[sflag:s15] =	ssyncset.done $0x0  }
0x12: {  	[sflag:s15] =	ssyncadd.s32 $0xFFFFF800  }
0x13: {  	[spmem:s6] =	stream.linear.scatter [tilespmem:s14], [sflag:$0x1], $0x800, $0x38;
	[tilespmem:$0x6000] =	vst v63  }
0x14: {  	_ =	swait.ge [sflag:s15], $0x800  }
0x15: {  	[sflag:s15] =	ssyncset.done $0x0  }
0x16: {  	[sflag:s15] =	ssyncadd.s32 $0xFFFFF800  }
0x17: {  	[spmem:s7] =	stream.linear.scatter [tilespmem:s14], [sflag:$0x1], $0x800, $0x38;
	[tilespmem:$0x6000] =	vst v63  }
0x18: {  	_ =	swait.ge [sflag:s15], $0x800  }
0x19: {  	[sflag:s15] =	ssyncset.done $0x0  }
0x1a: {  	[sflag:s15] =	ssyncadd.s32 $0xFFFFF800  }
0x1b: {  	[spmem:s8] =	stream.linear.scatter [tilespmem:s14], [sflag:$0x1], $0x800, $0x38;
	[tilespmem:$0x6000] =	vst v63  }
0x1c: {  	_ =	swait.ge [sflag:s15], $0x800  }
0x1d: {  	[sflag:s15] =	ssyncset.done $0x0  }
0x1e: {  	[sflag:s15] =	ssyncadd.s32 $0xFFFFF800  }
0x1f: {  	[spmem:s9] =	stream.linear.scatter [tilespmem:s14], [sflag:$0x1], $0x800, $0x38;
	[tilespmem:$0x6000] =	vst v63  }
0x20: {  	_ =	swait.ge [sflag:s15], $0x800  }
0x21: {  	[sflag:s15] =	ssyncset.done $0x0  }
0x22: {  	[sflag:s15] =	ssyncadd.s32 $0xFFFFF800  }
0x23: {  	[spmem:s10] =	stream.linear.scatter [tilespmem:s14], [sflag:$0x1], $0x800, $0x38;
	[tilespmem:$0x6000] =	vst v63  }
0x24: {  	_ =	swait.ge [sflag:s15], $0x800  }
0x25: {  	[sflag:s15] =	ssyncset.done $0x0  }
0x26: {  	[sflag:s15] =	ssyncadd.s32 $0xFFFFF800  }
0x27: {  	[tilespmem:s16], [sflag:$0x1] =	stream.linear.gather [hbm4b:s4+s3], $0x800, $0x38;
	[tilespmem:$0x6000] =	vst v63  }
0x28: {  	_ =	swait.ge [sflag:s15], $0x800  }
0x29: {  	[sflag:s15] =	ssyncset.done $0x0  }
0x2a: {  	[sflag:s15] =	ssyncadd.s32 $0xFFFFF800  }
0x2b: {  	[tilespmem:s3], [sflag:$0x1] =	stream.linear.gather [hbm4b:s11+s3], $0x2800, $0x38;
	[tilespmem:$0x6000] =	vst v63  }
0x2c: {  	_ =	swait.ge [sflag:s15], $0x2800  }
0x2d: {  	[sflag:s15] =	ssyncset.done $0x0  }
0x2e: {  	[sflag:s15] =	ssyncadd.s32 $0xFFFFD800  }
0x2f: {  	s21 =	simm.s32 $0x0;
	[bflag:$0x0] =	sbarrier.arrive $0xFFFF  }
0x30: {  	[spmem:s2] =	stream.indirect.scatter.add.f32 [tilespmem:s16], [sflag:$0x1], $0x10, s21, s17, $0xb8;
	[tilespmem:$0x6000] =	vst v63  }
0x31: {  	_ =	swait.ge [sflag:s15], $0x800  }
0x32: {  	s21 =	simm.s32 $0x200;
	[sflag:s15] =	ssyncset.done $0x0  }
.LBB2_2:
0x33: {  	s22 =	sshra.s32 s21, $0x2;
	[sflag:s15] =	ssyncadd.s32 $0xFFFFF800;
	p0 =	sne.s32 s21, $0x9E00  }
0x34: {  	[spmem:s2] =	stream.indirect.scatter.add.f32 [tilespmem:s16], [sflag:$0x1], $0x10, s22, s17, $0xb8;
	[tilespmem:$0x6000] =	vst v63  }
.Ltmp0:
0x35: {  	_ = 	snop;
	(pc) =	sbr.rel @p0 .LBB2_2-.Ltmp0, $4  }
0x36: {  	_ = 	snop  }
0x37: {  	s21 =	sadd.s32 $0x200, s21  }
0x38: {  	_ =	swait.ge [sflag:s15], $0x800  }
0x39: {  	[sflag:s15] =	ssyncset.done $0x0  }
0x3a: {  	s20 =	sadd.s32 $0x1, s20  }
0x3b: {  	[sflag:s15] =	ssyncadd.s32 $0xFFFFF800;
	p0 =	sne.s32 s20, s13  }
.Ltmp1:
0x3c: {  	[bflag:$0x0] =	sbarrier.arrive $0xFFFF;
	(pc) =	sbr.rel @p0 .LBB2_1-.Ltmp1, $4  }
0x3d: {  	[hbm:s12], [sflag:s18] =	dma.local [spmem:s19], $0x500  }
0x3e: {  	_ =	swait.ge [sflag:s15], $0x500  }
0x3f: {  	[sflag:s15] =	ssyncset.done $0x0  }
0x40: {  	[sflag:s15] =	ssyncadd.s32 $0xFFFFFB00  }
0x41: {  	_ =	sfence.sel $0x180000  }
0x42: {  	[bflag:$0x0] =	sbarrier.arrive $0xFFFF  }
0x43: {  	p0 =	sne.s32 s0, $0x0;
	_ =	strace $0x90000047  }
0x44: {  	s0 =	sadd.s32 @!p0 $0x100000, s1;
	[bflag:$0x2] =	sbarrier.arrive $0xFFFF  }
0x45: {  	[sflag:s0] =	ssyncadd.tile.s32 @!p0 $0x1;
	_ =	shalt  }
.Lfunc_end2:
_tile_overlayer_lowered:
.L_overlay_start_2:
0x46: {  	(tag) =	ssettag $0x2  }
0x47: {  	s0 =	rddreg [dreg:$0x0];
	s2 =	stileid.u32  }
0x48: {  	s1 =	rddreg [dreg:$0x1];
	p0 =	sne.s32 s2, $0x0  }
0x49: {  	s3 =	rddreg [dreg:$0x2];
	[bflag:$0x3] =	sbarrier.arrive $0xFFFF;
	s2 =	simm.s32 @!p0 $0x1C01  }
0x4a: {  	[timem:s3], [sflag:s2] =	dma.local @!p0 [hbm:s0], s1  }
0x4b: {  	s0 =	simm.s32 @!p0 $0x1  }
0x4c: {  	_ =	swait.ge @!p0 [sflag:s0], s1  }
0x4d: {  	s1 =	ssub.s32 @!p0 $0x0, s1;
	[sflag:s0] =	ssyncset.done @!p0 $0x0  }
0x4e: {  	[sflag:s0] =	ssyncadd.s32 @!p0 s1  }
0x4f: {  	[bflag:$0x3] =	sbarrier.arrive $0xFFFF  }
0x50: {  	_ =	shalt  }

// kernel: kernel.13.cloned.1.call-start
scs
__scs_entry_jumppad:
0x0: {  	(pc) =	sbr.rel $0x88, $3  }
0x1: {  	(tag) =	ssettag $0x0;
	lr =	simm.s32 $0x1  }
0x2: {  	[smem:$0x3F96] =	sst lr;
	_ =	strace $0xD0000000  }
0x3: {  	_ = 	snop  }
0x4: {  	_ = 	snop  }
0x5: {  	_ = 	snop  }
0x6: {  	_ = 	snop  }
0x7: {  	_ = 	snop  }
__scs_overlays_trampoline_lowered:
0x8: {  	[smem:$0x3FA5] =	sst s0  }
0x9: {  	[smem:$0x3FA6] =	sst s1  }
0xa: {  	[smem:$0x3FA7] =	sst s2  }
0xb: {  	[smem:$0x3FA8] =	sst s3  }
0xc: {  	[smem:$0x3FA9] =	sst s4  }
0xd: {  	[smem:$0x3FAA] =	sst s5  }
0xe: {  	[smem:$0x3FAB] =	sst s6  }
0xf: {  	[smem:$0x3FAC] =	sst s7  }
0x10: {  	[smem:$0x3FAD] =	sst s8  }
0x11: {  	[smem:$0x3FAE] =	sst s9;
	s0 =	simm.s32 @!p0 $0x0  }
0x12: {  	s1 =	sld [smem:$0x3F94];
	s0 =	simm.s32 @p0 $0x1  }
0x13: {  	[smem:$0x3FAF] =	sst s0;
	s0 =	simm.s32 @!p1 $0x0  }
0x14: {  	s2 =	sld [smem:$0x3F93];
	s0 =	simm.s32 @p1 $0x1  }
0x15: {  	[smem:$0x3FB0] =	sst s0;
	s0 =	simm.s32 @!p2 $0x0  }
0x16: {  	s3 =	sld [smem:$0x3FDB];
	s0 =	simm.s32 @p2 $0x1  }
0x17: {  	s4 =	simm.s32 $0x1BF5;
	[smem:$0x3FB2] =	sst s0  }
0x18: {  	s0 =	sld [smem:$0x3F95];
	_ =	swait.ge [sflag:s4], $0x0  }
0x19: {  	s7 =	sld [smem:$0x3F96]  }
0x1a: {  	s8 =	sadd.s32 $0xFFFFE003, lr  }
0x1b: {  	s9 =	sadd.s32 $0xFFFFFEF7, lr;
	s5 =	simm.s32 $0xFFFFFFFF;
	p2 =	slt.u32 s8, $0xFFFFF086  }
0x1c: {  	p1 =	slt.u32 s9, $0xF7A;
	s5 =	simm.s32 @!p2 $0x0  }
0x1d: {  	s5 =	simm.s32 @p1 $0x1;
	p0 =	seq.s32 s7, s2  }
0x1e: {  	s7 =	smul.u32 @!p0 $0xF7A, s2;
	p2 =	seq.s32 @!p0 s5, $0x0  }
0x1f: {  	s9 =	smul.u32 $0xF7A, s1;
	s8 =	simm.s32 @!p0 $0x1BF5;
	p2 =	por !p2, p0  }
0x20: {  	[sflag:s8] =	ssyncset.s32 @!p0 $0xFFFFF086;
	s6 =	sadd.s32 @!p0 s3, s7;
	s7 =	simm.s32 @!p0 $0x108  }
0x21: {  	s3 =	sadd.s32 s3, s9;
	s6 =	sadd.s32 @!p0 $0x88, s6;
	s7 =	simm.s32 @p2 $0x1082  }
0x22: {  	[simem:s7], [sflag:s8] =	dma.local @!p0 [hbm:s6], $0xF7A  }
0x23: {  	s9 =	sor.u32 $0xD0000000, s2;
	s6 =	simm.s32 $0x108;
	_ =	swait.ge @!p0 [sflag:s8], $0x0  }
0x24: {  	s3 =	sadd.s32 $0x88, s3;
	s6 =	simm.s32 @!p1 $0x1082;
	[sflag:s4] =	ssyncset.s32 $0xFFFFF086  }
0x25: {  	[simem:s6], [sflag:s4] =	dma.local [hbm:s3], $0xF7A  }
0x26: {  	[smem:$0x3F96] =	sst s1;
	(tag) =	ssettag s2;
	_ =	strace s9  }
0x27: {  	s1 =	sld [smem:$0x3FA6]  }
0x28: {  	s2 =	sld [smem:$0x3FA7]  }
0x29: {  	s4 =	sld [smem:$0x3FA9]  }
0x2a: {  	p0 =	seq.s32 s5, $0x0;
	s5 =	sld [smem:$0x3FAA]  }
0x2b: {  	s6 =	sld [smem:$0x3FAB]  }
0x2c: {  	s7 =	sld [smem:$0x3FAC]  }
0x2d: {  	s3 =	simm.s32 $0x108;
	s8 =	sld [smem:$0x3FAD]  }
0x2e: {  	s3 =	simm.s32 @!p0 $0x1082;
	s9 =	sld [smem:$0x3FAE]  }
0x2f: {  	lr =	sadd.s32 s0, s3;
	s0 =	sld [smem:$0x3FA5]  }
0x30: {  	s3 =	sld [smem:$0x3FA8]  }
0x31: {  	[smem:$0x3FB1] =	sst s10  }
0x32: {  	s10 =	sld [smem:$0x3FAF];
	_ =	sdelay $0x3  }
0x33: {  	p0 =	seq.s32 s10, $0x1;
	s10 =	sld [smem:$0x3FB1];
	_ =	sdelay $0x3  }
0x34: {  	[smem:$0x3FB1] =	sst s10  }
0x35: {  	s10 =	sld [smem:$0x3FB0];
	_ =	sdelay $0x3  }
0x36: {  	p1 =	seq.s32 s10, $0x1;
	s10 =	sld [smem:$0x3FB1];
	_ =	sdelay $0x3  }
0x37: {  	[smem:$0x3FB1] =	sst s10  }
0x38: {  	s10 =	sld [smem:$0x3FB2]  }
0x39: {  	_ = 	snop;
	(pc) =	sbr.ind lr, $3  }
0x3a: {  	_ = 	snop  }
0x3b: {  	_ = 	snop  }
0x3c: {  	p2 =	seq.s32 s10, $0x1;
	s10 =	sld [smem:$0x3FB1]  }
0x3d: {  	_ =	shalt  }
0x3e: {  	_ =	shalt  }
0x3f: {  	_ =	shalt  }
0x40: {  	_ =	shalt  }
0x41: {  	_ =	shalt  }
0x42: {  	_ =	shalt  }
0x43: {  	_ =	shalt  }
0x44: {  	_ =	shalt  }
0x45: {  	_ =	shalt  }
0x46: {  	_ =	shalt  }
0x47: {  	_ =	shalt  }
0x48: {  	_ =	shalt  }
0x49: {  	_ =	shalt  }
0x4a: {  	_ =	shalt  }
0x4b: {  	_ =	shalt  }
0x4c: {  	_ =	shalt  }
0x4d: {  	_ =	shalt  }
0x4e: {  	_ =	shalt  }
0x4f: {  	_ =	shalt  }
0x50: {  	_ =	shalt  }
0x51: {  	_ =	shalt  }
0x52: {  	_ =	shalt  }
0x53: {  	_ =	shalt  }
0x54: {  	_ =	shalt  }
0x55: {  	_ =	shalt  }
0x56: {  	_ =	shalt  }
0x57: {  	_ =	shalt  }
0x58: {  	_ =	shalt  }
0x59: {  	_ =	shalt  }
0x5a: {  	_ =	shalt  }
0x5b: {  	_ =	shalt  }
0x5c: {  	_ =	shalt  }
0x5d: {  	_ =	shalt  }
0x5e: {  	_ =	shalt  }
0x5f: {  	_ =	shalt  }
0x60: {  	_ =	shalt  }
0x61: {  	_ =	shalt  }
0x62: {  	_ =	shalt  }
0x63: {  	_ =	shalt  }
0x64: {  	_ =	shalt  }
0x65: {  	_ =	shalt  }
0x66: {  	_ =	shalt  }
0x67: {  	_ =	shalt  }
0x68: {  	_ =	shalt  }
0x69: {  	_ =	shalt  }
0x6a: {  	_ =	shalt  }
0x6b: {  	_ =	shalt  }
0x6c: {  	_ =	shalt  }
0x6d: {  	_ =	shalt  }
0x6e: {  	_ =	shalt  }
0x6f: {  	_ =	shalt  }
0x70: {  	_ =	shalt  }
0x71: {  	_ =	shalt  }
0x72: {  	_ =	shalt  }
0x73: {  	_ =	shalt  }
0x74: {  	_ =	shalt  }
0x75: {  	_ =	shalt  }
0x76: {  	_ =	shalt  }
0x77: {  	_ =	shalt  }
0x78: {  	_ =	shalt  }
0x79: {  	_ =	shalt  }
0x7a: {  	_ =	shalt  }
0x7b: {  	_ =	shalt  }
0x7c: {  	_ =	shalt  }
0x7d: {  	_ =	shalt  }
0x7e: {  	_ =	shalt  }
0x7f: {  	_ =	shalt  }
0x80: {  	_ =	shalt  }
0x81: {  	_ =	shalt  }
0x82: {  	_ =	shalt  }
0x83: {  	_ =	shalt  }
0x84: {  	_ =	shalt  }
0x85: {  	_ =	shalt  }
0x86: {  	_ =	shalt  }
0x87: {  	_ =	shalt  }
.Lfunc_end0:
.L_simem_size_0:
called_computation.1_lowered:
.L_overlay_start_0:
0x88: {  	s2 =	sld [smem:$0x3FD9]  }
0x89: {  	s3 =	sld [smem:$0x3FFE];
	_ =	sdelay $0x1  }
0x8a: {  	s1 =	srdreg.scid  }
0x8b: {  	s0 =	sand.u32 $0x1, s1  }
0x8c: {  	s16 =	sshll.u32 s0, $0xA;
	s2 =	sadd.s32 s3, s2  }
0x8d: {  	s2 =	sadd.s32 s2, s16  }
0x8e: {  	[smem:$0x3FBD] =	sst s2  }
0x8f: {  	_ = 	snop  }
0x90: {  	(tm) =	ssettm $0x1  }
0x91: {  	s17 =	sld [smem:$0x3FFB];
	_ =	sdelay $0x3  }
0x92: {  	_ =	strace s17  }
0x93: {  	s2 =	sld [smem:$0x3FFC];
	_ =	sdelay $0x3  }
0x94: {  	_ =	strace s2  }
0x95: {  	s2 =	sld [smem:$0x3FFD];
	_ =	sdelay $0x3  }
0x96: {  	_ =	strace s2  }
0x97: {  	_ =	strace $0x8FFFFFFF  }
0x98: {  	s18 =	sld [smem:$0x3FDB];
	_ =	sdelay $0x1  }
0x99: {  	s19 =	simm.s32 $_scs_section_size  }
0x9a: {  	s4 =	simm.s32 $_size__tile_overlayer_lowered;
	s5 =	simm.s32 $_tile_overlayer_lowered  }
0x9b: {  	s22 =	simm.s32 $0x1BFF;
	s21 =	sshll.u32 s5, $0x1;
	s2 =	sadd.s32 s19, s18  }
0x9c: {  	s6 =	simm.s32 $0x0;
	s20 =	sshll.u32 s4, $0x1;
	s4 =	sadd.s32 s21, s2  }
0x9d: {  	[timem:s6], [sflag:s22] =	dma.local [hbm:s4], s20  }
0x9e: {  	_ =	swait.ge [sflag:s22], s20  }
0x9f: {  	s3 =	ssub.s32 $0x0, s20;
	[sflag:s22] =	ssyncset.done $0x0  }
0xa0: {  	[sflag:s22] =	ssyncadd.s32 s3;
	_ =	sdelay $0x1  }
0xa1: {  	s23 =	simm.s32 $0x1B8B  }
0xa2: {  	_ =	swait.ge [sflag:s23], $0x1  }
0xa3: {  	[sflag:s23] =	ssyncset.done $0x0  }
0xa4: {  	s25 =	simm.s32 $0x1B8E;
	s24 =	sld [smem:$0x3FFE];
	[sflag:s23] =	ssyncadd.s32 $0xFFFFFFFF  }
0xa5: {  	s26 =	simm.s32 $execute0_lowered;
	[smem:$0x3FD2] =	sst s25  }
0xa6: {  	s4 =	sshll.u32 s26, $0x1;
	_ =	strace $0x80000049;
	[dreg:$0x1] =	wrdreg $0xFFFFFFFF  }
0xa7: {  	s28 =	simm.s32 $_size_execute0_lowered;
	s2 =	sadd.s32 s2, s4;
	[dreg:$0x0] =	wrdreg $0x0  }
0xa8: {  	s4 =	sshll.u32 s28, $0x1;
	[dreg:$0x2] =	wrdreg s2  }
0xa9: {  	[dreg:$0x3] =	wrdreg s4  }
0xaa: {  	[dreg:$0x4] =	wrdreg $0xC0  }
0xab: {  	_ =	task [dreg:s6], $0x5FFFF  }
0xac: {  	[dreg:$0x1] =	wrdreg $0xFFFFFFFF  }
0xad: {  	[dreg:$0x0] =	wrdreg $0x60  }
0xae: {  	[dreg:$0x2] =	wrdreg s24  }
0xaf: {  	[dreg:$0x3] =	wrdreg $0x100000  }
0xb0: {  	[dreg:$0x4] =	wrdreg $0x9  }
0xb1: {  	_ =	task.clear_ibuf [dreg:s6], $0x5FFFF;
	_ =	strace $0x90000049  }
0xb2: {  	s29 =	simm.s32 $0x9;
	_ =	strace $0x8000004B  }
0xb3: {  	_ =	swait.ge [sflag:s29], $0x1  }
0xb4: {  	[sflag:s29] =	ssyncadd.s32 $0xFFFFFFFF  }
0xb5: {  	_ =	strace $0x9000004B  }
0xb6: {  	_ =	sfence  }
0xb7: {  	s30 =	sld [smem:$0x0];
	_ =	sdelay $0x2  }
0xb8: {  	s31 =	sshll.u32 s1, $0xD;
	s1 =	sshrl.u32 s1, $0x2  }
0xb9: {  	s3 =	sand.u32 $0x4000, s31;
	s1 =	sadd.s32 s1, s30  }
0xba: {  	s0 =	sor.u32 s3, s0;
	s1 =	sshll.u32 s1, $0x11  }
0xbb: {  	s0 =	sor.u32 s1, s0  }
0xbc: {  	s0 =	sadd.s32 $0x8F2B, s0  }
0xbd: {  	[sflag:s0] =	ssyncadd.remote.s32 $0x1  }
0xbe: {  	_ =	sfence.sel $0xFFFF  }
0xbf: {  	[dreg:$0x0] =	wrdreg $0xFFFFFFFF;
	(pc) =	sbr.abs _section_cstart, $3  }
0xc0: {  	[dreg:$0x1] =	wrdreg $0xFFFFFFFF  }
0xc1: {  	_ =	task.clear_ibuf [dreg:s6], $0x2FFFF;
	_ =	strace $0x9FFFFFFF  }
0xc2: {  	(tm) =	ssettm $0x7FFFFFFF  }
0xc3: {  	_ =	shalt  }
tec
execute0_lowered:
.L_overlay_start_1:
0x0: {  	(tag) =	ssettag $0x1  }
0x1: {  	s0 =	rddreg [dreg:$0x0]  }
0x2: {  	s1 =	srdreg.scid;
	s2 =	rddreg [dreg:$0x1]  }
0x3: {  	s9 =	stileid.u32;
	s3 =	simm.s32 $0x0;
	s15 =	simm.s32 $0xA000  }
0x4: {  	s16 =	simm.s32 $0x5;
	s17 =	simm.s32 $0x5000;
	s18 =	simm.s32 $0x80  }
0x5: {  	s19 =	simm.s32 $0xC000;
	s20 =	simm.s32 $0x1;
	s21 =	simm.s32 $0xE000  }
0x6: {  	s22 =	simm.s32 $0x2;
	s23 =	simm.s32 $0x3;
	s5 =	smul.u32 $0xA00, s9  }
0x7: {  	s28 =	simm.s32 $0x4F80;
	s29 =	simm.s32 $0x9F00;
	s6 =	smul.u32 $0x1400, s9  }
0x8: {  	s30 =	simm.s32 $0x9F80;
	s1 =	sand.u32 $0x1, s1;
	s25 =	smul.u32 $0x28000, s9  }
0x9: {  	s31 =	simm.s32 $0x0;
	[smem:$0x7FF] =	sst s3;
	s4 =	smul.u32 $0xA000, s1  }
0xa: {  	_ =	strace $0x8000004A;
	s8 =	smul.u32 $0x14000, s1;
	s1 =	ssub.s32 $0x2, s1  }
0xb: {  	s12 =	sadd.s32 s5, s0;
	s26 =	sshrl.u32 s1, $0x1;
	s7 =	sadd.s32 s5, s4  }
0xc: {  	s4 =	sadd.s32 $0x82E00, s0;
	s5 =	sadd.s32 $0xC800, s0;
	s6 =	sadd.s32 s6, s8  }
0xd: {  	s1 =	ssub.s32 s1, s26;
	s12 =	sadd.s32 $0x2800, s12;
	s26 =	simm.s32 $0x4  }
0xe: {  	s11 =	sadd.s32 s7, s0;
	s7 =	sshrl.u32 s25, $0x2;
	s0 =	sadd.s32 s6, s0  }
0xf: {  	s14 =	smax.u32 s1, $0x1;
	s25 =	simm.s32 $0x5080;
	s6 =	sadd.s32 s7, s2  }
0x10: {  	s11 =	sadd.s32 $0x20C00, s11;
	s13 =	sadd.s32 $0xAA000, s0;
	s7 =	sadd.s32 $0x2000, s6  }
0x11: {  	s8 =	sadd.s32 $0x4000, s6;
	s9 =	sadd.s32 $0x6000, s6;
	s10 =	sadd.s32 $0x8000, s6  }
.LBB2_1:
0x12: {  	[tilespmem:s15], [sflag:$0x5] =	stream.linear.gather [hbm4b:s5+s3], $0x2000, $0x38;
	[tilespmem:$0x1A000] =	vst v63  }
0x13: {  	_ =	swait.ge [sflag:s16], $0x2000  }
0x14: {  	[sflag:s16] =	ssyncset.done $0x0  }
0x15: {  	[sflag:s16] =	ssyncadd.s32 $0xFFFFE000  }
0x16: {  	[spmem:s6] =	stream.linear.scatter [tilespmem:s15], [sflag:$0x5], $0x2000, $0x38;
	[tilespmem:$0x1A000] =	vst v63  }
0x17: {  	_ =	swait.ge [sflag:s16], $0x2000  }
0x18: {  	[sflag:s16] =	ssyncset.done $0x0  }
0x19: {  	[sflag:s16] =	ssyncadd.s32 $0xFFFFE000  }
0x1a: {  	[spmem:s7] =	stream.linear.scatter [tilespmem:s15], [sflag:$0x5], $0x2000, $0x38;
	[tilespmem:$0x1A000] =	vst v63  }
0x1b: {  	_ =	swait.ge [sflag:s16], $0x2000  }
0x1c: {  	[sflag:s16] =	ssyncset.done $0x0  }
0x1d: {  	[sflag:s16] =	ssyncadd.s32 $0xFFFFE000  }
0x1e: {  	[spmem:s8] =	stream.linear.scatter [tilespmem:s15], [sflag:$0x5], $0x2000, $0x38;
	[tilespmem:$0x1A000] =	vst v63  }
0x1f: {  	_ =	swait.ge [sflag:s16], $0x2000  }
0x20: {  	[sflag:s16] =	ssyncset.done $0x0  }
0x21: {  	[sflag:s16] =	ssyncadd.s32 $0xFFFFE000  }
0x22: {  	[spmem:s9] =	stream.linear.scatter [tilespmem:s15], [sflag:$0x5], $0x2000, $0x38;
	[tilespmem:$0x1A000] =	vst v63  }
0x23: {  	_ =	swait.ge [sflag:s16], $0x2000  }
0x24: {  	[sflag:s16] =	ssyncset.done $0x0  }
0x25: {  	[sflag:s16] =	ssyncadd.s32 $0xFFFFE000  }
0x26: {  	[spmem:s10] =	stream.linear.scatter [tilespmem:s15], [sflag:$0x5], $0x2000, $0x38;
	[tilespmem:$0x1A000] =	vst v63  }
0x27: {  	_ =	swait.ge [sflag:s16], $0x2000  }
0x28: {  	[sflag:s16] =	ssyncset.done $0x0  }
0x29: {  	[sflag:s16] =	ssyncadd.s32 $0xFFFFE000  }
0x2a: {  	[tilespmem:s3], [sflag:$0x5] =	stream.linear.gather [hbm4b:s11+s3], $0x5000, $0x38;
	[tilespmem:$0x1A000] =	vst v63  }
0x2b: {  	_ =	swait.ge [sflag:s16], $0x5000  }
0x2c: {  	[sflag:s16] =	ssyncset.done $0x0  }
0x2d: {  	[sflag:s16] =	ssyncadd.s32 $0xFFFFB000  }
0x2e: {  	[tilespmem:s17], [sflag:$0x5] =	stream.linear.gather [hbm4b:s12+s3], $0x5000, $0x38;
	[tilespmem:$0x1A000] =	vst v63  }
0x2f: {  	_ =	swait.ge [sflag:s16], $0x5000  }
0x30: {  	[sflag:s16] =	ssyncset.done $0x0  }
0x31: {  	[sflag:s16] =	ssyncadd.s32 $0xFFFFB000  }
0x32: {  	[bflag:$0x0] =	sbarrier.arrive $0xFFFF  }
0x33: {  	[tilespmem:s19], [sflag:$0x1] =	stream.indirect.gather [hbm4b:s4+s18], $0x40, s3, s18, $0xb8;
	[tilespmem:$0x1A000] =	vst v63  }
0x34: {  	_ =	swait.ge [sflag:s20], $0x2000  }
0x35: {  	[sflag:s20] =	ssyncset.done $0x0  }
0x36: {  	[sflag:s20] =	ssyncadd.s32 $0xFFFFE000  }
0x37: {  	[tilespmem:s21], [sflag:$0x2] =	stream.indirect.gather [hbm4b:s4+s18], $0x40, s18, s18, $0xb8;
	[tilespmem:$0x1A000] =	vst v63  }
0x38: {  	_ = 	snop  }
0x39: {  	[spmem:s2] =	stream.indirect.scatter.add.f32 [tilespmem:s19], [sflag:$0x3], $0x40, s17, s18, $0xb8;
	[tilespmem:$0x1A000] =	vst v63  }
0x3a: {  	_ =	swait.ge [sflag:s22], $0x2000  }
0x3b: {  	[sflag:s22] =	ssyncset.done $0x0  }
0x3c: {  	[sflag:s22] =	ssyncadd.s32 $0xFFFFE000  }
0x3d: {  	_ =	swait.ge [sflag:s23], $0x2000  }
0x3e: {  	[sflag:s23] =	ssyncset.done $0x0  }
0x3f: {  	s0 =	simm.s32 $0x100;
	[sflag:s23] =	ssyncadd.s32 $0xFFFFE000  }
0x40: {  	[tilespmem:s19], [sflag:$0x1] =	stream.indirect.gather [hbm4b:s4+s18], $0x40, s0, s18, $0xb8;
	[tilespmem:$0x1A000] =	vst v63  }
0x41: {  	_ = 	snop  }
0x42: {  	[spmem:s2] =	stream.indirect.scatter.add.f32 [tilespmem:s21], [sflag:$0x4], $0x40, s25, s18, $0xb8;
	[tilespmem:$0x1A000] =	vst v63  }
0x43: {  	_ =	swait.ge [sflag:s20], $0x2000  }
0x44: {  	[sflag:s20] =	ssyncset.done $0x0  }
0x45: {  	[sflag:s20] =	ssyncadd.s32 $0xFFFFE000  }
0x46: {  	_ =	swait.ge [sflag:s26], $0x2000  }
0x47: {  	[sflag:s26] =	ssyncset.done $0x0  }
0x48: {  	s24 =	simm.s32 $0x180;
	[sflag:s26] =	ssyncadd.s32 $0xFFFFE000  }
0x49: {  	[tilespmem:s21], [sflag:$0x2] =	stream.indirect.gather [hbm4b:s4+s18], $0x40, s24, s18, $0xb8;
	[tilespmem:$0x1A000] =	vst v63  }
0x4a: {  	s1 =	simm.s32 $0x5100  }
0x4b: {  	[spmem:s2] =	stream.indirect.scatter.add.f32 [tilespmem:s19], [sflag:$0x3], $0x40, s1, s18, $0xb8;
	[tilespmem:$0x1A000] =	vst v63  }
0x4c: {  	_ =	swait.ge [sflag:s22], $0x2000  }
0x4d: {  	[sflag:s22] =	ssyncset.done $0x0  }
0x4e: {  	[sflag:s22] =	ssyncadd.s32 $0xFFFFE000  }
0x4f: {  	_ =	swait.ge [sflag:s23], $0x2000  }
0x50: {  	s0 =	simm.s32 $0xFFFECC00;
	[sflag:s23] =	ssyncset.done $0x0  }
0x51: {  	s24 =	simm.s32 $0x200;
	s1 =	simm.s32 $0x5180;
	[sflag:s23] =	ssyncadd.s32 $0xFFFFE000  }
0x52: {  	[tilespmem:s19], [sflag:$0x1] =	stream.indirect.gather [hbm4b:s4+s18], $0x40, s24, s18, $0xb8;
	[tilespmem:$0x1A000] =	vst v63  }
.LBB2_2:
0x53: {  	[spmem:s2] =	stream.indirect.scatter.add.f32 [tilespmem:s21], [sflag:$0x4], $0x40, s1, s18, $0xb8;
	[tilespmem:$0x1A000] =	vst v63  }
0x54: {  	s1 =	smov.u32 s0  }
0x55: {  	p0 =	sne.s32 s0, $0xFFFFFC00;
	s0 =	sadd.s32 $0x400, s0;
	_ =	swait.ge [sflag:s20], $0x2000  }
0x56: {  	[sflag:s20] =	ssyncset.done $0x0  }
0x57: {  	[sflag:s20] =	ssyncadd.s32 $0xFFFFE000  }
0x58: {  	_ =	swait.ge [sflag:s26], $0x2000  }
0x59: {  	s1 =	sshra.s32 s1, $0x2;
	[sflag:s26] =	ssyncset.done $0x0  }
0x5a: {  	s24 =	sadd.s32 $0x4F80, s1;
	[sflag:s26] =	ssyncadd.s32 $0xFFFFE000  }
0x5b: {  	[tilespmem:s21], [sflag:$0x2] =	stream.indirect.gather [hbm4b:s4+s18], $0x40, s24, s18, $0xb8;
	[tilespmem:$0x1A000] =	vst v63  }
0x5c: {  	s24 =	sadd.s32 $0x9F00, s1  }
0x5d: {  	[spmem:s2] =	stream.indirect.scatter.add.f32 [tilespmem:s19], [sflag:$0x3], $0x40, s24, s18, $0xb8;
	[tilespmem:$0x1A000] =	vst v63  }
0x5e: {  	_ =	swait.ge [sflag:s22], $0x2000  }
0x5f: {  	[sflag:s22] =	ssyncset.done $0x0  }
0x60: {  	[sflag:s22] =	ssyncadd.s32 $0xFFFFE000  }
.Ltmp0:
0x61: {  	_ =	swait.ge [sflag:s23], $0x2000;
	(pc) =	sbr.rel @p0 .LBB2_2-.Ltmp0, $4  }
0x62: {  	[sflag:s23] =	ssyncset.done $0x0  }
0x63: {  	s24 =	sadd.s32 $0x5000, s1;
	[sflag:s23] =	ssyncadd.s32 $0xFFFFE000  }
0x64: {  	[tilespmem:s19], [sflag:$0x1] =	stream.indirect.gather [hbm4b:s4+s18], $0x40, s24, s18, $0xb8;
	[tilespmem:$0x1A000] =	vst v63  }
0x65: {  	s1 =	sadd.s32 $0x9F80, s1  }
0x66: {  	[spmem:s2] =	stream.indirect.scatter.add.f32 [tilespmem:s21], [sflag:$0x4], $0x40, s1, s18, $0xb8;
	[tilespmem:$0x1A000] =	vst v63  }
0x67: {  	_ =	swait.ge [sflag:s20], $0x2000  }
0x68: {  	[sflag:s20] =	ssyncset.done $0x0  }
0x69: {  	[sflag:s20] =	ssyncadd.s32 $0xFFFFE000  }
0x6a: {  	_ =	swait.ge [sflag:s26], $0x2000  }
0x6b: {  	[sflag:s26] =	ssyncset.done $0x0  }
0x6c: {  	[sflag:s26] =	ssyncadd.s32 $0xFFFFE000  }
0x6d: {  	[tilespmem:s21], [sflag:$0x2] =	stream.indirect.gather [hbm4b:s4+s18], $0x40, s28, s18, $0xb8;
	[tilespmem:$0x1A000] =	vst v63  }
0x6e: {  	_ = 	snop  }
0x6f: {  	[spmem:s2] =	stream.indirect.scatter.add.f32 [tilespmem:s19], [sflag:$0x3], $0x40, s29, s18, $0xb8;
	[tilespmem:$0x1A000] =	vst v63  }
0x70: {  	_ =	swait.ge [sflag:s22], $0x2000  }
0x71: {  	[sflag:s22] =	ssyncset.done $0x0  }
0x72: {  	[sflag:s22] =	ssyncadd.s32 $0xFFFFE000  }
0x73: {  	_ =	swait.ge [sflag:s23], $0x2000  }
0x74: {  	[sflag:s23] =	ssyncset.done $0x0  }
0x75: {  	[sflag:s23] =	ssyncadd.s32 $0xFFFFE000  }
0x76: {  	[tilespmem:s19], [sflag:$0x1] =	stream.indirect.gather [hbm4b:s4+s18], $0x40, s28, s18, $0xb8;
	[tilespmem:$0x1A000] =	vst v63  }
0x77: {  	_ = 	snop  }
0x78: {  	[spmem:s2] =	stream.indirect.scatter.add.f32 [tilespmem:s21], [sflag:$0x4], $0x40, s30, s18, $0xb8;
	[tilespmem:$0x1A000] =	vst v63  }
0x79: {  	_ =	swait.ge [sflag:s20], $0x2000  }
0x7a: {  	[sflag:s20] =	ssyncset.done $0x0  }
0x7b: {  	[sflag:s20] =	ssyncadd.s32 $0xFFFFE000  }
0x7c: {  	s0 =	stileid.u32;
	_ =	swait.ge [sflag:s26], $0x2000  }
0x7d: {  	s24 =	sshrl.u32 s6, $0x3;
	s31 =	sadd.s32 $0x1, s31;
	[sflag:s26] =	ssyncset.done $0x0  }
0x7e: {  	s0 =	sshll.u32 s0, $0x6;
	p0 =	sne.s32 s31, s14;
	[sflag:s26] =	ssyncadd.s32 $0xFFFFE000  }
.Ltmp1:
0x7f: {  	s0 =	sor.u32 $0x1C05, s0;
	[bflag:$0x0] =	sbarrier.arrive $0xFFFF;
	(pc) =	sbr.rel @p0 .LBB2_1-.Ltmp1, $4  }
0x80: {  	[hbm:s13], [sflag:s0] =	dma.local [spmem:s24], $0x1400  }
0x81: {  	_ =	swait.ge [sflag:s16], $0x1400  }
0x82: {  	[sflag:s16] =	ssyncset.done $0x0  }
0x83: {  	[sflag:s16] =	ssyncadd.s32 $0xFFFFEC00  }
0x84: {  	_ =	sfence.sel $0x180000  }
0x85: {  	[bflag:$0x0] =	sbarrier.arrive $0xFFFF  }
0x86: {  	_ =	strace $0x9000004A  }
0x87: {  	s0 =	stileid.u32;
	[bflag:$0x2] =	sbarrier.arrive $0xFFFF  }
0x88: {  	p0 =	sne.s32 s0, $0x0;
	s0 =	rddreg [dreg:$0x2]  }
0x89: {  	s0 =	sadd.s32 @!p0 $0x100000, s0  }
0x8a: {  	[sflag:s0] =	ssyncadd.tile.s32 @!p0 $0x1;
	_ =	shalt  }
.Lfunc_end2:
_tile_overlayer_lowered:
.L_overlay_start_2:
0x8b: {  	(tag) =	ssettag $0x2  }
0x8c: {  	s0 =	rddreg [dreg:$0x0];
	s2 =	stileid.u32  }
0x8d: {  	s1 =	rddreg [dreg:$0x1];
	p0 =	sne.s32 s2, $0x0  }
0x8e: {  	s3 =	rddreg [dreg:$0x2];
	[bflag:$0x3] =	sbarrier.arrive $0xFFFF;
	s2 =	simm.s32 @!p0 $0x1C05  }
0x8f: {  	[timem:s3], [sflag:s2] =	dma.local @!p0 [hbm:s0], s1  }
0x90: {  	s0 =	simm.s32 @!p0 $0x5  }
0x91: {  	_ =	swait.ge @!p0 [sflag:s0], s1  }
0x92: {  	s1 =	ssub.s32 @!p0 $0x0, s1;
	[sflag:s0] =	ssyncset.done @!p0 $0x0  }
0x93: {  	[sflag:s0] =	ssyncadd.s32 @!p0 s1  }
0x94: {  	[bflag:$0x3] =	sbarrier.arrive $0xFFFF  }
0x95: {  	_ =	shalt  }

// kernel: kernel.16.cloned.1.call-start
scs
__scs_entry_jumppad:
0x0: {  	(pc) =	sbr.rel $0x88, $3  }
0x1: {  	(tag) =	ssettag $0x0;
	lr =	simm.s32 $0x1  }
0x2: {  	[smem:$0x3F96] =	sst lr;
	_ =	strace $0xD0000000  }
0x3: {  	_ = 	snop  }
0x4: {  	_ = 	snop  }
0x5: {  	_ = 	snop  }
0x6: {  	_ = 	snop  }
0x7: {  	_ = 	snop  }
__scs_overlays_trampoline_lowered:
0x8: {  	[smem:$0x3FA5] =	sst s0  }
0x9: {  	[smem:$0x3FA6] =	sst s1  }
0xa: {  	[smem:$0x3FA7] =	sst s2  }
0xb: {  	[smem:$0x3FA8] =	sst s3  }
0xc: {  	[smem:$0x3FA9] =	sst s4  }
0xd: {  	[smem:$0x3FAA] =	sst s5  }
0xe: {  	[smem:$0x3FAB] =	sst s6  }
0xf: {  	[smem:$0x3FAC] =	sst s7  }
0x10: {  	[smem:$0x3FAD] =	sst s8  }
0x11: {  	[smem:$0x3FAE] =	sst s9;
	s0 =	simm.s32 @!p0 $0x0  }
0x12: {  	s1 =	sld [smem:$0x3F94];
	s0 =	simm.s32 @p0 $0x1  }
0x13: {  	[smem:$0x3FAF] =	sst s0;
	s0 =	simm.s32 @!p1 $0x0  }
0x14: {  	s2 =	sld [smem:$0x3F93];
	s0 =	simm.s32 @p1 $0x1  }
0x15: {  	[smem:$0x3FB0] =	sst s0;
	s0 =	simm.s32 @!p2 $0x0  }
0x16: {  	s3 =	sld [smem:$0x3FDB];
	s0 =	simm.s32 @p2 $0x1  }
0x17: {  	s4 =	simm.s32 $0x1BF5;
	[smem:$0x3FB2] =	sst s0  }
0x18: {  	s0 =	sld [smem:$0x3F95];
	_ =	swait.ge [sflag:s4], $0x0  }
0x19: {  	s7 =	sld [smem:$0x3F96]  }
0x1a: {  	s8 =	sadd.s32 $0xFFFFE003, lr  }
0x1b: {  	s9 =	sadd.s32 $0xFFFFFEF7, lr;
	s5 =	simm.s32 $0xFFFFFFFF;
	p2 =	slt.u32 s8, $0xFFFFF086  }
0x1c: {  	p1 =	slt.u32 s9, $0xF7A;
	s5 =	simm.s32 @!p2 $0x0  }
0x1d: {  	s5 =	simm.s32 @p1 $0x1;
	p0 =	seq.s32 s7, s2  }
0x1e: {  	s7 =	smul.u32 @!p0 $0xF7A, s2;
	p2 =	seq.s32 @!p0 s5, $0x0  }
0x1f: {  	s9 =	smul.u32 $0xF7A, s1;
	s8 =	simm.s32 @!p0 $0x1BF5;
	p2 =	por !p2, p0  }
0x20: {  	[sflag:s8] =	ssyncset.s32 @!p0 $0xFFFFF086;
	s6 =	sadd.s32 @!p0 s3, s7;
	s7 =	simm.s32 @!p0 $0x108  }
0x21: {  	s3 =	sadd.s32 s3, s9;
	s6 =	sadd.s32 @!p0 $0x88, s6;
	s7 =	simm.s32 @p2 $0x1082  }
0x22: {  	[simem:s7], [sflag:s8] =	dma.local @!p0 [hbm:s6], $0xF7A  }
0x23: {  	s9 =	sor.u32 $0xD0000000, s2;
	s6 =	simm.s32 $0x108;
	_ =	swait.ge @!p0 [sflag:s8], $0x0  }
0x24: {  	s3 =	sadd.s32 $0x88, s3;
	s6 =	simm.s32 @!p1 $0x1082;
	[sflag:s4] =	ssyncset.s32 $0xFFFFF086  }
0x25: {  	[simem:s6], [sflag:s4] =	dma.local [hbm:s3], $0xF7A  }
0x26: {  	[smem:$0x3F96] =	sst s1;
	(tag) =	ssettag s2;
	_ =	strace s9  }
0x27: {  	s1 =	sld [smem:$0x3FA6]  }
0x28: {  	s2 =	sld [smem:$0x3FA7]  }
0x29: {  	s4 =	sld [smem:$0x3FA9]  }
0x2a: {  	p0 =	seq.s32 s5, $0x0;
	s5 =	sld [smem:$0x3FAA]  }
0x2b: {  	s6 =	sld [smem:$0x3FAB]  }
0x2c: {  	s7 =	sld [smem:$0x3FAC]  }
0x2d: {  	s3 =	simm.s32 $0x108;
	s8 =	sld [smem:$0x3FAD]  }
0x2e: {  	s3 =	simm.s32 @!p0 $0x1082;
	s9 =	sld [smem:$0x3FAE]  }
0x2f: {  	lr =	sadd.s32 s0, s3;
	s0 =	sld [smem:$0x3FA5]  }
0x30: {  	s3 =	sld [smem:$0x3FA8]  }
0x31: {  	[smem:$0x3FB1] =	sst s10  }
0x32: {  	s10 =	sld [smem:$0x3FAF];
	_ =	sdelay $0x3  }
0x33: {  	p0 =	seq.s32 s10, $0x1;
	s10 =	sld [smem:$0x3FB1];
	_ =	sdelay $0x3  }
0x34: {  	[smem:$0x3FB1] =	sst s10  }
0x35: {  	s10 =	sld [smem:$0x3FB0];
	_ =	sdelay $0x3  }
0x36: {  	p1 =	seq.s32 s10, $0x1;
	s10 =	sld [smem:$0x3FB1];
	_ =	sdelay $0x3  }
0x37: {  	[smem:$0x3FB1] =	sst s10  }
0x38: {  	s10 =	sld [smem:$0x3FB2]  }
0x39: {  	_ = 	snop;
	(pc) =	sbr.ind lr, $3  }
0x3a: {  	_ = 	snop  }
0x3b: {  	_ = 	snop  }
0x3c: {  	p2 =	seq.s32 s10, $0x1;
	s10 =	sld [smem:$0x3FB1]  }
0x3d: {  	_ =	shalt  }
0x3e: {  	_ =	shalt  }
0x3f: {  	_ =	shalt  }
0x40: {  	_ =	shalt  }
0x41: {  	_ =	shalt  }
0x42: {  	_ =	shalt  }
0x43: {  	_ =	shalt  }
0x44: {  	_ =	shalt  }
0x45: {  	_ =	shalt  }
0x46: {  	_ =	shalt  }
0x47: {  	_ =	shalt  }
0x48: {  	_ =	shalt  }
0x49: {  	_ =	shalt  }
0x4a: {  	_ =	shalt  }
0x4b: {  	_ =	shalt  }
0x4c: {  	_ =	shalt  }
0x4d: {  	_ =	shalt  }
0x4e: {  	_ =	shalt  }
0x4f: {  	_ =	shalt  }
0x50: {  	_ =	shalt  }
0x51: {  	_ =	shalt  }
0x52: {  	_ =	shalt  }
0x53: {  	_ =	shalt  }
0x54: {  	_ =	shalt  }
0x55: {  	_ =	shalt  }
0x56: {  	_ =	shalt  }
0x57: {  	_ =	shalt  }
0x58: {  	_ =	shalt  }
0x59: {  	_ =	shalt  }
0x5a: {  	_ =	shalt  }
0x5b: {  	_ =	shalt  }
0x5c: {  	_ =	shalt  }
0x5d: {  	_ =	shalt  }
0x5e: {  	_ =	shalt  }
0x5f: {  	_ =	shalt  }
0x60: {  	_ =	shalt  }
0x61: {  	_ =	shalt  }
0x62: {  	_ =	shalt  }
0x63: {  	_ =	shalt  }
0x64: {  	_ =	shalt  }
0x65: {  	_ =	shalt  }
0x66: {  	_ =	shalt  }
0x67: {  	_ =	shalt  }
0x68: {  	_ =	shalt  }
0x69: {  	_ =	shalt  }
0x6a: {  	_ =	shalt  }
0x6b: {  	_ =	shalt  }
0x6c: {  	_ =	shalt  }
0x6d: {  	_ =	shalt  }
0x6e: {  	_ =	shalt  }
0x6f: {  	_ =	shalt  }
0x70: {  	_ =	shalt  }
0x71: {  	_ =	shalt  }
0x72: {  	_ =	shalt  }
0x73: {  	_ =	shalt  }
0x74: {  	_ =	shalt  }
0x75: {  	_ =	shalt  }
0x76: {  	_ =	shalt  }
0x77: {  	_ =	shalt  }
0x78: {  	_ =	shalt  }
0x79: {  	_ =	shalt  }
0x7a: {  	_ =	shalt  }
0x7b: {  	_ =	shalt  }
0x7c: {  	_ =	shalt  }
0x7d: {  	_ =	shalt  }
0x7e: {  	_ =	shalt  }
0x7f: {  	_ =	shalt  }
0x80: {  	_ =	shalt  }
0x81: {  	_ =	shalt  }
0x82: {  	_ =	shalt  }
0x83: {  	_ =	shalt  }
0x84: {  	_ =	shalt  }
0x85: {  	_ =	shalt  }
0x86: {  	_ =	shalt  }
0x87: {  	_ =	shalt  }
.Lfunc_end0:
.L_simem_size_0:
called_computation.2_lowered:
.L_overlay_start_0:
0x88: {  	s2 =	sld [smem:$0x3FD9]  }
0x89: {  	s3 =	sld [smem:$0x3FFE];
	_ =	sdelay $0x1  }
0x8a: {  	s1 =	srdreg.scid  }
0x8b: {  	s0 =	sand.u32 $0x1, s1  }
0x8c: {  	s16 =	sshll.u32 s0, $0xA;
	s2 =	sadd.s32 s3, s2  }
0x8d: {  	s2 =	sadd.s32 s2, s16  }
0x8e: {  	[smem:$0x3FBD] =	sst s2  }
0x8f: {  	_ = 	snop  }
0x90: {  	(tm) =	ssettm $0x1  }
0x91: {  	s17 =	sld [smem:$0x3FFB];
	_ =	sdelay $0x3  }
0x92: {  	_ =	strace s17  }
0x93: {  	s2 =	sld [smem:$0x3FFC];
	_ =	sdelay $0x3  }
0x94: {  	_ =	strace s2  }
0x95: {  	s2 =	sld [smem:$0x3FFD];
	_ =	sdelay $0x3  }
0x96: {  	_ =	strace s2  }
0x97: {  	_ =	strace $0x8FFFFFFF  }
0x98: {  	s18 =	sld [smem:$0x3FDB];
	_ =	sdelay $0x1  }
0x99: {  	s19 =	simm.s32 $_scs_section_size  }
0x9a: {  	s4 =	simm.s32 $_size__tile_overlayer_lowered;
	s5 =	simm.s32 $_tile_overlayer_lowered  }
0x9b: {  	s22 =	simm.s32 $0x1BFF;
	s21 =	sshll.u32 s5, $0x1;
	s2 =	sadd.s32 s19, s18  }
0x9c: {  	s6 =	simm.s32 $0x0;
	s20 =	sshll.u32 s4, $0x1;
	s4 =	sadd.s32 s21, s2  }
0x9d: {  	[timem:s6], [sflag:s22] =	dma.local [hbm:s4], s20  }
0x9e: {  	_ =	swait.ge [sflag:s22], s20  }
0x9f: {  	s3 =	ssub.s32 $0x0, s20;
	[sflag:s22] =	ssyncset.done $0x0  }
0xa0: {  	[sflag:s22] =	ssyncadd.s32 s3;
	_ =	sdelay $0x1  }
0xa1: {  	s23 =	simm.s32 $0x1B8B  }
0xa2: {  	_ =	swait.ge [sflag:s23], $0x1  }
0xa3: {  	[sflag:s23] =	ssyncset.done $0x0  }
0xa4: {  	s25 =	simm.s32 $0x1B8E;
	s24 =	sld [smem:$0x3FFE];
	[sflag:s23] =	ssyncadd.s32 $0xFFFFFFFF  }
0xa5: {  	s26 =	simm.s32 $execute0_lowered;
	[smem:$0x3FD2] =	sst s25  }
0xa6: {  	s4 =	sshll.u32 s26, $0x1;
	_ =	strace $0x8000004C;
	[dreg:$0x1] =	wrdreg $0xFFFFFFFF  }
0xa7: {  	s28 =	simm.s32 $_size_execute0_lowered;
	s2 =	sadd.s32 s2, s4;
	[dreg:$0x0] =	wrdreg $0x0  }
0xa8: {  	s4 =	sshll.u32 s28, $0x1;
	[dreg:$0x2] =	wrdreg s2  }
0xa9: {  	[dreg:$0x3] =	wrdreg s4  }
0xaa: {  	[dreg:$0x4] =	wrdreg $0xC0  }
0xab: {  	_ =	task [dreg:s6], $0x5FFFF  }
0xac: {  	[dreg:$0x1] =	wrdreg $0xFFFFFFFF  }
0xad: {  	[dreg:$0x0] =	wrdreg $0x60  }
0xae: {  	[dreg:$0x2] =	wrdreg s24  }
0xaf: {  	[dreg:$0x3] =	wrdreg $0xB0000  }
0xb0: {  	[dreg:$0x4] =	wrdreg $0x9  }
0xb1: {  	_ =	task.clear_ibuf [dreg:s6], $0x5FFFF;
	_ =	strace $0x9000004C  }
0xb2: {  	s29 =	simm.s32 $0x9;
	_ =	strace $0x8000004E  }
0xb3: {  	_ =	swait.ge [sflag:s29], $0x1  }
0xb4: {  	[sflag:s29] =	ssyncadd.s32 $0xFFFFFFFF  }
0xb5: {  	_ =	strace $0x9000004E  }
0xb6: {  	_ =	sfence  }
0xb7: {  	s30 =	sld [smem:$0x0];
	_ =	sdelay $0x2  }
0xb8: {  	s31 =	sshll.u32 s1, $0xD;
	s1 =	sshrl.u32 s1, $0x2  }
0xb9: {  	s3 =	sand.u32 $0x4000, s31;
	s1 =	sadd.s32 s1, s30  }
0xba: {  	s0 =	sor.u32 s3, s0;
	s1 =	sshll.u32 s1, $0x11  }
0xbb: {  	s0 =	sor.u32 s1, s0  }
0xbc: {  	s0 =	sadd.s32 $0x8F2B, s0  }
0xbd: {  	[sflag:s0] =	ssyncadd.remote.s32 $0x1  }
0xbe: {  	_ =	sfence.sel $0xFFFF  }
0xbf: {  	[dreg:$0x0] =	wrdreg $0xFFFFFFFF;
	(pc) =	sbr.abs _section_cstart, $3  }
0xc0: {  	[dreg:$0x1] =	wrdreg $0xFFFFFFFF  }
0xc1: {  	_ =	task.clear_ibuf [dreg:s6], $0x2FFFF;
	_ =	strace $0x9FFFFFFF  }
0xc2: {  	(tm) =	ssettm $0x7FFFFFFF  }
0xc3: {  	_ =	shalt  }
tec
execute0_lowered:
.L_overlay_start_1:
0x0: {  	(tag) =	ssettag $0x1  }
0x1: {  	s0 =	srdreg.scid;
	s6 =	rddreg [dreg:$0x0]  }
0x2: {  	s5 =	stileid.u32;
	s2 =	rddreg [dreg:$0x1];
	s3 =	simm.s32 $0x0  }
0x3: {  	s15 =	simm.s32 $0x5000;
	s16 =	simm.s32 $0x5;
	s17 =	simm.s32 $0x2800  }
0x4: {  	s18 =	simm.s32 $0x80;
	s19 =	simm.s32 $0x7000;
	s20 =	simm.s32 $0x1  }
0x5: {  	s21 =	simm.s32 $0x9000;
	s22 =	simm.s32 $0x2;
	s23 =	simm.s32 $0x3  }
0x6: {  	s25 =	simm.s32 $0x2880;
	s28 =	simm.s32 $0x2780;
	s29 =	simm.s32 $0x4F00  }
0x7: {  	s30 =	simm.s32 $0x4F80;
	s31 =	simm.s32 $0x0;
	s7 =	smul.u32 $0x1400, s5  }
0x8: {  	s0 =	sand.u32 $0x1, s0;
	[smem:$0x7FF] =	sst s3;
	s9 =	smul.u32 $0x28000, s5  }
0x9: {  	s4 =	sadd.s32 $0x20C00, s6;
	s1 =	sshll.u32 s0, $0x4;
	s8 =	smul.u32 $0x14000, s0  }
0xa: {  	_ =	strace $0x8000004D;
	s0 =	ssub.s32 $0x2, s0;
	s1 =	sor.u32 s5, s1  }
0xb: {  	s5 =	sadd.s32 $0xC800, s6;
	s26 =	sshrl.u32 s0, $0x1;
	s9 =	sshrl.u32 s9, $0x2  }
0xc: {  	s1 =	smul.u32 $0x500, s1;
	s7 =	sadd.s32 s7, s8;
	s0 =	ssub.s32 s0, s26  }
0xd: {  	s26 =	simm.s32 $0x4;
	s13 =	sadd.s32 s7, s6;
	s14 =	smax.u32 s0, $0x1  }
0xe: {  	s1 =	sadd.s32 s1, s6;
	s6 =	sadd.s32 s9, s2;
	s13 =	sadd.s32 $0x34600, s13  }
0xf: {  	s7 =	sadd.s32 $0x2000, s6;
	s8 =	sadd.s32 $0x4000, s6;
	s9 =	sadd.s32 $0x6000, s6  }
0x10: {  	s10 =	sadd.s32 $0x8000, s6;
	s11 =	sadd.s32 $0x16C00, s1;
	s12 =	sadd.s32 $0x2800, s1  }
.LBB2_1:
0x11: {  	[tilespmem:s15], [sflag:$0x5] =	stream.linear.gather [hbm4b:s5+s3], $0x2000, $0x38;
	[tilespmem:$0x15000] =	vst v63  }
0x12: {  	_ =	swait.ge [sflag:s16], $0x2000  }
0x13: {  	[sflag:s16] =	ssyncset.done $0x0  }
0x14: {  	[sflag:s16] =	ssyncadd.s32 $0xFFFFE000  }
0x15: {  	[spmem:s6] =	stream.linear.scatter [tilespmem:s15], [sflag:$0x5], $0x2000, $0x38;
	[tilespmem:$0x15000] =	vst v63  }
0x16: {  	_ =	swait.ge [sflag:s16], $0x2000  }
0x17: {  	[sflag:s16] =	ssyncset.done $0x0  }
0x18: {  	[sflag:s16] =	ssyncadd.s32 $0xFFFFE000  }
0x19: {  	[spmem:s7] =	stream.linear.scatter [tilespmem:s15], [sflag:$0x5], $0x2000, $0x38;
	[tilespmem:$0x15000] =	vst v63  }
0x1a: {  	_ =	swait.ge [sflag:s16], $0x2000  }
0x1b: {  	[sflag:s16] =	ssyncset.done $0x0  }
0x1c: {  	[sflag:s16] =	ssyncadd.s32 $0xFFFFE000  }
0x1d: {  	[spmem:s8] =	stream.linear.scatter [tilespmem:s15], [sflag:$0x5], $0x2000, $0x38;
	[tilespmem:$0x15000] =	vst v63  }
0x1e: {  	_ =	swait.ge [sflag:s16], $0x2000  }
0x1f: {  	[sflag:s16] =	ssyncset.done $0x0  }
0x20: {  	[sflag:s16] =	ssyncadd.s32 $0xFFFFE000  }
0x21: {  	[spmem:s9] =	stream.linear.scatter [tilespmem:s15], [sflag:$0x5], $0x2000, $0x38;
	[tilespmem:$0x15000] =	vst v63  }
0x22: {  	_ =	swait.ge [sflag:s16], $0x2000  }
0x23: {  	[sflag:s16] =	ssyncset.done $0x0  }
0x24: {  	[sflag:s16] =	ssyncadd.s32 $0xFFFFE000  }
0x25: {  	[spmem:s10] =	stream.linear.scatter [tilespmem:s15], [sflag:$0x5], $0x2000, $0x38;
	[tilespmem:$0x15000] =	vst v63  }
0x26: {  	_ =	swait.ge [sflag:s16], $0x2000  }
0x27: {  	[sflag:s16] =	ssyncset.done $0x0  }
0x28: {  	[sflag:s16] =	ssyncadd.s32 $0xFFFFE000  }
0x29: {  	[tilespmem:s3], [sflag:$0x5] =	stream.linear.gather [hbm4b:s11+s3], $0x2800, $0x38;
	[tilespmem:$0x15000] =	vst v63  }
0x2a: {  	_ =	swait.ge [sflag:s16], $0x2800  }
0x2b: {  	[sflag:s16] =	ssyncset.done $0x0  }
0x2c: {  	[sflag:s16] =	ssyncadd.s32 $0xFFFFD800  }
0x2d: {  	[tilespmem:s17], [sflag:$0x5] =	stream.linear.gather [hbm4b:s12+s3], $0x2800, $0x38;
	[tilespmem:$0x15000] =	vst v63  }
0x2e: {  	_ =	swait.ge [sflag:s16], $0x2800  }
0x2f: {  	[sflag:s16] =	ssyncset.done $0x0  }
0x30: {  	[sflag:s16] =	ssyncadd.s32 $0xFFFFD800  }
0x31: {  	[bflag:$0x0] =	sbarrier.arrive $0xFFFF  }
0x32: {  	[tilespmem:s19], [sflag:$0x1] =	stream.indirect.gather [hbm4b:s4+s18], $0x40, s3, s18, $0xb8;
	[tilespmem:$0x15000] =	vst v63  }
0x33: {  	_ =	swait.ge [sflag:s20], $0x2000  }
0x34: {  	[sflag:s20] =	ssyncset.done $0x0  }
0x35: {  	[sflag:s20] =	ssyncadd.s32 $0xFFFFE000  }
0x36: {  	[tilespmem:s21], [sflag:$0x2] =	stream.indirect.gather [hbm4b:s4+s18], $0x40, s18, s18, $0xb8;
	[tilespmem:$0x15000] =	vst v63  }
0x37: {  	_ = 	snop  }
0x38: {  	[spmem:s2] =	stream.indirect.scatter.add.f32 [tilespmem:s19], [sflag:$0x3], $0x40, s17, s18, $0xb8;
	[tilespmem:$0x15000] =	vst v63  }
0x39: {  	_ =	swait.ge [sflag:s22], $0x2000  }
0x3a: {  	[sflag:s22] =	ssyncset.done $0x0  }
0x3b: {  	[sflag:s22] =	ssyncadd.s32 $0xFFFFE000  }
0x3c: {  	_ =	swait.ge [sflag:s23], $0x2000  }
0x3d: {  	[sflag:s23] =	ssyncset.done $0x0  }
0x3e: {  	s0 =	simm.s32 $0x100;
	[sflag:s23] =	ssyncadd.s32 $0xFFFFE000  }
0x3f: {  	[tilespmem:s19], [sflag:$0x1] =	stream.indirect.gather [hbm4b:s4+s18], $0x40, s0, s18, $0xb8;
	[tilespmem:$0x15000] =	vst v63  }
0x40: {  	_ = 	snop  }
0x41: {  	[spmem:s2] =	stream.indirect.scatter.add.f32 [tilespmem:s21], [sflag:$0x4], $0x40, s25, s18, $0xb8;
	[tilespmem:$0x15000] =	vst v63  }
0x42: {  	_ =	swait.ge [sflag:s20], $0x2000  }
0x43: {  	[sflag:s20] =	ssyncset.done $0x0  }
0x44: {  	[sflag:s20] =	ssyncadd.s32 $0xFFFFE000  }
0x45: {  	_ =	swait.ge [sflag:s26], $0x2000  }
0x46: {  	[sflag:s26] =	ssyncset.done $0x0  }
0x47: {  	s24 =	simm.s32 $0x180;
	[sflag:s26] =	ssyncadd.s32 $0xFFFFE000  }
0x48: {  	[tilespmem:s21], [sflag:$0x2] =	stream.indirect.gather [hbm4b:s4+s18], $0x40, s24, s18, $0xb8;
	[tilespmem:$0x15000] =	vst v63  }
0x49: {  	s1 =	simm.s32 $0x2900  }
0x4a: {  	[spmem:s2] =	stream.indirect.scatter.add.f32 [tilespmem:s19], [sflag:$0x3], $0x40, s1, s18, $0xb8;
	[tilespmem:$0x15000] =	vst v63  }
0x4b: {  	_ =	swait.ge [sflag:s22], $0x2000  }
0x4c: {  	[sflag:s22] =	ssyncset.done $0x0  }
0x4d: {  	[sflag:s22] =	ssyncadd.s32 $0xFFFFE000  }
0x4e: {  	_ =	swait.ge [sflag:s23], $0x2000  }
0x4f: {  	s0 =	simm.s32 $0x2980;
	[sflag:s23] =	ssyncset.done $0x0  }
0x50: {  	s24 =	simm.s32 $0x200;
	s1 =	simm.s32 $0xFFFF6C00;
	[sflag:s23] =	ssyncadd.s32 $0xFFFFE000  }
0x51: {  	[tilespmem:s19], [sflag:$0x1] =	stream.indirect.gather [hbm4b:s4+s18], $0x40, s24, s18, $0xb8;
	[tilespmem:$0x15000] =	vst v63  }
.LBB2_2:
0x52: {  	[spmem:s2] =	stream.indirect.scatter.add.f32 [tilespmem:s21], [sflag:$0x4], $0x40, s0, s18, $0xb8;
	[tilespmem:$0x15000] =	vst v63  }
0x53: {  	s0 =	smov.u32 s1  }
0x54: {  	p0 =	sne.s32 s1, $0xFFFFFC00;
	s1 =	sadd.s32 $0x400, s1;
	_ =	swait.ge [sflag:s20], $0x2000  }
0x55: {  	[sflag:s20] =	ssyncset.done $0x0  }
0x56: {  	[sflag:s20] =	ssyncadd.s32 $0xFFFFE000  }
0x57: {  	_ =	swait.ge [sflag:s26], $0x2000  }
0x58: {  	s0 =	sshra.s32 s0, $0x2;
	[sflag:s26] =	ssyncset.done $0x0  }
0x59: {  	s24 =	sadd.s32 $0x2780, s0;
	[sflag:s26] =	ssyncadd.s32 $0xFFFFE000  }
0x5a: {  	[tilespmem:s21], [sflag:$0x2] =	stream.indirect.gather [hbm4b:s4+s18], $0x40, s24, s18, $0xb8;
	[tilespmem:$0x15000] =	vst v63  }
0x5b: {  	s24 =	sadd.s32 $0x4F00, s0  }
0x5c: {  	[spmem:s2] =	stream.indirect.scatter.add.f32 [tilespmem:s19], [sflag:$0x3], $0x40, s24, s18, $0xb8;
	[tilespmem:$0x15000] =	vst v63  }
0x5d: {  	_ =	swait.ge [sflag:s22], $0x2000  }
0x5e: {  	[sflag:s22] =	ssyncset.done $0x0  }
0x5f: {  	[sflag:s22] =	ssyncadd.s32 $0xFFFFE000  }
.Ltmp0:
0x60: {  	_ =	swait.ge [sflag:s23], $0x2000;
	(pc) =	sbr.rel @p0 .LBB2_2-.Ltmp0, $4  }
0x61: {  	[sflag:s23] =	ssyncset.done $0x0  }
0x62: {  	s24 =	sadd.s32 $0x2800, s0;
	[sflag:s23] =	ssyncadd.s32 $0xFFFFE000  }
0x63: {  	[tilespmem:s19], [sflag:$0x1] =	stream.indirect.gather [hbm4b:s4+s18], $0x40, s24, s18, $0xb8;
	[tilespmem:$0x15000] =	vst v63  }
0x64: {  	s0 =	sadd.s32 $0x4F80, s0  }
0x65: {  	[spmem:s2] =	stream.indirect.scatter.add.f32 [tilespmem:s21], [sflag:$0x4], $0x40, s0, s18, $0xb8;
	[tilespmem:$0x15000] =	vst v63  }
0x66: {  	_ =	swait.ge [sflag:s20], $0x2000  }
0x67: {  	[sflag:s20] =	ssyncset.done $0x0  }
0x68: {  	[sflag:s20] =	ssyncadd.s32 $0xFFFFE000  }
0x69: {  	_ =	swait.ge [sflag:s26], $0x2000  }
0x6a: {  	[sflag:s26] =	ssyncset.done $0x0  }
0x6b: {  	[sflag:s26] =	ssyncadd.s32 $0xFFFFE000  }
0x6c: {  	[tilespmem:s21], [sflag:$0x2] =	stream.indirect.gather [hbm4b:s4+s18], $0x40, s28, s18, $0xb8;
	[tilespmem:$0x15000] =	vst v63  }
0x6d: {  	_ = 	snop  }
0x6e: {  	[spmem:s2] =	stream.indirect.scatter.add.f32 [tilespmem:s19], [sflag:$0x3], $0x40, s29, s18, $0xb8;
	[tilespmem:$0x15000] =	vst v63  }
0x6f: {  	_ =	swait.ge [sflag:s22], $0x2000  }
0x70: {  	[sflag:s22] =	ssyncset.done $0x0  }
0x71: {  	[sflag:s22] =	ssyncadd.s32 $0xFFFFE000  }
0x72: {  	_ =	swait.ge [sflag:s23], $0x2000  }
0x73: {  	[sflag:s23] =	ssyncset.done $0x0  }
0x74: {  	[sflag:s23] =	ssyncadd.s32 $0xFFFFE000  }
0x75: {  	[tilespmem:s19], [sflag:$0x1] =	stream.indirect.gather [hbm4b:s4+s18], $0x40, s28, s18, $0xb8;
	[tilespmem:$0x15000] =	vst v63  }
0x76: {  	_ = 	snop  }
0x77: {  	[spmem:s2] =	stream.indirect.scatter.add.f32 [tilespmem:s21], [sflag:$0x4], $0x40, s30, s18, $0xb8;
	[tilespmem:$0x15000] =	vst v63  }
0x78: {  	_ =	swait.ge [sflag:s20], $0x2000  }
0x79: {  	[sflag:s20] =	ssyncset.done $0x0  }
0x7a: {  	[sflag:s20] =	ssyncadd.s32 $0xFFFFE000  }
0x7b: {  	s24 =	stileid.u32;
	_ =	swait.ge [sflag:s26], $0x2000  }
0x7c: {  	s1 =	sshrl.u32 s6, $0x3;
	s31 =	sadd.s32 $0x1, s31;
	[sflag:s26] =	ssyncset.done $0x0  }
0x7d: {  	s0 =	sshll.u32 s24, $0x6;
	p0 =	sne.s32 s31, s14;
	[sflag:s26] =	ssyncadd.s32 $0xFFFFE000  }
.Ltmp1:
0x7e: {  	s0 =	sor.u32 $0x1C05, s0;
	[bflag:$0x0] =	sbarrier.arrive $0xFFFF;
	(pc) =	sbr.rel @p0 .LBB2_1-.Ltmp1, $4  }
0x7f: {  	[hbm:s13], [sflag:s0] =	dma.local [spmem:s1], $0x1400  }
0x80: {  	_ =	swait.ge [sflag:s16], $0x1400  }
0x81: {  	[sflag:s16] =	ssyncset.done $0x0  }
0x82: {  	[sflag:s16] =	ssyncadd.s32 $0xFFFFEC00  }
0x83: {  	_ =	sfence.sel $0x180000  }
0x84: {  	[bflag:$0x0] =	sbarrier.arrive $0xFFFF  }
0x85: {  	_ =	strace $0x9000004D  }
0x86: {  	s0 =	stileid.u32;
	[bflag:$0x2] =	sbarrier.arrive $0xFFFF  }
0x87: {  	p0 =	sne.s32 s0, $0x0;
	s0 =	rddreg [dreg:$0x2]  }
0x88: {  	s0 =	sadd.s32 @!p0 $0x100000, s0  }
0x89: {  	[sflag:s0] =	ssyncadd.tile.s32 @!p0 $0x1;
	_ =	shalt  }
.Lfunc_end2:
_tile_overlayer_lowered:
.L_overlay_start_2:
0x8a: {  	(tag) =	ssettag $0x2  }
0x8b: {  	s0 =	rddreg [dreg:$0x0];
	s2 =	stileid.u32  }
0x8c: {  	s1 =	rddreg [dreg:$0x1];
	p0 =	sne.s32 s2, $0x0  }
0x8d: {  	s3 =	rddreg [dreg:$0x2];
	[bflag:$0x3] =	sbarrier.arrive $0xFFFF;
	s2 =	simm.s32 @!p0 $0x1C05  }
0x8e: {  	[timem:s3], [sflag:s2] =	dma.local @!p0 [hbm:s0], s1  }
0x8f: {  	s0 =	simm.s32 @!p0 $0x5  }
0x90: {  	_ =	swait.ge @!p0 [sflag:s0], s1  }
0x91: {  	s1 =	ssub.s32 @!p0 $0x0, s1;
	[sflag:s0] =	ssyncset.done @!p0 $0x0  }
0x92: {  	[sflag:s0] =	ssyncadd.s32 @!p0 s1  }
0x93: {  	[bflag:$0x3] =	sbarrier.arrive $0xFFFF  }
0x94: {  	_ =	shalt  }

// kernel: kernel.19.cloned.1.call-start
scs
__scs_entry_jumppad:
0x0: {  	(pc) =	sbr.rel $0x88, $3  }
0x1: {  	(tag) =	ssettag $0x0;
	lr =	simm.s32 $0x1  }
0x2: {  	[smem:$0x3F96] =	sst lr;
	_ =	strace $0xD0000000  }
0x3: {  	_ = 	snop  }
0x4: {  	_ = 	snop  }
0x5: {  	_ = 	snop  }
0x6: {  	_ = 	snop  }
0x7: {  	_ = 	snop  }
__scs_overlays_trampoline_lowered:
0x8: {  	[smem:$0x3FA5] =	sst s0  }
0x9: {  	[smem:$0x3FA6] =	sst s1  }
0xa: {  	[smem:$0x3FA7] =	sst s2  }
0xb: {  	[smem:$0x3FA8] =	sst s3  }
0xc: {  	[smem:$0x3FA9] =	sst s4  }
0xd: {  	[smem:$0x3FAA] =	sst s5  }
0xe: {  	[smem:$0x3FAB] =	sst s6  }
0xf: {  	[smem:$0x3FAC] =	sst s7  }
0x10: {  	[smem:$0x3FAD] =	sst s8  }
0x11: {  	[smem:$0x3FAE] =	sst s9;
	s0 =	simm.s32 @!p0 $0x0  }
0x12: {  	s1 =	sld [smem:$0x3F94];
	s0 =	simm.s32 @p0 $0x1  }
0x13: {  	[smem:$0x3FAF] =	sst s0;
	s0 =	simm.s32 @!p1 $0x0  }
0x14: {  	s2 =	sld [smem:$0x3F93];
	s0 =	simm.s32 @p1 $0x1  }
0x15: {  	[smem:$0x3FB0] =	sst s0;
	s0 =	simm.s32 @!p2 $0x0  }
0x16: {  	s3 =	sld [smem:$0x3FDB];
	s0 =	simm.s32 @p2 $0x1  }
0x17: {  	s4 =	simm.s32 $0x1BF5;
	[smem:$0x3FB2] =	sst s0  }
0x18: {  	s0 =	sld [smem:$0x3F95];
	_ =	swait.ge [sflag:s4], $0x0  }
0x19: {  	s7 =	sld [smem:$0x3F96]  }
0x1a: {  	s8 =	sadd.s32 $0xFFFFE003, lr  }
0x1b: {  	s9 =	sadd.s32 $0xFFFFFEF7, lr;
	s5 =	simm.s32 $0xFFFFFFFF;
	p2 =	slt.u32 s8, $0xFFFFF086  }
0x1c: {  	p1 =	slt.u32 s9, $0xF7A;
	s5 =	simm.s32 @!p2 $0x0  }
0x1d: {  	s5 =	simm.s32 @p1 $0x1;
	p0 =	seq.s32 s7, s2  }
0x1e: {  	s7 =	smul.u32 @!p0 $0xF7A, s2;
	p2 =	seq.s32 @!p0 s5, $0x0  }
0x1f: {  	s9 =	smul.u32 $0xF7A, s1;
	s8 =	simm.s32 @!p0 $0x1BF5;
	p2 =	por !p2, p0  }
0x20: {  	[sflag:s8] =	ssyncset.s32 @!p0 $0xFFFFF086;
	s6 =	sadd.s32 @!p0 s3, s7;
	s7 =	simm.s32 @!p0 $0x108  }
0x21: {  	s3 =	sadd.s32 s3, s9;
	s6 =	sadd.s32 @!p0 $0x88, s6;
	s7 =	simm.s32 @p2 $0x1082  }
0x22: {  	[simem:s7], [sflag:s8] =	dma.local @!p0 [hbm:s6], $0xF7A  }
0x23: {  	s9 =	sor.u32 $0xD0000000, s2;
	s6 =	simm.s32 $0x108;
	_ =	swait.ge @!p0 [sflag:s8], $0x0  }
0x24: {  	s3 =	sadd.s32 $0x88, s3;
	s6 =	simm.s32 @!p1 $0x1082;
	[sflag:s4] =	ssyncset.s32 $0xFFFFF086  }
0x25: {  	[simem:s6], [sflag:s4] =	dma.local [hbm:s3], $0xF7A  }
0x26: {  	[smem:$0x3F96] =	sst s1;
	(tag) =	ssettag s2;
	_ =	strace s9  }
0x27: {  	s1 =	sld [smem:$0x3FA6]  }
0x28: {  	s2 =	sld [smem:$0x3FA7]  }
0x29: {  	s4 =	sld [smem:$0x3FA9]  }
0x2a: {  	p0 =	seq.s32 s5, $0x0;
	s5 =	sld [smem:$0x3FAA]  }
0x2b: {  	s6 =	sld [smem:$0x3FAB]  }
0x2c: {  	s7 =	sld [smem:$0x3FAC]  }
0x2d: {  	s3 =	simm.s32 $0x108;
	s8 =	sld [smem:$0x3FAD]  }
0x2e: {  	s3 =	simm.s32 @!p0 $0x1082;
	s9 =	sld [smem:$0x3FAE]  }
0x2f: {  	lr =	sadd.s32 s0, s3;
	s0 =	sld [smem:$0x3FA5]  }
0x30: {  	s3 =	sld [smem:$0x3FA8]  }
0x31: {  	[smem:$0x3FB1] =	sst s10  }
0x32: {  	s10 =	sld [smem:$0x3FAF];
	_ =	sdelay $0x3  }
0x33: {  	p0 =	seq.s32 s10, $0x1;
	s10 =	sld [smem:$0x3FB1];
	_ =	sdelay $0x3  }
0x34: {  	[smem:$0x3FB1] =	sst s10  }
0x35: {  	s10 =	sld [smem:$0x3FB0];
	_ =	sdelay $0x3  }
0x36: {  	p1 =	seq.s32 s10, $0x1;
	s10 =	sld [smem:$0x3FB1];
	_ =	sdelay $0x3  }
0x37: {  	[smem:$0x3FB1] =	sst s10  }
0x38: {  	s10 =	sld [smem:$0x3FB2]  }
0x39: {  	_ = 	snop;
	(pc) =	sbr.ind lr, $3  }
0x3a: {  	_ = 	snop  }
0x3b: {  	_ = 	snop  }
0x3c: {  	p2 =	seq.s32 s10, $0x1;
	s10 =	sld [smem:$0x3FB1]  }
0x3d: {  	_ =	shalt  }
0x3e: {  	_ =	shalt  }
0x3f: {  	_ =	shalt  }
0x40: {  	_ =	shalt  }
0x41: {  	_ =	shalt  }
0x42: {  	_ =	shalt  }
0x43: {  	_ =	shalt  }
0x44: {  	_ =	shalt  }
0x45: {  	_ =	shalt  }
0x46: {  	_ =	shalt  }
0x47: {  	_ =	shalt  }
0x48: {  	_ =	shalt  }
0x49: {  	_ =	shalt  }
0x4a: {  	_ =	shalt  }
0x4b: {  	_ =	shalt  }
0x4c: {  	_ =	shalt  }
0x4d: {  	_ =	shalt  }
0x4e: {  	_ =	shalt  }
0x4f: {  	_ =	shalt  }
0x50: {  	_ =	shalt  }
0x51: {  	_ =	shalt  }
0x52: {  	_ =	shalt  }
0x53: {  	_ =	shalt  }
0x54: {  	_ =	shalt  }
0x55: {  	_ =	shalt  }
0x56: {  	_ =	shalt  }
0x57: {  	_ =	shalt  }
0x58: {  	_ =	shalt  }
0x59: {  	_ =	shalt  }
0x5a: {  	_ =	shalt  }
0x5b: {  	_ =	shalt  }
0x5c: {  	_ =	shalt  }
0x5d: {  	_ =	shalt  }
0x5e: {  	_ =	shalt  }
0x5f: {  	_ =	shalt  }
0x60: {  	_ =	shalt  }
0x61: {  	_ =	shalt  }
0x62: {  	_ =	shalt  }
0x63: {  	_ =	shalt  }
0x64: {  	_ =	shalt  }
0x65: {  	_ =	shalt  }
0x66: {  	_ =	shalt  }
0x67: {  	_ =	shalt  }
0x68: {  	_ =	shalt  }
0x69: {  	_ =	shalt  }
0x6a: {  	_ =	shalt  }
0x6b: {  	_ =	shalt  }
0x6c: {  	_ =	shalt  }
0x6d: {  	_ =	shalt  }
0x6e: {  	_ =	shalt  }
0x6f: {  	_ =	shalt  }
0x70: {  	_ =	shalt  }
0x71: {  	_ =	shalt  }
0x72: {  	_ =	shalt  }
0x73: {  	_ =	shalt  }
0x74: {  	_ =	shalt  }
0x75: {  	_ =	shalt  }
0x76: {  	_ =	shalt  }
0x77: {  	_ =	shalt  }
0x78: {  	_ =	shalt  }
0x79: {  	_ =	shalt  }
0x7a: {  	_ =	shalt  }
0x7b: {  	_ =	shalt  }
0x7c: {  	_ =	shalt  }
0x7d: {  	_ =	shalt  }
0x7e: {  	_ =	shalt  }
0x7f: {  	_ =	shalt  }
0x80: {  	_ =	shalt  }
0x81: {  	_ =	shalt  }
0x82: {  	_ =	shalt  }
0x83: {  	_ =	shalt  }
0x84: {  	_ =	shalt  }
0x85: {  	_ =	shalt  }
0x86: {  	_ =	shalt  }
0x87: {  	_ =	shalt  }
.Lfunc_end0:
.L_simem_size_0:
called_computation.3_lowered:
.L_overlay_start_0:
0x88: {  	s2 =	sld [smem:$0x3FD9]  }
0x89: {  	s3 =	sld [smem:$0x3FFE];
	_ =	sdelay $0x1  }
0x8a: {  	s1 =	srdreg.scid  }
0x8b: {  	s0 =	sand.u32 $0x1, s1  }
0x8c: {  	s16 =	sshll.u32 s0, $0xA;
	s2 =	sadd.s32 s3, s2  }
0x8d: {  	s2 =	sadd.s32 s2, s16  }
0x8e: {  	[smem:$0x3FBD] =	sst s2  }
0x8f: {  	_ = 	snop  }
0x90: {  	(tm) =	ssettm $0x1  }
0x91: {  	s17 =	sld [smem:$0x3FFB];
	_ =	sdelay $0x3  }
0x92: {  	_ =	strace s17  }
0x93: {  	s2 =	sld [smem:$0x3FFC];
	_ =	sdelay $0x3  }
0x94: {  	_ =	strace s2  }
0x95: {  	s2 =	sld [smem:$0x3FFD];
	_ =	sdelay $0x3  }
0x96: {  	_ =	strace s2  }
0x97: {  	_ =	strace $0x8FFFFFFF  }
0x98: {  	s18 =	sld [smem:$0x3FDB];
	_ =	sdelay $0x1  }
0x99: {  	s19 =	simm.s32 $_scs_section_size  }
0x9a: {  	s4 =	simm.s32 $_size__tile_overlayer_lowered;
	s5 =	simm.s32 $_tile_overlayer_lowered  }
0x9b: {  	s22 =	simm.s32 $0x1BFF;
	s21 =	sshll.u32 s5, $0x1;
	s2 =	sadd.s32 s19, s18  }
0x9c: {  	s6 =	simm.s32 $0x0;
	s20 =	sshll.u32 s4, $0x1;
	s4 =	sadd.s32 s21, s2  }
0x9d: {  	[timem:s6], [sflag:s22] =	dma.local [hbm:s4], s20  }
0x9e: {  	_ =	swait.ge [sflag:s22], s20  }
0x9f: {  	s3 =	ssub.s32 $0x0, s20;
	[sflag:s22] =	ssyncset.done $0x0  }
0xa0: {  	[sflag:s22] =	ssyncadd.s32 s3;
	_ =	sdelay $0x1  }
0xa1: {  	s23 =	simm.s32 $0x1B8B  }
0xa2: {  	_ =	swait.ge [sflag:s23], $0x1  }
0xa3: {  	[sflag:s23] =	ssyncset.done $0x0  }
0xa4: {  	s25 =	simm.s32 $0x1B8E;
	s24 =	sld [smem:$0x3FFE];
	[sflag:s23] =	ssyncadd.s32 $0xFFFFFFFF  }
0xa5: {  	s26 =	simm.s32 $execute0_lowered;
	[smem:$0x3FD2] =	sst s25  }
0xa6: {  	s4 =	sshll.u32 s26, $0x1;
	_ =	strace $0x8000004F;
	[dreg:$0x1] =	wrdreg $0xFFFFFFFF  }
0xa7: {  	s28 =	simm.s32 $_size_execute0_lowered;
	s2 =	sadd.s32 s2, s4;
	[dreg:$0x0] =	wrdreg $0x0  }
0xa8: {  	s4 =	sshll.u32 s28, $0x1;
	[dreg:$0x2] =	wrdreg s2  }
0xa9: {  	[dreg:$0x3] =	wrdreg s4  }
0xaa: {  	[dreg:$0x4] =	wrdreg $0xC0  }
0xab: {  	_ =	task [dreg:s6], $0x5FFFF  }
0xac: {  	[dreg:$0x1] =	wrdreg $0xFFFFFFFF  }
0xad: {  	[dreg:$0x0] =	wrdreg $0x60  }
0xae: {  	[dreg:$0x2] =	wrdreg s24  }
0xaf: {  	[dreg:$0x3] =	wrdreg $0x80000  }
0xb0: {  	[dreg:$0x4] =	wrdreg $0x9  }
0xb1: {  	_ =	task.clear_ibuf [dreg:s6], $0x5FFFF;
	_ =	strace $0x9000004F  }
0xb2: {  	s29 =	simm.s32 $0x9;
	_ =	strace $0x80000051  }
0xb3: {  	_ =	swait.ge [sflag:s29], $0x1  }
0xb4: {  	[sflag:s29] =	ssyncadd.s32 $0xFFFFFFFF  }
0xb5: {  	_ =	strace $0x90000051  }
0xb6: {  	_ =	sfence  }
0xb7: {  	s30 =	sld [smem:$0x0];
	_ =	sdelay $0x2  }
0xb8: {  	s31 =	sshll.u32 s1, $0xD;
	s1 =	sshrl.u32 s1, $0x2  }
0xb9: {  	s3 =	sand.u32 $0x4000, s31;
	s1 =	sadd.s32 s1, s30  }
0xba: {  	s0 =	sor.u32 s3, s0;
	s1 =	sshll.u32 s1, $0x11  }
0xbb: {  	s0 =	sor.u32 s1, s0  }
0xbc: {  	s0 =	sadd.s32 $0x8F2B, s0  }
0xbd: {  	[sflag:s0] =	ssyncadd.remote.s32 $0x1  }
0xbe: {  	_ =	sfence.sel $0xFFFF  }
0xbf: {  	[dreg:$0x0] =	wrdreg $0xFFFFFFFF;
	(pc) =	sbr.abs _section_cstart, $3  }
0xc0: {  	[dreg:$0x1] =	wrdreg $0xFFFFFFFF  }
0xc1: {  	_ =	task.clear_ibuf [dreg:s6], $0x2FFFF;
	_ =	strace $0x9FFFFFFF  }
0xc2: {  	(tm) =	ssettm $0x7FFFFFFF  }
0xc3: {  	_ =	shalt  }
tec
execute0_lowered:
.L_overlay_start_1:
0x0: {  	(tag) =	ssettag $0x1  }
0x1: {  	s0 =	srdreg.scid;
	s6 =	rddreg [dreg:$0x0]  }
0x2: {  	s5 =	stileid.u32;
	s2 =	rddreg [dreg:$0x1];
	s3 =	simm.s32 $0x0  }
0x3: {  	s15 =	simm.s32 $0x5000;
	s16 =	simm.s32 $0x5;
	s17 =	simm.s32 $0x2800  }
0x4: {  	s18 =	simm.s32 $0x80;
	s19 =	simm.s32 $0x6000;
	s20 =	simm.s32 $0x1  }
0x5: {  	s21 =	simm.s32 $0x7000;
	s22 =	simm.s32 $0x2;
	s23 =	simm.s32 $0x3  }
0x6: {  	s25 =	simm.s32 $0x2880;
	s28 =	simm.s32 $0x2780;
	s29 =	simm.s32 $0x4F00  }
0x7: {  	s30 =	simm.s32 $0x4F80;
	s31 =	simm.s32 $0x0;
	s7 =	smul.u32 $0xA00, s5  }
0x8: {  	s0 =	sand.u32 $0x1, s0;
	[smem:$0x7FF] =	sst s3;
	s9 =	smul.u32 $0x14000, s5  }
0x9: {  	s4 =	sadd.s32 $0xC800, s6;
	s1 =	sshll.u32 s0, $0x4;
	s8 =	smul.u32 $0xA000, s0  }
0xa: {  	_ =	strace $0x80000050;
	s0 =	ssub.s32 $0x2, s0;
	s1 =	sor.u32 s5, s1  }
0xb: {  	s5 =	sadd.s32 $0x16600, s6;
	s26 =	sshrl.u32 s0, $0x1;
	s9 =	sshrl.u32 s9, $0x2  }
0xc: {  	s1 =	smul.u32 $0x500, s1;
	s7 =	sadd.s32 s7, s8;
	s0 =	ssub.s32 s0, s26  }
0xd: {  	s26 =	simm.s32 $0x4;
	s13 =	sadd.s32 s7, s6;
	s14 =	smax.u32 s0, $0x1  }
0xe: {  	s1 =	sadd.s32 s1, s6;
	s6 =	sadd.s32 s9, s2;
	s13 =	sadd.s32 $0x20C00, s13  }
0xf: {  	s7 =	sadd.s32 $0x1000, s6;
	s8 =	sadd.s32 $0x2000, s6;
	s9 =	sadd.s32 $0x3000, s6  }
0x10: {  	s10 =	sadd.s32 $0x4000, s6;
	s11 =	sadd.s32 $0x16C00, s1;
	s12 =	sadd.s32 $0x2800, s1  }
.LBB2_1:
0x11: {  	[tilespmem:s15], [sflag:$0x5] =	stream.linear.gather [hbm4b:s5+s3], $0x1000, $0x38;
	[tilespmem:$0xD000] =	vst v63  }
0x12: {  	_ =	swait.ge [sflag:s16], $0x1000  }
0x13: {  	[sflag:s16] =	ssyncset.done $0x0  }
0x14: {  	[sflag:s16] =	ssyncadd.s32 $0xFFFFF000  }
0x15: {  	[spmem:s6] =	stream.linear.scatter [tilespmem:s15], [sflag:$0x5], $0x1000, $0x38;
	[tilespmem:$0xD000] =	vst v63  }
0x16: {  	_ =	swait.ge [sflag:s16], $0x1000  }
0x17: {  	[sflag:s16] =	ssyncset.done $0x0  }
0x18: {  	[sflag:s16] =	ssyncadd.s32 $0xFFFFF000  }
0x19: {  	[spmem:s7] =	stream.linear.scatter [tilespmem:s15], [sflag:$0x5], $0x1000, $0x38;
	[tilespmem:$0xD000] =	vst v63  }
0x1a: {  	_ =	swait.ge [sflag:s16], $0x1000  }
0x1b: {  	[sflag:s16] =	ssyncset.done $0x0  }
0x1c: {  	[sflag:s16] =	ssyncadd.s32 $0xFFFFF000  }
0x1d: {  	[spmem:s8] =	stream.linear.scatter [tilespmem:s15], [sflag:$0x5], $0x1000, $0x38;
	[tilespmem:$0xD000] =	vst v63  }
0x1e: {  	_ =	swait.ge [sflag:s16], $0x1000  }
0x1f: {  	[sflag:s16] =	ssyncset.done $0x0  }
0x20: {  	[sflag:s16] =	ssyncadd.s32 $0xFFFFF000  }
0x21: {  	[spmem:s9] =	stream.linear.scatter [tilespmem:s15], [sflag:$0x5], $0x1000, $0x38;
	[tilespmem:$0xD000] =	vst v63  }
0x22: {  	_ =	swait.ge [sflag:s16], $0x1000  }
0x23: {  	[sflag:s16] =	ssyncset.done $0x0  }
0x24: {  	[sflag:s16] =	ssyncadd.s32 $0xFFFFF000  }
0x25: {  	[spmem:s10] =	stream.linear.scatter [tilespmem:s15], [sflag:$0x5], $0x1000, $0x38;
	[tilespmem:$0xD000] =	vst v63  }
0x26: {  	_ =	swait.ge [sflag:s16], $0x1000  }
0x27: {  	[sflag:s16] =	ssyncset.done $0x0  }
0x28: {  	[sflag:s16] =	ssyncadd.s32 $0xFFFFF000  }
0x29: {  	[tilespmem:s3], [sflag:$0x5] =	stream.linear.gather [hbm4b:s11+s3], $0x2800, $0x38;
	[tilespmem:$0xD000] =	vst v63  }
0x2a: {  	_ =	swait.ge [sflag:s16], $0x2800  }
0x2b: {  	[sflag:s16] =	ssyncset.done $0x0  }
0x2c: {  	[sflag:s16] =	ssyncadd.s32 $0xFFFFD800  }
0x2d: {  	[tilespmem:s17], [sflag:$0x5] =	stream.linear.gather [hbm4b:s12+s3], $0x2800, $0x38;
	[tilespmem:$0xD000] =	vst v63  }
0x2e: {  	_ =	swait.ge [sflag:s16], $0x2800  }
0x2f: {  	[sflag:s16] =	ssyncset.done $0x0  }
0x30: {  	[sflag:s16] =	ssyncadd.s32 $0xFFFFD800  }
0x31: {  	[bflag:$0x0] =	sbarrier.arrive $0xFFFF  }
0x32: {  	[tilespmem:s19], [sflag:$0x1] =	stream.indirect.gather [hbm4b:s4+s18], $0x20, s3, s18, $0xb8;
	[tilespmem:$0xD000] =	vst v63  }
0x33: {  	_ =	swait.ge [sflag:s20], $0x1000  }
0x34: {  	[sflag:s20] =	ssyncset.done $0x0  }
0x35: {  	[sflag:s20] =	ssyncadd.s32 $0xFFFFF000  }
0x36: {  	[tilespmem:s21], [sflag:$0x2] =	stream.indirect.gather [hbm4b:s4+s18], $0x20, s18, s18, $0xb8;
	[tilespmem:$0xD000] =	vst v63  }
0x37: {  	_ = 	snop  }
0x38: {  	[spmem:s2] =	stream.indirect.scatter.add.f32 [tilespmem:s19], [sflag:$0x3], $0x20, s17, s18, $0xb8;
	[tilespmem:$0xD000] =	vst v63  }
0x39: {  	_ =	swait.ge [sflag:s22], $0x1000  }
0x3a: {  	[sflag:s22] =	ssyncset.done $0x0  }
0x3b: {  	[sflag:s22] =	ssyncadd.s32 $0xFFFFF000  }
0x3c: {  	_ =	swait.ge [sflag:s23], $0x1000  }
0x3d: {  	[sflag:s23] =	ssyncset.done $0x0  }
0x3e: {  	s0 =	simm.s32 $0x100;
	[sflag:s23] =	ssyncadd.s32 $0xFFFFF000  }
0x3f: {  	[tilespmem:s19], [sflag:$0x1] =	stream.indirect.gather [hbm4b:s4+s18], $0x20, s0, s18, $0xb8;
	[tilespmem:$0xD000] =	vst v63  }
0x40: {  	_ = 	snop  }
0x41: {  	[spmem:s2] =	stream.indirect.scatter.add.f32 [tilespmem:s21], [sflag:$0x4], $0x20, s25, s18, $0xb8;
	[tilespmem:$0xD000] =	vst v63  }
0x42: {  	_ =	swait.ge [sflag:s20], $0x1000  }
0x43: {  	[sflag:s20] =	ssyncset.done $0x0  }
0x44: {  	[sflag:s20] =	ssyncadd.s32 $0xFFFFF000  }
0x45: {  	_ =	swait.ge [sflag:s26], $0x1000  }
0x46: {  	[sflag:s26] =	ssyncset.done $0x0  }
0x47: {  	s24 =	simm.s32 $0x180;
	[sflag:s26] =	ssyncadd.s32 $0xFFFFF000  }
0x48: {  	[tilespmem:s21], [sflag:$0x2] =	stream.indirect.gather [hbm4b:s4+s18], $0x20, s24, s18, $0xb8;
	[tilespmem:$0xD000] =	vst v63  }
0x49: {  	s1 =	simm.s32 $0x2900  }
0x4a: {  	[spmem:s2] =	stream.indirect.scatter.add.f32 [tilespmem:s19], [sflag:$0x3], $0x20, s1, s18, $0xb8;
	[tilespmem:$0xD000] =	vst v63  }
0x4b: {  	_ =	swait.ge [sflag:s22], $0x1000  }
0x4c: {  	[sflag:s22] =	ssyncset.done $0x0  }
0x4d: {  	[sflag:s22] =	ssyncadd.s32 $0xFFFFF000  }
0x4e: {  	_ =	swait.ge [sflag:s23], $0x1000  }
0x4f: {  	s0 =	simm.s32 $0x2980;
	[sflag:s23] =	ssyncset.done $0x0  }
0x50: {  	s24 =	simm.s32 $0x200;
	s1 =	simm.s32 $0xFFFF6C00;
	[sflag:s23] =	ssyncadd.s32 $0xFFFFF000  }
0x51: {  	[tilespmem:s19], [sflag:$0x1] =	stream.indirect.gather [hbm4b:s4+s18], $0x20, s24, s18, $0xb8;
	[tilespmem:$0xD000] =	vst v63  }
.LBB2_2:
0x52: {  	[spmem:s2] =	stream.indirect.scatter.add.f32 [tilespmem:s21], [sflag:$0x4], $0x20, s0, s18, $0xb8;
	[tilespmem:$0xD000] =	vst v63  }
0x53: {  	s0 =	smov.u32 s1  }
0x54: {  	p0 =	sne.s32 s1, $0xFFFFFC00;
	s1 =	sadd.s32 $0x400, s1;
	_ =	swait.ge [sflag:s20], $0x1000  }
0x55: {  	[sflag:s20] =	ssyncset.done $0x0  }
0x56: {  	[sflag:s20] =	ssyncadd.s32 $0xFFFFF000  }
0x57: {  	_ =	swait.ge [sflag:s26], $0x1000  }
0x58: {  	s0 =	sshra.s32 s0, $0x2;
	[sflag:s26] =	ssyncset.done $0x0  }
0x59: {  	s24 =	sadd.s32 $0x2780, s0;
	[sflag:s26] =	ssyncadd.s32 $0xFFFFF000  }
0x5a: {  	[tilespmem:s21], [sflag:$0x2] =	stream.indirect.gather [hbm4b:s4+s18], $0x20, s24, s18, $0xb8;
	[tilespmem:$0xD000] =	vst v63  }
0x5b: {  	s24 =	sadd.s32 $0x4F00, s0  }
0x5c: {  	[spmem:s2] =	stream.indirect.scatter.add.f32 [tilespmem:s19], [sflag:$0x3], $0x20, s24, s18, $0xb8;
	[tilespmem:$0xD000] =	vst v63  }
0x5d: {  	_ =	swait.ge [sflag:s22], $0x1000  }
0x5e: {  	[sflag:s22] =	ssyncset.done $0x0  }
0x5f: {  	[sflag:s22] =	ssyncadd.s32 $0xFFFFF000  }
.Ltmp0:
0x60: {  	_ =	swait.ge [sflag:s23], $0x1000;
	(pc) =	sbr.rel @p0 .LBB2_2-.Ltmp0, $4  }
0x61: {  	[sflag:s23] =	ssyncset.done $0x0  }
0x62: {  	s24 =	sadd.s32 $0x2800, s0;
	[sflag:s23] =	ssyncadd.s32 $0xFFFFF000  }
0x63: {  	[tilespmem:s19], [sflag:$0x1] =	stream.indirect.gather [hbm4b:s4+s18], $0x20, s24, s18, $0xb8;
	[tilespmem:$0xD000] =	vst v63  }
0x64: {  	s0 =	sadd.s32 $0x4F80, s0  }
0x65: {  	[spmem:s2] =	stream.indirect.scatter.add.f32 [tilespmem:s21], [sflag:$0x4], $0x20, s0, s18, $0xb8;
	[tilespmem:$0xD000] =	vst v63  }
0x66: {  	_ =	swait.ge [sflag:s20], $0x1000  }
0x67: {  	[sflag:s20] =	ssyncset.done $0x0  }
0x68: {  	[sflag:s20] =	ssyncadd.s32 $0xFFFFF000  }
0x69: {  	_ =	swait.ge [sflag:s26], $0x1000  }
0x6a: {  	[sflag:s26] =	ssyncset.done $0x0  }
0x6b: {  	[sflag:s26] =	ssyncadd.s32 $0xFFFFF000  }
0x6c: {  	[tilespmem:s21], [sflag:$0x2] =	stream.indirect.gather [hbm4b:s4+s18], $0x20, s28, s18, $0xb8;
	[tilespmem:$0xD000] =	vst v63  }
0x6d: {  	_ = 	snop  }
0x6e: {  	[spmem:s2] =	stream.indirect.scatter.add.f32 [tilespmem:s19], [sflag:$0x3], $0x20, s29, s18, $0xb8;
	[tilespmem:$0xD000] =	vst v63  }
0x6f: {  	_ =	swait.ge [sflag:s22], $0x1000  }
0x70: {  	[sflag:s22] =	ssyncset.done $0x0  }
0x71: {  	[sflag:s22] =	ssyncadd.s32 $0xFFFFF000  }
0x72: {  	_ =	swait.ge [sflag:s23], $0x1000  }
0x73: {  	[sflag:s23] =	ssyncset.done $0x0  }
0x74: {  	[sflag:s23] =	ssyncadd.s32 $0xFFFFF000  }
0x75: {  	[tilespmem:s19], [sflag:$0x1] =	stream.indirect.gather [hbm4b:s4+s18], $0x20, s28, s18, $0xb8;
	[tilespmem:$0xD000] =	vst v63  }
0x76: {  	_ = 	snop  }
0x77: {  	[spmem:s2] =	stream.indirect.scatter.add.f32 [tilespmem:s21], [sflag:$0x4], $0x20, s30, s18, $0xb8;
	[tilespmem:$0xD000] =	vst v63  }
0x78: {  	_ =	swait.ge [sflag:s20], $0x1000  }
0x79: {  	[sflag:s20] =	ssyncset.done $0x0  }
0x7a: {  	[sflag:s20] =	ssyncadd.s32 $0xFFFFF000  }
0x7b: {  	s24 =	stileid.u32;
	_ =	swait.ge [sflag:s26], $0x1000  }
0x7c: {  	s1 =	sshrl.u32 s6, $0x3;
	s31 =	sadd.s32 $0x1, s31;
	[sflag:s26] =	ssyncset.done $0x0  }
0x7d: {  	s0 =	sshll.u32 s24, $0x6;
	p0 =	sne.s32 s31, s14;
	[sflag:s26] =	ssyncadd.s32 $0xFFFFF000  }
.Ltmp1:
0x7e: {  	s0 =	sor.u32 $0x1C05, s0;
	[bflag:$0x0] =	sbarrier.arrive $0xFFFF;
	(pc) =	sbr.rel @p0 .LBB2_1-.Ltmp1, $4  }
0x7f: {  	[hbm:s13], [sflag:s0] =	dma.local [spmem:s1], $0xA00  }
0x80: {  	_ =	swait.ge [sflag:s16], $0xA00  }
0x81: {  	[sflag:s16] =	ssyncset.done $0x0  }
0x82: {  	[sflag:s16] =	ssyncadd.s32 $0xFFFFF600  }
0x83: {  	_ =	sfence.sel $0x180000  }
0x84: {  	[bflag:$0x0] =	sbarrier.arrive $0xFFFF  }
0x85: {  	_ =	strace $0x90000050  }
0x86: {  	s0 =	stileid.u32;
	[bflag:$0x2] =	sbarrier.arrive $0xFFFF  }
0x87: {  	p0 =	sne.s32 s0, $0x0;
	s0 =	rddreg [dreg:$0x2]  }
0x88: {  	s0 =	sadd.s32 @!p0 $0x100000, s0  }
0x89: {  	[sflag:s0] =	ssyncadd.tile.s32 @!p0 $0x1;
	_ =	shalt  }
.Lfunc_end2:
_tile_overlayer_lowered:
.L_overlay_start_2:
0x8a: {  	(tag) =	ssettag $0x2  }
0x8b: {  	s0 =	rddreg [dreg:$0x0];
	s2 =	stileid.u32  }
0x8c: {  	s1 =	rddreg [dreg:$0x1];
	p0 =	sne.s32 s2, $0x0  }
0x8d: {  	s3 =	rddreg [dreg:$0x2];
	[bflag:$0x3] =	sbarrier.arrive $0xFFFF;
	s2 =	simm.s32 @!p0 $0x1C05  }
0x8e: {  	[timem:s3], [sflag:s2] =	dma.local @!p0 [hbm:s0], s1  }
0x8f: {  	s0 =	simm.s32 @!p0 $0x5  }
0x90: {  	_ =	swait.ge @!p0 [sflag:s0], s1  }
0x91: {  	s1 =	ssub.s32 @!p0 $0x0, s1;
	[sflag:s0] =	ssyncset.done @!p0 $0x0  }
0x92: {  	[sflag:s0] =	ssyncadd.s32 @!p0 s1  }
0x93: {  	[bflag:$0x3] =	sbarrier.arrive $0xFFFF  }
0x94: {  	_ =	shalt  }

</sc_bundles>
